<compile_context>
chip_gen: v7x
topology: tpu7x:2x2x1
jax: 0.10.2.dev20260603
libtpu: 0.0.44.dev20260713+nightly
codegen_flags: <defaults>
</compile_context>

<pallas_src>
import functools

import jax
import jax.numpy as jnp
from jax import lax
from jax.experimental import pallas as pl
from jax.experimental.pallas import tpu as pltpu
from jax.experimental.pallas import tpu_sc as plsc

L = 16
NW = 32
Z, X0, X1, X2 = 64, 128, 128, 128
P1, P2, P3 = 64, 128, 256
N = 50000
TCB = 512
NTB = 70
NT = NTB * TCB
NS = N - NT
R = 7
GW = R * L
NG = -(-NS // GW)
GPW = -(-NG // NW)
NP = NG * GW
GB = X1 * GW



def _sc_body(x0t_hbm, i0_hbm, x1p_hbm,
             t1w_h, t1j1_h, t1o_h, t1c_h,
             t2w_h, t2j1_h, t2j2_h, t2o_h, t2c_h,
             t3w_h, t3j1_h, t3j2_h, t3j3_h, t3o_h, t3c_h,
             out_hbm,
             x0t_v, x0g_v, i0_v, x1_v, out_v,
             t1w, t1j1, t1o, t1c,
             t2w, t2j1, t2j2, t2o, t2c,
             t3w, t3j1, t3j2, t3j3, t3o, t3c):
    c = lax.axis_index("c")
    s = lax.axis_index("s")
    wid = s * 2 + c

    pltpu.sync_copy(x0t_hbm, x0t_v)
    for src, dst in ((t1w_h, t1w), (t1j1_h, t1j1), (t1o_h, t1o), (t1c_h, t1c),
                     (t2w_h, t2w), (t2j1_h, t2j1), (t2j2_h, t2j2),
                     (t2o_h, t2o), (t2c_h, t2c),
                     (t3w_h, t3w), (t3j1_h, t3j1), (t3j2_h, t3j2),
                     (t3j3_h, t3j3), (t3o_h, t3o), (t3c_h, t3c)):
        pltpu.sync_copy(src, dst)

    g0 = wid * GPW
    i0base = jnp.minimum(g0 * GW, NP - GPW * GW)
    pltpu.sync_copy(i0_hbm.at[pl.ds(i0base, GPW * GW)], i0_v)

    zero16 = jnp.zeros((L,), jnp.float32)

    def sb_body(sb, _):
        g = jnp.minimum(g0 + sb, NG - 1)
        rel = g * GW - i0base
        pltpu.sync_copy(x1p_hbm.at[pl.ds(g * GB, GB)], x1_v)
        i0v = [i0_v[pl.ds(rel + r * L, L)] for r in range(R)]

        @plsc.parallel_loop(0, X0, 1, unroll=2)
        def _pre(w):
            zbase = w * Z
            obase = w * GW
            for r in range(R):
                row = plsc.load_gather(x0t_v, [zbase + i0v[r]])
                x0g_v[pl.ds(obase + r * L, L)] = row

        @plsc.parallel_loop(0, GB, L, unroll=8)
        def _z(k):
            out_v[pl.ds(k, L)] = zero16

        @plsc.parallel_loop(0, P1 * L, L, unroll=2)
        def _p1(b):
            wv = t1w[pl.ds(b, L)]
            j1 = t1j1[pl.ds(b, L)]
            ov = t1o[pl.ds(b, L)]
            cv = t1c[pl.ds(b, L)]
            for r in range(R):
                a = plsc.load_gather(x0g_v, [wv + (r * L)])
                v = (cv * a) * plsc.load_gather(x1_v, [j1 + (r * L)])
                plsc.addupdate_scatter(out_v, [ov + (r * L)], v)

        @plsc.parallel_loop(0, P2 * L, L, unroll=2)
        def _p2(b):
            wv = t2w[pl.ds(b, L)]
            j1 = t2j1[pl.ds(b, L)]
            j2 = t2j2[pl.ds(b, L)]
            ov = t2o[pl.ds(b, L)]
            cv = t2c[pl.ds(b, L)]
            for r in range(R):
                a = plsc.load_gather(x0g_v, [wv + (r * L)])
                v = ((cv * a) * plsc.load_gather(x1_v, [j1 + (r * L)])
                     * plsc.load_gather(x1_v, [j2 + (r * L)]))
                plsc.addupdate_scatter(out_v, [ov + (r * L)], v)

        @plsc.parallel_loop(0, P3 * L, L, unroll=2)
        def _p3(b):
            wv = t3w[pl.ds(b, L)]
            j1 = t3j1[pl.ds(b, L)]
            j2 = t3j2[pl.ds(b, L)]
            j3 = t3j3[pl.ds(b, L)]
            ov = t3o[pl.ds(b, L)]
            cv = t3c[pl.ds(b, L)]
            for r in range(R):
                a = plsc.load_gather(x0g_v, [wv + (r * L)])
                v = ((cv * a) * plsc.load_gather(x1_v, [j1 + (r * L)])
                     * (plsc.load_gather(x1_v, [j2 + (r * L)])
                        * plsc.load_gather(x1_v, [j3 + (r * L)])))
                plsc.addupdate_scatter(out_v, [ov + (r * L)], v)

        pltpu.sync_copy(out_v, out_hbm.at[pl.ds(g * GB, GB)])
        return 0

    lax.fori_loop(0, GPW, sb_body, 0)


def _sc_part(x0, i0_tail, x1_tail, idx1, coeff1, idx2, coeff2, idx3, coeff3):
    f32, i32 = jnp.float32, jnp.int32
    lane = jnp.arange(L, dtype=i32)

    def flat(j):
        return (lane[None, :] + GW * j[:, None].astype(i32)).reshape(-1)

    def splat(v):
        return jnp.broadcast_to(v[:, None], (v.shape[0], L)).reshape(-1)

    x1p = jnp.pad(x1_tail, ((0, NP - NS), (0, 0))).reshape(NG, GW, X1)
    x1p = jnp.transpose(x1p, (0, 2, 1)).reshape(-1)

    args = [
        x0.T.reshape(-1), jnp.pad(i0_tail, (0, NP - NS)), x1p,
        flat(idx1[:, 0]), flat(idx1[:, 1]), flat(idx1[:, 2]),
        splat(coeff1),
        flat(idx2[:, 0]), flat(idx2[:, 1]), flat(idx2[:, 2]),
        flat(idx2[:, 3]), splat(coeff2),
        flat(idx3[:, 0]), flat(idx3[:, 1]), flat(idx3[:, 2]),
        flat(idx3[:, 3]), flat(idx3[:, 4]), splat(coeff3),
    ]

    run = pl.kernel(
        _sc_body,
        out_type=jax.ShapeDtypeStruct((NG * GB,), f32),
        mesh=plsc.VectorSubcoreMesh(core_axis_name="c", subcore_axis_name="s"),
        compiler_params=pltpu.CompilerParams(needs_layout_passes=False),
        scratch_types=[
            pltpu.VMEM((Z * X0,), f32),
            pltpu.VMEM((X0 * GW,), f32),
            pltpu.VMEM((GPW * GW,), i32),
            pltpu.VMEM((GB,), f32),
            pltpu.VMEM((GB,), f32),
            pltpu.VMEM((P1 * L,), i32), pltpu.VMEM((P1 * L,), i32),
            pltpu.VMEM((P1 * L,), i32), pltpu.VMEM((P1 * L,), f32),
            pltpu.VMEM((P2 * L,), i32), pltpu.VMEM((P2 * L,), i32),
            pltpu.VMEM((P2 * L,), i32), pltpu.VMEM((P2 * L,), i32),
            pltpu.VMEM((P2 * L,), f32),
            pltpu.VMEM((P3 * L,), i32), pltpu.VMEM((P3 * L,), i32),
            pltpu.VMEM((P3 * L,), i32), pltpu.VMEM((P3 * L,), i32),
            pltpu.VMEM((P3 * L,), i32), pltpu.VMEM((P3 * L,), f32),
        ],
    )
    outp = run(*args)
    out = jnp.transpose(outp.reshape(NG, X2, GW), (0, 2, 1)).reshape(NP, X2)
    return out[:NS]



def _onehot_cols(idx, depth, dtype=jnp.float32):
    return (idx[None, :] == jnp.arange(depth, dtype=idx.dtype)[:, None]).astype(dtype)


def _tc_body(x0_ref, i0_ref, x1_ref,
             gw1_ref, gj1_ref, s1_ref,
             gw2_ref, ga2_ref, gb2_ref, s2_ref,
             gw3_ref, ga3_ref, gb3_ref, gc3_ref, s3_ref,
             out_ref):
    f32 = jnp.float32
    x1 = x1_ref[...]
    i0 = i0_ref[0, 0, :]
    oh = (i0[:, None] == jax.lax.broadcasted_iota(jnp.int32, (1, Z), 1)).astype(f32)
    x0g = jnp.dot(oh, x0_ref[...], preferred_element_type=f32)

    def deg(gw, *gjs_and_s):
        gjs, sm = gjs_and_s[:-1], gjs_and_s[-1]
        v = jnp.dot(x0g, gw, preferred_element_type=f32)
        for gj in gjs:
            v = v * jnp.dot(x1, gj, preferred_element_type=f32)
        return jnp.dot(v, sm, preferred_element_type=f32)

    acc = deg(gw1_ref[...], gj1_ref[...], s1_ref[...])
    acc += deg(gw2_ref[...], ga2_ref[...], gb2_ref[...], s2_ref[...])
    acc += deg(gw3_ref[...], ga3_ref[...], gb3_ref[...], gc3_ref[...], s3_ref[...])
    out_ref[...] = acc


def _tc_part(x0, i0, x1, idx1, coeff1, idx2, coeff2, idx3, coeff3):
    gw1 = _onehot_cols(idx1[:, 0], X0)
    gj1 = _onehot_cols(idx1[:, 1], X1)
    s1 = _onehot_cols(idx1[:, 2], X2).T * coeff1[:, None]
    gw2 = _onehot_cols(idx2[:, 0], X0)
    ga2 = _onehot_cols(idx2[:, 1], X1)
    gb2 = _onehot_cols(idx2[:, 2], X1)
    s2 = _onehot_cols(idx2[:, 3], X2).T * coeff2[:, None]
    gw3 = _onehot_cols(idx3[:, 0], X0)
    ga3 = _onehot_cols(idx3[:, 1], X1)
    gb3 = _onehot_cols(idx3[:, 2], X1)
    gc3 = _onehot_cols(idx3[:, 3], X1)
    s3 = _onehot_cols(idx3[:, 4], X2).T * coeff3[:, None]

    i0_3d = i0[:NT].reshape(NTB, 1, TCB)

    full = lambda shape: pl.BlockSpec(shape, lambda b: (0,) * len(shape))
    return pl.pallas_call(
        _tc_body,
        grid=(NTB,),
        in_specs=[
            full((Z, X0)),
            pl.BlockSpec((1, 1, TCB), lambda b: (b, 0, 0)),
            pl.BlockSpec((TCB, X1), lambda b: (b, 0)),
            full((X0, 64)), full((X1, 64)), full((64, X2)),
            full((X0, 128)), full((X1, 128)), full((X1, 128)), full((128, X2)),
            full((X0, 256)), full((X1, 256)), full((X1, 256)), full((X1, 256)),
            full((256, X2)),
        ],
        out_specs=pl.BlockSpec((TCB, X2), lambda b: (b, 0)),
        out_shape=jax.ShapeDtypeStruct((NT, X2), x1.dtype),
    )(x0, i0_3d, x1,
      gw1, gj1, s1, gw2, ga2, gb2, s2, gw3, ga3, gb3, gc3, s3)


@jax.jit
def kernel(x0, i0, x1, idx1, coeff1, idx2, coeff2, idx3, coeff3):
    out_tc = _tc_part(x0, i0, x1, idx1, coeff1, idx2, coeff2, idx3, coeff3)
    out_sc = _sc_part(x0, i0[NT:], x1[NT:], idx1, coeff1, idx2, coeff2,
                      idx3, coeff3)
    return jnp.concatenate([out_tc, out_sc], axis=0)

# --- scband reference (transcript-rebuilt; emitter-appended) ---
"""Pipeline reference for scband-iweighted-symmetric-tensor-product-52879637348695 (READ-ONLY COPY).

The authoritative reference and input builder live on the scoring server;
editing this copy changes nothing except your own understanding.
"""

import jax, jax.numpy as jnp
import numpy as np

Z, X0, X1, X2, N = 64, 128, 128, 128, 50000
P1, P2, P3 = 64, 128, 256


def _make_paths():
    rng = np.random.default_rng(0)
    idx1 = np.stack([rng.integers(0, X0, P1), rng.integers(0, X1, P1), rng.integers(0, X2, P1)], axis=1).astype(np.int32)
    j2 = np.sort(rng.integers(0, X1, (P2, 2)), axis=1)
    idx2 = np.concatenate([rng.integers(0, X0, (P2, 1)), j2, rng.integers(0, X2, (P2, 1))], axis=1).astype(np.int32)
    j3 = np.sort(rng.integers(0, X1, (P3, 3)), axis=1)
    idx3 = np.concatenate([rng.integers(0, X0, (P3, 1)), j3, rng.integers(0, X2, (P3, 1))], axis=1).astype(np.int32)
    c1 = (rng.standard_normal(P1) / np.sqrt(P1)).astype(np.float32)
    c2 = (rng.standard_normal(P2) / np.sqrt(P2)).astype(np.float32)
    c3 = (rng.standard_normal(P3) / np.sqrt(P3)).astype(np.float32)
    return idx1, c1, idx2, c2, idx3, c3


def setup_inputs(seed: int = 0) -> dict:
    key = jax.random.key(seed)
    k0, k1, k2 = jax.random.split(key, 3)
    x0 = jax.random.normal(k0, (Z, X0), dtype=jnp.float32)
    i0 = jax.random.randint(k1, (N,), 0, Z, dtype=jnp.int32)
    x1 = jax.random.normal(k2, (N, X1), dtype=jnp.float32)
    idx1, c1, idx2, c2, idx3, c3 = _make_paths()
    return {
        'x0': x0, 'i0': i0, 'x1': x1,
        'idx1': jnp.asarray(idx1), 'coeff1': jnp.asarray(c1),
        'idx2': jnp.asarray(idx2), 'coeff2': jnp.asarray(c2),
        'idx3': jnp.asarray(idx3), 'coeff3': jnp.asarray(c3),
    }


def reference(x0, i0, x1, idx1, coeff1, idx2, coeff2, idx3, coeff3):
    # Indexed weighted symmetric tensor product:
    #   out[b, o] = sum_paths coeff * x0[i0[b], w] * prod_k x1[b, j_k]
    # degrees 1..3 (correlation orders), with symmetric (sorted) x1 indices
    # for identical operands, matching IWeightedSymmetricTensorProduct.
    x0g = jnp.take(x0, i0, axis=0)  # gather: [N, X0]
    out = jnp.zeros((x1.shape[0], X2), dtype=x1.dtype)
    # degree 1
    w, j1, o = idx1[:, 0], idx1[:, 1], idx1[:, 2]
    vals = coeff1[None, :] * x0g[:, w] * x1[:, j1]
    out = out.at[:, o].add(vals)
    # degree 2
    w, j1, j2, o = idx2[:, 0], idx2[:, 1], idx2[:, 2], idx2[:, 3]
    vals = coeff2[None, :] * x0g[:, w] * x1[:, j1] * x1[:, j2]
    out = out.at[:, o].add(vals)
    # degree 3
    w, j1, j2, j3, o = idx3[:, 0], idx3[:, 1], idx3[:, 2], idx3[:, 3], idx3[:, 4]
    vals = coeff3[None, :] * x0g[:, w] * x1[:, j1] * x1[:, j2] * x1[:, j3]
    out = out.at[:, o].add(vals)
    return out

if __name__ == "__main__":
    import jax
    _d = setup_inputs()
    print(jax.jit(kernel)(*tuple(_d.values())))

</pallas_src>

<mosaic_0001>
#map = affine_map<(d0, d1) -> (0)>
module attributes {stable_mosaic.version = 14 : i64} {
  func.func @_sc_body(%arg0: i32, %arg1: i32, %arg2: memref<8192xf32, #tpu.memory_space<hbm>>, %arg3: memref<14224xi32, #tpu.memory_space<hbm>>, %arg4: memref<1820672xf32, #tpu.memory_space<hbm>>, %arg5: memref<1024xi32, #tpu.memory_space<hbm>>, %arg6: memref<1024xi32, #tpu.memory_space<hbm>>, %arg7: memref<1024xi32, #tpu.memory_space<hbm>>, %arg8: memref<1024xf32, #tpu.memory_space<hbm>>, %arg9: memref<2048xi32, #tpu.memory_space<hbm>>, %arg10: memref<2048xi32, #tpu.memory_space<hbm>>, %arg11: memref<2048xi32, #tpu.memory_space<hbm>>, %arg12: memref<2048xi32, #tpu.memory_space<hbm>>, %arg13: memref<2048xf32, #tpu.memory_space<hbm>>, %arg14: memref<4096xi32, #tpu.memory_space<hbm>>, %arg15: memref<4096xi32, #tpu.memory_space<hbm>>, %arg16: memref<4096xi32, #tpu.memory_space<hbm>>, %arg17: memref<4096xi32, #tpu.memory_space<hbm>>, %arg18: memref<4096xi32, #tpu.memory_space<hbm>>, %arg19: memref<4096xf32, #tpu.memory_space<hbm>>, %arg20: memref<1820672xf32, #tpu.memory_space<hbm>>, %arg21: memref<8192xf32, #tpu.memory_space<vmem>>, %arg22: memref<14336xf32, #tpu.memory_space<vmem>>, %arg23: memref<448xi32, #tpu.memory_space<vmem>>, %arg24: memref<14336xf32, #tpu.memory_space<vmem>>, %arg25: memref<14336xf32, #tpu.memory_space<vmem>>, %arg26: memref<1024xi32, #tpu.memory_space<vmem>>, %arg27: memref<1024xi32, #tpu.memory_space<vmem>>, %arg28: memref<1024xi32, #tpu.memory_space<vmem>>, %arg29: memref<1024xf32, #tpu.memory_space<vmem>>, %arg30: memref<2048xi32, #tpu.memory_space<vmem>>, %arg31: memref<2048xi32, #tpu.memory_space<vmem>>, %arg32: memref<2048xi32, #tpu.memory_space<vmem>>, %arg33: memref<2048xi32, #tpu.memory_space<vmem>>, %arg34: memref<2048xf32, #tpu.memory_space<vmem>>, %arg35: memref<4096xi32, #tpu.memory_space<vmem>>, %arg36: memref<4096xi32, #tpu.memory_space<vmem>>, %arg37: memref<4096xi32, #tpu.memory_space<vmem>>, %arg38: memref<4096xi32, #tpu.memory_space<vmem>>, %arg39: memref<4096xi32, #tpu.memory_space<vmem>>, %arg40: memref<4096xf32, #tpu.memory_space<vmem>>) attributes {dimension_semantics = [#tpu.dimension_semantics<core_parallel>, #tpu.dimension_semantics<subcore_parallel>], iteration_bounds = array<i64: 2, 16>, scalar_prefetch = 0 : i64, scratch_operands = 20 : i64, tpu.core_type = #tpu.core_type<sc_vector_subcore>, window_params = [{transform_indices = #map}, {transform_indices = #map}, {transform_indices = #map}, {transform_indices = #map}, {transform_indices = #map}, {transform_indices = #map}, {transform_indices = #map}, {transform_indices = #map}, {transform_indices = #map}, {transform_indices = #map}, {transform_indices = #map}, {transform_indices = #map}, {transform_indices = #map}, {transform_indices = #map}, {transform_indices = #map}, {transform_indices = #map}, {transform_indices = #map}, {transform_indices = #map}, {transform_indices = #map}]} {
    %mul3A = arith.constant 2 : i32
    %mul3A_0 = arith.muli %arg1, %mul3A : i32
    %add3A = arith.addi %mul3A_0, %arg0 : i32
    "tpu.region"() ({
      %run_scoped3A = tpu.sem_alloc : memref<!tpu.dma_semaphore, #tpu.memory_space<semaphore_mem>>
      tpu.enqueue_dma source(%arg2 : memref<8192xf32, #tpu.memory_space<hbm>>) target(%arg21 : memref<8192xf32, #tpu.memory_space<vmem>>) target_semaphore(%run_scoped3A : memref<!tpu.dma_semaphore, #tpu.memory_space<semaphore_mem>>)
      tpu.wait_dma2 semaphore(%run_scoped3A : memref<!tpu.dma_semaphore, #tpu.memory_space<semaphore_mem>>) src(%arg2 : memref<8192xf32, #tpu.memory_space<hbm>>) dst(%arg21 : memref<8192xf32, #tpu.memory_space<vmem>>)
      tpu.yield
    }) : () -> ()
    "tpu.region"() ({
      %run_scoped3A = tpu.sem_alloc : memref<!tpu.dma_semaphore, #tpu.memory_space<semaphore_mem>>
      tpu.enqueue_dma source(%arg5 : memref<1024xi32, #tpu.memory_space<hbm>>) target(%arg26 : memref<1024xi32, #tpu.memory_space<vmem>>) target_semaphore(%run_scoped3A : memref<!tpu.dma_semaphore, #tpu.memory_space<semaphore_mem>>)
      tpu.wait_dma2 semaphore(%run_scoped3A : memref<!tpu.dma_semaphore, #tpu.memory_space<semaphore_mem>>) src(%arg5 : memref<1024xi32, #tpu.memory_space<hbm>>) dst(%arg26 : memref<1024xi32, #tpu.memory_space<vmem>>)
      tpu.yield
    }) : () -> ()
    "tpu.region"() ({
      %run_scoped3A = tpu.sem_alloc : memref<!tpu.dma_semaphore, #tpu.memory_space<semaphore_mem>>
      tpu.enqueue_dma source(%arg6 : memref<1024xi32, #tpu.memory_space<hbm>>) target(%arg27 : memref<1024xi32, #tpu.memory_space<vmem>>) target_semaphore(%run_scoped3A : memref<!tpu.dma_semaphore, #tpu.memory_space<semaphore_mem>>)
      tpu.wait_dma2 semaphore(%run_scoped3A : memref<!tpu.dma_semaphore, #tpu.memory_space<semaphore_mem>>) src(%arg6 : memref<1024xi32, #tpu.memory_space<hbm>>) dst(%arg27 : memref<1024xi32, #tpu.memory_space<vmem>>)
      tpu.yield
    }) : () -> ()
    "tpu.region"() ({
      %run_scoped3A = tpu.sem_alloc : memref<!tpu.dma_semaphore, #tpu.memory_space<semaphore_mem>>
      tpu.enqueue_dma source(%arg7 : memref<1024xi32, #tpu.memory_space<hbm>>) target(%arg28 : memref<1024xi32, #tpu.memory_space<vmem>>) target_semaphore(%run_scoped3A : memref<!tpu.dma_semaphore, #tpu.memory_space<semaphore_mem>>)
      tpu.wait_dma2 semaphore(%run_scoped3A : memref<!tpu.dma_semaphore, #tpu.memory_space<semaphore_mem>>) src(%arg7 : memref<1024xi32, #tpu.memory_space<hbm>>) dst(%arg28 : memref<1024xi32, #tpu.memory_space<vmem>>)
      tpu.yield
    }) : () -> ()
    "tpu.region"() ({
      %run_scoped3A = tpu.sem_alloc : memref<!tpu.dma_semaphore, #tpu.memory_space<semaphore_mem>>
      tpu.enqueue_dma source(%arg8 : memref<1024xf32, #tpu.memory_space<hbm>>) target(%arg29 : memref<1024xf32, #tpu.memory_space<vmem>>) target_semaphore(%run_scoped3A : memref<!tpu.dma_semaphore, #tpu.memory_space<semaphore_mem>>)
      tpu.wait_dma2 semaphore(%run_scoped3A : memref<!tpu.dma_semaphore, #tpu.memory_space<semaphore_mem>>) src(%arg8 : memref<1024xf32, #tpu.memory_space<hbm>>) dst(%arg29 : memref<1024xf32, #tpu.memory_space<vmem>>)
      tpu.yield
    }) : () -> ()
    "tpu.region"() ({
      %run_scoped3A = tpu.sem_alloc : memref<!tpu.dma_semaphore, #tpu.memory_space<semaphore_mem>>
      tpu.enqueue_dma source(%arg9 : memref<2048xi32, #tpu.memory_space<hbm>>) target(%arg30 : memref<2048xi32, #tpu.memory_space<vmem>>) target_semaphore(%run_scoped3A : memref<!tpu.dma_semaphore, #tpu.memory_space<semaphore_mem>>)
      tpu.wait_dma2 semaphore(%run_scoped3A : memref<!tpu.dma_semaphore, #tpu.memory_space<semaphore_mem>>) src(%arg9 : memref<2048xi32, #tpu.memory_space<hbm>>) dst(%arg30 : memref<2048xi32, #tpu.memory_space<vmem>>)
      tpu.yield
    }) : () -> ()
    "tpu.region"() ({
      %run_scoped3A = tpu.sem_alloc : memref<!tpu.dma_semaphore, #tpu.memory_space<semaphore_mem>>
      tpu.enqueue_dma source(%arg10 : memref<2048xi32, #tpu.memory_space<hbm>>) target(%arg31 : memref<2048xi32, #tpu.memory_space<vmem>>) target_semaphore(%run_scoped3A : memref<!tpu.dma_semaphore, #tpu.memory_space<semaphore_mem>>)
      tpu.wait_dma2 semaphore(%run_scoped3A : memref<!tpu.dma_semaphore, #tpu.memory_space<semaphore_mem>>) src(%arg10 : memref<2048xi32, #tpu.memory_space<hbm>>) dst(%arg31 : memref<2048xi32, #tpu.memory_space<vmem>>)
      tpu.yield
    }) : () -> ()
    "tpu.region"() ({
      %run_scoped3A = tpu.sem_alloc : memref<!tpu.dma_semaphore, #tpu.memory_space<semaphore_mem>>
      tpu.enqueue_dma source(%arg11 : memref<2048xi32, #tpu.memory_space<hbm>>) target(%arg32 : memref<2048xi32, #tpu.memory_space<vmem>>) target_semaphore(%run_scoped3A : memref<!tpu.dma_semaphore, #tpu.memory_space<semaphore_mem>>)
      tpu.wait_dma2 semaphore(%run_scoped3A : memref<!tpu.dma_semaphore, #tpu.memory_space<semaphore_mem>>) src(%arg11 : memref<2048xi32, #tpu.memory_space<hbm>>) dst(%arg32 : memref<2048xi32, #tpu.memory_space<vmem>>)
      tpu.yield
    }) : () -> ()
    "tpu.region"() ({
      %run_scoped3A = tpu.sem_alloc : memref<!tpu.dma_semaphore, #tpu.memory_space<semaphore_mem>>
      tpu.enqueue_dma source(%arg12 : memref<2048xi32, #tpu.memory_space<hbm>>) target(%arg33 : memref<2048xi32, #tpu.memory_space<vmem>>) target_semaphore(%run_scoped3A : memref<!tpu.dma_semaphore, #tpu.memory_space<semaphore_mem>>)
      tpu.wait_dma2 semaphore(%run_scoped3A : memref<!tpu.dma_semaphore, #tpu.memory_space<semaphore_mem>>) src(%arg12 : memref<2048xi32, #tpu.memory_space<hbm>>) dst(%arg33 : memref<2048xi32, #tpu.memory_space<vmem>>)
      tpu.yield
    }) : () -> ()
    "tpu.region"() ({
      %run_scoped3A = tpu.sem_alloc : memref<!tpu.dma_semaphore, #tpu.memory_space<semaphore_mem>>
      tpu.enqueue_dma source(%arg13 : memref<2048xf32, #tpu.memory_space<hbm>>) target(%arg34 : memref<2048xf32, #tpu.memory_space<vmem>>) target_semaphore(%run_scoped3A : memref<!tpu.dma_semaphore, #tpu.memory_space<semaphore_mem>>)
      tpu.wait_dma2 semaphore(%run_scoped3A : memref<!tpu.dma_semaphore, #tpu.memory_space<semaphore_mem>>) src(%arg13 : memref<2048xf32, #tpu.memory_space<hbm>>) dst(%arg34 : memref<2048xf32, #tpu.memory_space<vmem>>)
      tpu.yield
    }) : () -> ()
    "tpu.region"() ({
      %run_scoped3A = tpu.sem_alloc : memref<!tpu.dma_semaphore, #tpu.memory_space<semaphore_mem>>
      tpu.enqueue_dma source(%arg14 : memref<4096xi32, #tpu.memory_space<hbm>>) target(%arg35 : memref<4096xi32, #tpu.memory_space<vmem>>) target_semaphore(%run_scoped3A : memref<!tpu.dma_semaphore, #tpu.memory_space<semaphore_mem>>)
      tpu.wait_dma2 semaphore(%run_scoped3A : memref<!tpu.dma_semaphore, #tpu.memory_space<semaphore_mem>>) src(%arg14 : memref<4096xi32, #tpu.memory_space<hbm>>) dst(%arg35 : memref<4096xi32, #tpu.memory_space<vmem>>)
      tpu.yield
    }) : () -> ()
    "tpu.region"() ({
      %run_scoped3A = tpu.sem_alloc : memref<!tpu.dma_semaphore, #tpu.memory_space<semaphore_mem>>
      tpu.enqueue_dma source(%arg15 : memref<4096xi32, #tpu.memory_space<hbm>>) target(%arg36 : memref<4096xi32, #tpu.memory_space<vmem>>) target_semaphore(%run_scoped3A : memref<!tpu.dma_semaphore, #tpu.memory_space<semaphore_mem>>)
      tpu.wait_dma2 semaphore(%run_scoped3A : memref<!tpu.dma_semaphore, #tpu.memory_space<semaphore_mem>>) src(%arg15 : memref<4096xi32, #tpu.memory_space<hbm>>) dst(%arg36 : memref<4096xi32, #tpu.memory_space<vmem>>)
      tpu.yield
    }) : () -> ()
    "tpu.region"() ({
      %run_scoped3A = tpu.sem_alloc : memref<!tpu.dma_semaphore, #tpu.memory_space<semaphore_mem>>
      tpu.enqueue_dma source(%arg16 : memref<4096xi32, #tpu.memory_space<hbm>>) target(%arg37 : memref<4096xi32, #tpu.memory_space<vmem>>) target_semaphore(%run_scoped3A : memref<!tpu.dma_semaphore, #tpu.memory_space<semaphore_mem>>)
      tpu.wait_dma2 semaphore(%run_scoped3A : memref<!tpu.dma_semaphore, #tpu.memory_space<semaphore_mem>>) src(%arg16 : memref<4096xi32, #tpu.memory_space<hbm>>) dst(%arg37 : memref<4096xi32, #tpu.memory_space<vmem>>)
      tpu.yield
    }) : () -> ()
    "tpu.region"() ({
      %run_scoped3A = tpu.sem_alloc : memref<!tpu.dma_semaphore, #tpu.memory_space<semaphore_mem>>
      tpu.enqueue_dma source(%arg17 : memref<4096xi32, #tpu.memory_space<hbm>>) target(%arg38 : memref<4096xi32, #tpu.memory_space<vmem>>) target_semaphore(%run_scoped3A : memref<!tpu.dma_semaphore, #tpu.memory_space<semaphore_mem>>)
      tpu.wait_dma2 semaphore(%run_scoped3A : memref<!tpu.dma_semaphore, #tpu.memory_space<semaphore_mem>>) src(%arg17 : memref<4096xi32, #tpu.memory_space<hbm>>) dst(%arg38 : memref<4096xi32, #tpu.memory_space<vmem>>)
      tpu.yield
    }) : () -> ()
    "tpu.region"() ({
      %run_scoped3A = tpu.sem_alloc : memref<!tpu.dma_semaphore, #tpu.memory_space<semaphore_mem>>
      tpu.enqueue_dma source(%arg18 : memref<4096xi32, #tpu.memory_space<hbm>>) target(%arg39 : memref<4096xi32, #tpu.memory_space<vmem>>) target_semaphore(%run_scoped3A : memref<!tpu.dma_semaphore, #tpu.memory_space<semaphore_mem>>)
      tpu.wait_dma2 semaphore(%run_scoped3A : memref<!tpu.dma_semaphore, #tpu.memory_space<semaphore_mem>>) src(%arg18 : memref<4096xi32, #tpu.memory_space<hbm>>) dst(%arg39 : memref<4096xi32, #tpu.memory_space<vmem>>)
      tpu.yield
    }) : () -> ()
    "tpu.region"() ({
      %run_scoped3A = tpu.sem_alloc : memref<!tpu.dma_semaphore, #tpu.memory_space<semaphore_mem>>
      tpu.enqueue_dma source(%arg19 : memref<4096xf32, #tpu.memory_space<hbm>>) target(%arg40 : memref<4096xf32, #tpu.memory_space<vmem>>) target_semaphore(%run_scoped3A : memref<!tpu.dma_semaphore, #tpu.memory_space<semaphore_mem>>)
      tpu.wait_dma2 semaphore(%run_scoped3A : memref<!tpu.dma_semaphore, #tpu.memory_space<semaphore_mem>>) src(%arg19 : memref<4096xf32, #tpu.memory_space<hbm>>) dst(%arg40 : memref<4096xf32, #tpu.memory_space<vmem>>)
      tpu.yield
    }) : () -> ()
    %mul3A_1 = arith.constant 4 : i32
    %mul3A_2 = arith.muli %add3A, %mul3A_1 : i32
    %mul3A_3 = arith.constant 112 : i32
    %mul3A_4 = arith.muli %mul3A_2, %mul3A_3 : i32
    %min3A = arith.constant 13776 : i32
    %min3A_5 = arith.minsi %mul3A_4, %min3A : i32
    "tpu.region"() ({
      %run_scoped3A = tpu.sem_alloc : memref<!tpu.dma_semaphore, #tpu.memory_space<semaphore_mem>>
      %dma_start3A = tpu.memref_slice %arg3[%min3A_5] : memref<14224xi32, #tpu.memory_space<hbm>> -> memref<448xi32, #tpu.memory_space<hbm>>
      %dma_start3A_13 = tpu.memref_slice %arg3[%min3A_5] : memref<14224xi32, #tpu.memory_space<hbm>> -> memref<448xi32, #tpu.memory_space<hbm>>
      tpu.enqueue_dma source(%dma_start3A_13 : memref<448xi32, #tpu.memory_space<hbm>>) target(%arg23 : memref<448xi32, #tpu.memory_space<vmem>>) target_semaphore(%run_scoped3A : memref<!tpu.dma_semaphore, #tpu.memory_space<semaphore_mem>>)
      %dma_wait3A = tpu.memref_slice %arg3[%min3A_5] : memref<14224xi32, #tpu.memory_space<hbm>> -> memref<448xi32, #tpu.memory_space<hbm>>
      %dma_wait3A_14 = tpu.memref_slice %arg3[%min3A_5] : memref<14224xi32, #tpu.memory_space<hbm>> -> memref<448xi32, #tpu.memory_space<hbm>>
      tpu.wait_dma2 semaphore(%run_scoped3A : memref<!tpu.dma_semaphore, #tpu.memory_space<semaphore_mem>>) src(%dma_wait3A_14 : memref<448xi32, #tpu.memory_space<hbm>>) dst(%arg23 : memref<448xi32, #tpu.memory_space<vmem>>)
      tpu.yield
    }) : () -> ()
    %broadcast_in_dim3A = arith.constant 0.000000e+00 : f32
    %broadcast_in_dim3A_6 = vector.broadcast %broadcast_in_dim3A : f32 to vector<16xf32>
    %scan3A = arith.constant 0 : i32
    %scan3A_7 = arith.constant 0 : i32
    %scan3A_8 = arith.constant 4 : i32
    %scan3A_9 = arith.addi %scan3A_7, %scan3A_8 : i32
    %scan3A_10 = arith.constant 1 : i32
    %scan3A_11 = scf.for %scan3A_13 = %scan3A_7 to %scan3A_9 step %scan3A_10 iter_args(%scan3A_14 = %scan3A) -> (i32)  : i32 {
      %add3A_15 = arith.addi %mul3A_2, %scan3A_13 : i32
      %min3A_16 = arith.constant 126 : i32
      %min3A_17 = arith.minsi %add3A_15, %min3A_16 : i32
      %mul3A_18 = arith.constant 112 : i32
      %mul3A_19 = arith.muli %min3A_17, %mul3A_18 : i32
      %sub3A = arith.subi %mul3A_19, %min3A_5 : i32
      %mul3A_20 = arith.constant 14336 : i32
      %mul3A_21 = arith.muli %min3A_17, %mul3A_20 : i32
      "tpu.region"() ({
        %run_scoped3A = tpu.sem_alloc : memref<!tpu.dma_semaphore, #tpu.memory_space<semaphore_mem>>
        %dma_start3A = tpu.memref_slice %arg4[%mul3A_21] : memref<1820672xf32, #tpu.memory_space<hbm>> -> memref<14336xf32, #tpu.memory_space<hbm>>
        %dma_start3A_66 = tpu.memref_slice %arg4[%mul3A_21] : memref<1820672xf32, #tpu.memory_space<hbm>> -> memref<14336xf32, #tpu.memory_space<hbm>>
        tpu.enqueue_dma source(%dma_start3A_66 : memref<14336xf32, #tpu.memory_space<hbm>>) target(%arg24 : memref<14336xf32, #tpu.memory_space<vmem>>) target_semaphore(%run_scoped3A : memref<!tpu.dma_semaphore, #tpu.memory_space<semaphore_mem>>)
        %dma_wait3A = tpu.memref_slice %arg4[%mul3A_21] : memref<1820672xf32, #tpu.memory_space<hbm>> -> memref<14336xf32, #tpu.memory_space<hbm>>
        %dma_wait3A_67 = tpu.memref_slice %arg4[%mul3A_21] : memref<1820672xf32, #tpu.memory_space<hbm>> -> memref<14336xf32, #tpu.memory_space<hbm>>
        tpu.wait_dma2 semaphore(%run_scoped3A : memref<!tpu.dma_semaphore, #tpu.memory_space<semaphore_mem>>) src(%dma_wait3A_67 : memref<14336xf32, #tpu.memory_space<hbm>>) dst(%arg24 : memref<14336xf32, #tpu.memory_space<vmem>>)
        tpu.yield
      }) : () -> ()
      %add3A_22 = arith.constant 0 : i32
      %add3A_23 = arith.addi %sub3A, %add3A_22 : i32
      %get3A = arith.index_cast %add3A_23 : i32 to index
      %get3A_24 = tpu.vector_load %arg23[%get3A] {strides = array<i32>} : memref<448xi32, #tpu.memory_space<vmem>>, vector<16xi32>,
      %add3A_25 = arith.constant 16 : i32
      %add3A_26 = arith.addi %sub3A, %add3A_25 : i32
      %get3A_27 = arith.index_cast %add3A_26 : i32 to index
      %get3A_28 = tpu.vector_load %arg23[%get3A_27] {strides = array<i32>} : memref<448xi32, #tpu.memory_space<vmem>>, vector<16xi32>,
      %add3A_29 = arith.constant 32 : i32
      %add3A_30 = arith.addi %sub3A, %add3A_29 : i32
      %get3A_31 = arith.index_cast %add3A_30 : i32 to index
      %get3A_32 = tpu.vector_load %arg23[%get3A_31] {strides = array<i32>} : memref<448xi32, #tpu.memory_space<vmem>>, vector<16xi32>,
      %add3A_33 = arith.constant 48 : i32
      %add3A_34 = arith.addi %sub3A, %add3A_33 : i32
      %get3A_35 = arith.index_cast %add3A_34 : i32 to index
      %get3A_36 = tpu.vector_load %arg23[%get3A_35] {strides = array<i32>} : memref<448xi32, #tpu.memory_space<vmem>>, vector<16xi32>,
      %add3A_37 = arith.constant 64 : i32
      %add3A_38 = arith.addi %sub3A, %add3A_37 : i32
      %get3A_39 = arith.index_cast %add3A_38 : i32 to index
      %get3A_40 = tpu.vector_load %arg23[%get3A_39] {strides = array<i32>} : memref<448xi32, #tpu.memory_space<vmem>>, vector<16xi32>,
      %add3A_41 = arith.constant 80 : i32
      %add3A_42 = arith.addi %sub3A, %add3A_41 : i32
      %get3A_43 = arith.index_cast %add3A_42 : i32 to index
      %get3A_44 = tpu.vector_load %arg23[%get3A_43] {strides = array<i32>} : memref<448xi32, #tpu.memory_space<vmem>>, vector<16xi32>,
      %add3A_45 = arith.constant 96 : i32
      %add3A_46 = arith.addi %sub3A, %add3A_45 : i32
      %get3A_47 = arith.index_cast %add3A_46 : i32 to index
      %get3A_48 = tpu.vector_load %arg23[%get3A_47] {strides = array<i32>} : memref<448xi32, #tpu.memory_space<vmem>>, vector<16xi32>,
      %parallel_loop3A = arith.constant 0 : i32
      %parallel_loop3A_49 = arith.constant 128 : i32
      %parallel_loop3A_50 = arith.constant 1 : i32
      scf.for %parallel_loop3A_66 = %parallel_loop3A to %parallel_loop3A_49 step %parallel_loop3A_50  : i32 {
        %parallel_loop3A_67 = arith.constant 64 : i32
        %parallel_loop3A_68 = arith.muli %parallel_loop3A_66, %parallel_loop3A_67 : i32
        %parallel_loop3A_69 = arith.constant 112 : i32
        %parallel_loop3A_70 = arith.muli %parallel_loop3A_66, %parallel_loop3A_69 : i32
        %parallel_loop3A_71 = vector.broadcast %parallel_loop3A_68 : i32 to vector<16xi32>
        %parallel_loop3A_72 = arith.addi %parallel_loop3A_71, %get3A_24 : vector<16xi32>
        %parallel_loop3A_73 = tpu.vector_load_idx %arg21[%parallel_loop3A_72] : memref<8192xf32, #tpu.memory_space<vmem>>[vector<16xi32>], vector<16xf32>,
        %parallel_loop3A_74 = arith.constant 0 : i32
        %parallel_loop3A_75 = arith.addi %parallel_loop3A_70, %parallel_loop3A_74 : i32
        %parallel_loop3A_76 = arith.index_cast %parallel_loop3A_75 : i32 to index
        %parallel_loop3A_77 = tpu.vector_load %arg22[%parallel_loop3A_76] {strides = array<i32>} : memref<14336xf32, #tpu.memory_space<vmem>>, vector<16xf32>,
        tpu.vector_store %arg22[%parallel_loop3A_76], %parallel_loop3A_73 {strides = array<i32>} : memref<14336xf32, #tpu.memory_space<vmem>>, vector<16xf32>,
        %parallel_loop3A_78 = vector.broadcast %parallel_loop3A_68 : i32 to vector<16xi32>
        %parallel_loop3A_79 = arith.addi %parallel_loop3A_78, %get3A_28 : vector<16xi32>
        %parallel_loop3A_80 = tpu.vector_load_idx %arg21[%parallel_loop3A_79] : memref<8192xf32, #tpu.memory_space<vmem>>[vector<16xi32>], vector<16xf32>,
        %parallel_loop3A_81 = arith.constant 16 : i32
        %parallel_loop3A_82 = arith.addi %parallel_loop3A_70, %parallel_loop3A_81 : i32
        %parallel_loop3A_83 = arith.index_cast %parallel_loop3A_82 : i32 to index
        %parallel_loop3A_84 = tpu.vector_load %arg22[%parallel_loop3A_83] {strides = array<i32>} : memref<14336xf32, #tpu.memory_space<vmem>>, vector<16xf32>,
        tpu.vector_store %arg22[%parallel_loop3A_83], %parallel_loop3A_80 {strides = array<i32>} : memref<14336xf32, #tpu.memory_space<vmem>>, vector<16xf32>,
        %parallel_loop3A_85 = vector.broadcast %parallel_loop3A_68 : i32 to vector<16xi32>
        %parallel_loop3A_86 = arith.addi %parallel_loop3A_85, %get3A_32 : vector<16xi32>
        %parallel_loop3A_87 = tpu.vector_load_idx %arg21[%parallel_loop3A_86] : memref<8192xf32, #tpu.memory_space<vmem>>[vector<16xi32>], vector<16xf32>,
        %parallel_loop3A_88 = arith.constant 32 : i32
        %parallel_loop3A_89 = arith.addi %parallel_loop3A_70, %parallel_loop3A_88 : i32
        %parallel_loop3A_90 = arith.index_cast %parallel_loop3A_89 : i32 to index
        %parallel_loop3A_91 = tpu.vector_load %arg22[%parallel_loop3A_90] {strides = array<i32>} : memref<14336xf32, #tpu.memory_space<vmem>>, vector<16xf32>,
        tpu.vector_store %arg22[%parallel_loop3A_90], %parallel_loop3A_87 {strides = array<i32>} : memref<14336xf32, #tpu.memory_space<vmem>>, vector<16xf32>,
        %parallel_loop3A_92 = vector.broadcast %parallel_loop3A_68 : i32 to vector<16xi32>
        %parallel_loop3A_93 = arith.addi %parallel_loop3A_92, %get3A_36 : vector<16xi32>
        %parallel_loop3A_94 = tpu.vector_load_idx %arg21[%parallel_loop3A_93] : memref<8192xf32, #tpu.memory_space<vmem>>[vector<16xi32>], vector<16xf32>,
        %parallel_loop3A_95 = arith.constant 48 : i32
        %parallel_loop3A_96 = arith.addi %parallel_loop3A_70, %parallel_loop3A_95 : i32
        %parallel_loop3A_97 = arith.index_cast %parallel_loop3A_96 : i32 to index
        %parallel_loop3A_98 = tpu.vector_load %arg22[%parallel_loop3A_97] {strides = array<i32>} : memref<14336xf32, #tpu.memory_space<vmem>>, vector<16xf32>,
        tpu.vector_store %arg22[%parallel_loop3A_97], %parallel_loop3A_94 {strides = array<i32>} : memref<14336xf32, #tpu.memory_space<vmem>>, vector<16xf32>,
        %parallel_loop3A_99 = vector.broadcast %parallel_loop3A_68 : i32 to vector<16xi32>
        %parallel_loop3A_100 = arith.addi %parallel_loop3A_99, %get3A_40 : vector<16xi32>
        %parallel_loop3A_101 = tpu.vector_load_idx %arg21[%parallel_loop3A_100] : memref<8192xf32, #tpu.memory_space<vmem>>[vector<16xi32>], vector<16xf32>,
        %parallel_loop3A_102 = arith.constant 64 : i32
        %parallel_loop3A_103 = arith.addi %parallel_loop3A_70, %parallel_loop3A_102 : i32
        %parallel_loop3A_104 = arith.index_cast %parallel_loop3A_103 : i32 to index
        %parallel_loop3A_105 = tpu.vector_load %arg22[%parallel_loop3A_104] {strides = array<i32>} : memref<14336xf32, #tpu.memory_space<vmem>>, vector<16xf32>,
        tpu.vector_store %arg22[%parallel_loop3A_104], %parallel_loop3A_101 {strides = array<i32>} : memref<14336xf32, #tpu.memory_space<vmem>>, vector<16xf32>,
        %parallel_loop3A_106 = vector.broadcast %parallel_loop3A_68 : i32 to vector<16xi32>
        %parallel_loop3A_107 = arith.addi %parallel_loop3A_106, %get3A_44 : vector<16xi32>
        %parallel_loop3A_108 = tpu.vector_load_idx %arg21[%parallel_loop3A_107] : memref<8192xf32, #tpu.memory_space<vmem>>[vector<16xi32>], vector<16xf32>,
        %parallel_loop3A_109 = arith.constant 80 : i32
        %parallel_loop3A_110 = arith.addi %parallel_loop3A_70, %parallel_loop3A_109 : i32
        %parallel_loop3A_111 = arith.index_cast %parallel_loop3A_110 : i32 to index
        %parallel_loop3A_112 = tpu.vector_load %arg22[%parallel_loop3A_111] {strides = array<i32>} : memref<14336xf32, #tpu.memory_space<vmem>>, vector<16xf32>,
        tpu.vector_store %arg22[%parallel_loop3A_111], %parallel_loop3A_108 {strides = array<i32>} : memref<14336xf32, #tpu.memory_space<vmem>>, vector<16xf32>,
        %parallel_loop3A_113 = vector.broadcast %parallel_loop3A_68 : i32 to vector<16xi32>
        %parallel_loop3A_114 = arith.addi %parallel_loop3A_113, %get3A_48 : vector<16xi32>
        %parallel_loop3A_115 = tpu.vector_load_idx %arg21[%parallel_loop3A_114] : memref<8192xf32, #tpu.memory_space<vmem>>[vector<16xi32>], vector<16xf32>,
        %parallel_loop3A_116 = arith.constant 96 : i32
        %parallel_loop3A_117 = arith.addi %parallel_loop3A_70, %parallel_loop3A_116 : i32
        %parallel_loop3A_118 = arith.index_cast %parallel_loop3A_117 : i32 to index
        %parallel_loop3A_119 = tpu.vector_load %arg22[%parallel_loop3A_118] {strides = array<i32>} : memref<14336xf32, #tpu.memory_space<vmem>>, vector<16xf32>,
        tpu.vector_store %arg22[%parallel_loop3A_118], %parallel_loop3A_115 {strides = array<i32>} : memref<14336xf32, #tpu.memory_space<vmem>>, vector<16xf32>,
      } {sc.loop_unroll_factor = 2 : i64, sc.parallel_access}
      %parallel_loop3A_51 = arith.constant 0 : i32
      %parallel_loop3A_52 = arith.constant 14336 : i32
      %parallel_loop3A_53 = arith.constant 16 : i32
      scf.for %parallel_loop3A_66 = %parallel_loop3A_51 to %parallel_loop3A_52 step %parallel_loop3A_53  : i32 {
        %parallel_loop3A_67 = arith.index_cast %parallel_loop3A_66 : i32 to index
        %parallel_loop3A_68 = tpu.vector_load %arg25[%parallel_loop3A_67] {strides = array<i32>} : memref<14336xf32, #tpu.memory_space<vmem>>, vector<16xf32>,
        tpu.vector_store %arg25[%parallel_loop3A_67], %broadcast_in_dim3A_6 {strides = array<i32>} : memref<14336xf32, #tpu.memory_space<vmem>>, vector<16xf32>,
      } {sc.loop_unroll_factor = 8 : i64, sc.parallel_access}
      %parallel_loop3A_54 = arith.constant 0 : i32
      %parallel_loop3A_55 = arith.constant 1024 : i32
      %parallel_loop3A_56 = arith.constant 16 : i32
      scf.for %parallel_loop3A_66 = %parallel_loop3A_54 to %parallel_loop3A_55 step %parallel_loop3A_56  : i32 {
        %parallel_loop3A_67 = arith.index_cast %parallel_loop3A_66 : i32 to index
        %parallel_loop3A_68 = tpu.vector_load %arg26[%parallel_loop3A_67] {strides = array<i32>} : memref<1024xi32, #tpu.memory_space<vmem>>, vector<16xi32>,
        %parallel_loop3A_69 = arith.index_cast %parallel_loop3A_66 : i32 to index
        %parallel_loop3A_70 = tpu.vector_load %arg27[%parallel_loop3A_69] {strides = array<i32>} : memref<1024xi32, #tpu.memory_space<vmem>>, vector<16xi32>,
        %parallel_loop3A_71 = arith.index_cast %parallel_loop3A_66 : i32 to index
        %parallel_loop3A_72 = tpu.vector_load %arg28[%parallel_loop3A_71] {strides = array<i32>} : memref<1024xi32, #tpu.memory_space<vmem>>, vector<16xi32>,
        %parallel_loop3A_73 = arith.index_cast %parallel_loop3A_66 : i32 to index
        %parallel_loop3A_74 = tpu.vector_load %arg29[%parallel_loop3A_73] {strides = array<i32>} : memref<1024xf32, #tpu.memory_space<vmem>>, vector<16xf32>,
        %parallel_loop3A_75 = arith.constant 0 : i32
        %parallel_loop3A_76 = vector.broadcast %parallel_loop3A_75 : i32 to vector<16xi32>
        %parallel_loop3A_77 = arith.addi %parallel_loop3A_68, %parallel_loop3A_76 : vector<16xi32>
        %parallel_loop3A_78 = tpu.vector_load_idx %arg22[%parallel_loop3A_77] : memref<14336xf32, #tpu.memory_space<vmem>>[vector<16xi32>], vector<16xf32>,
        %parallel_loop3A_79 = arith.mulf %parallel_loop3A_74, %parallel_loop3A_78 : vector<16xf32>
        %parallel_loop3A_80 = arith.constant 0 : i32
        %parallel_loop3A_81 = vector.broadcast %parallel_loop3A_80 : i32 to vector<16xi32>
        %parallel_loop3A_82 = arith.addi %parallel_loop3A_70, %parallel_loop3A_81 : vector<16xi32>
        %parallel_loop3A_83 = tpu.vector_load_idx %arg24[%parallel_loop3A_82] : memref<14336xf32, #tpu.memory_space<vmem>>[vector<16xi32>], vector<16xf32>,
        %parallel_loop3A_84 = arith.mulf %parallel_loop3A_79, %parallel_loop3A_83 : vector<16xf32>
        %parallel_loop3A_85 = arith.constant 0 : i32
        %parallel_loop3A_86 = vector.broadcast %parallel_loop3A_85 : i32 to vector<16xi32>
        %parallel_loop3A_87 = arith.addi %parallel_loop3A_72, %parallel_loop3A_86 : vector<16xi32>
        tpu.vector_store_idx %arg25[%parallel_loop3A_87], %parallel_loop3A_84 {add = true} : memref<14336xf32, #tpu.memory_space<vmem>>[vector<16xi32>], vector<16xf32>,
        %parallel_loop3A_88 = arith.constant 16 : i32
        %parallel_loop3A_89 = vector.broadcast %parallel_loop3A_88 : i32 to vector<16xi32>
        %parallel_loop3A_90 = arith.addi %parallel_loop3A_68, %parallel_loop3A_89 : vector<16xi32>
        %parallel_loop3A_91 = tpu.vector_load_idx %arg22[%parallel_loop3A_90] : memref<14336xf32, #tpu.memory_space<vmem>>[vector<16xi32>], vector<16xf32>,
        %parallel_loop3A_92 = arith.mulf %parallel_loop3A_74, %parallel_loop3A_91 : vector<16xf32>
        %parallel_loop3A_93 = arith.constant 16 : i32
        %parallel_loop3A_94 = vector.broadcast %parallel_loop3A_93 : i32 to vector<16xi32>
        %parallel_loop3A_95 = arith.addi %parallel_loop3A_70, %parallel_loop3A_94 : vector<16xi32>
        %parallel_loop3A_96 = tpu.vector_load_idx %arg24[%parallel_loop3A_95] : memref<14336xf32, #tpu.memory_space<vmem>>[vector<16xi32>], vector<16xf32>,
        %parallel_loop3A_97 = arith.mulf %parallel_loop3A_92, %parallel_loop3A_96 : vector<16xf32>
        %parallel_loop3A_98 = arith.constant 16 : i32
        %parallel_loop3A_99 = vector.broadcast %parallel_loop3A_98 : i32 to vector<16xi32>
        %parallel_loop3A_100 = arith.addi %parallel_loop3A_72, %parallel_loop3A_99 : vector<16xi32>
        tpu.vector_store_idx %arg25[%parallel_loop3A_100], %parallel_loop3A_97 {add = true} : memref<14336xf32, #tpu.memory_space<vmem>>[vector<16xi32>], vector<16xf32>,
        %parallel_loop3A_101 = arith.constant 32 : i32
        %parallel_loop3A_102 = vector.broadcast %parallel_loop3A_101 : i32 to vector<16xi32>
        %parallel_loop3A_103 = arith.addi %parallel_loop3A_68, %parallel_loop3A_102 : vector<16xi32>
        %parallel_loop3A_104 = tpu.vector_load_idx %arg22[%parallel_loop3A_103] : memref<14336xf32, #tpu.memory_space<vmem>>[vector<16xi32>], vector<16xf32>,
        %parallel_loop3A_105 = arith.mulf %parallel_loop3A_74, %parallel_loop3A_104 : vector<16xf32>
        %parallel_loop3A_106 = arith.constant 32 : i32
        %parallel_loop3A_107 = vector.broadcast %parallel_loop3A_106 : i32 to vector<16xi32>
        %parallel_loop3A_108 = arith.addi %parallel_loop3A_70, %parallel_loop3A_107 : vector<16xi32>
        %parallel_loop3A_109 = tpu.vector_load_idx %arg24[%parallel_loop3A_108] : memref<14336xf32, #tpu.memory_space<vmem>>[vector<16xi32>], vector<16xf32>,
        %parallel_loop3A_110 = arith.mulf %parallel_loop3A_105, %parallel_loop3A_109 : vector<16xf32>
        %parallel_loop3A_111 = arith.constant 32 : i32
        %parallel_loop3A_112 = vector.broadcast %parallel_loop3A_111 : i32 to vector<16xi32>
        %parallel_loop3A_113 = arith.addi %parallel_loop3A_72, %parallel_loop3A_112 : vector<16xi32>
        tpu.vector_store_idx %arg25[%parallel_loop3A_113], %parallel_loop3A_110 {add = true} : memref<14336xf32, #tpu.memory_space<vmem>>[vector<16xi32>], vector<16xf32>,
        %parallel_loop3A_114 = arith.constant 48 : i32
        %parallel_loop3A_115 = vector.broadcast %parallel_loop3A_114 : i32 to vector<16xi32>
        %parallel_loop3A_116 = arith.addi %parallel_loop3A_68, %parallel_loop3A_115 : vector<16xi32>
        %parallel_loop3A_117 = tpu.vector_load_idx %arg22[%parallel_loop3A_116] : memref<14336xf32, #tpu.memory_space<vmem>>[vector<16xi32>], vector<16xf32>,
        %parallel_loop3A_118 = arith.mulf %parallel_loop3A_74, %parallel_loop3A_117 : vector<16xf32>
        %parallel_loop3A_119 = arith.constant 48 : i32
        %parallel_loop3A_120 = vector.broadcast %parallel_loop3A_119 : i32 to vector<16xi32>
        %parallel_loop3A_121 = arith.addi %parallel_loop3A_70, %parallel_loop3A_120 : vector<16xi32>
        %parallel_loop3A_122 = tpu.vector_load_idx %arg24[%parallel_loop3A_121] : memref<14336xf32, #tpu.memory_space<vmem>>[vector<16xi32>], vector<16xf32>,
        %parallel_loop3A_123 = arith.mulf %parallel_loop3A_118, %parallel_loop3A_122 : vector<16xf32>
        %parallel_loop3A_124 = arith.constant 48 : i32
        %parallel_loop3A_125 = vector.broadcast %parallel_loop3A_124 : i32 to vector<16xi32>
        %parallel_loop3A_126 = arith.addi %parallel_loop3A_72, %parallel_loop3A_125 : vector<16xi32>
        tpu.vector_store_idx %arg25[%parallel_loop3A_126], %parallel_loop3A_123 {add = true} : memref<14336xf32, #tpu.memory_space<vmem>>[vector<16xi32>], vector<16xf32>,
        %parallel_loop3A_127 = arith.constant 64 : i32
        %parallel_loop3A_128 = vector.broadcast %parallel_loop3A_127 : i32 to vector<16xi32>
        %parallel_loop3A_129 = arith.addi %parallel_loop3A_68, %parallel_loop3A_128 : vector<16xi32>
        %parallel_loop3A_130 = tpu.vector_load_idx %arg22[%parallel_loop3A_129] : memref<14336xf32, #tpu.memory_space<vmem>>[vector<16xi32>], vector<16xf32>,
        %parallel_loop3A_131 = arith.mulf %parallel_loop3A_74, %parallel_loop3A_130 : vector<16xf32>
        %parallel_loop3A_132 = arith.constant 64 : i32
        %parallel_loop3A_133 = vector.broadcast %parallel_loop3A_132 : i32 to vector<16xi32>
        %parallel_loop3A_134 = arith.addi %parallel_loop3A_70, %parallel_loop3A_133 : vector<16xi32>
        %parallel_loop3A_135 = tpu.vector_load_idx %arg24[%parallel_loop3A_134] : memref<14336xf32, #tpu.memory_space<vmem>>[vector<16xi32>], vector<16xf32>,
        %parallel_loop3A_136 = arith.mulf %parallel_loop3A_131, %parallel_loop3A_135 : vector<16xf32>
        %parallel_loop3A_137 = arith.constant 64 : i32
        %parallel_loop3A_138 = vector.broadcast %parallel_loop3A_137 : i32 to vector<16xi32>
        %parallel_loop3A_139 = arith.addi %parallel_loop3A_72, %parallel_loop3A_138 : vector<16xi32>
        tpu.vector_store_idx %arg25[%parallel_loop3A_139], %parallel_loop3A_136 {add = true} : memref<14336xf32, #tpu.memory_space<vmem>>[vector<16xi32>], vector<16xf32>,
        %parallel_loop3A_140 = arith.constant 80 : i32
        %parallel_loop3A_141 = vector.broadcast %parallel_loop3A_140 : i32 to vector<16xi32>
        %parallel_loop3A_142 = arith.addi %parallel_loop3A_68, %parallel_loop3A_141 : vector<16xi32>
        %parallel_loop3A_143 = tpu.vector_load_idx %arg22[%parallel_loop3A_142] : memref<14336xf32, #tpu.memory_space<vmem>>[vector<16xi32>], vector<16xf32>,
        %parallel_loop3A_144 = arith.mulf %parallel_loop3A_74, %parallel_loop3A_143 : vector<16xf32>
        %parallel_loop3A_145 = arith.constant 80 : i32
        %parallel_loop3A_146 = vector.broadcast %parallel_loop3A_145 : i32 to vector<16xi32>
        %parallel_loop3A_147 = arith.addi %parallel_loop3A_70, %parallel_loop3A_146 : vector<16xi32>
        %parallel_loop3A_148 = tpu.vector_load_idx %arg24[%parallel_loop3A_147] : memref<14336xf32, #tpu.memory_space<vmem>>[vector<16xi32>], vector<16xf32>,
        %parallel_loop3A_149 = arith.mulf %parallel_loop3A_144, %parallel_loop3A_148 : vector<16xf32>
        %parallel_loop3A_150 = arith.constant 80 : i32
        %parallel_loop3A_151 = vector.broadcast %parallel_loop3A_150 : i32 to vector<16xi32>
        %parallel_loop3A_152 = arith.addi %parallel_loop3A_72, %parallel_loop3A_151 : vector<16xi32>
        tpu.vector_store_idx %arg25[%parallel_loop3A_152], %parallel_loop3A_149 {add = true} : memref<14336xf32, #tpu.memory_space<vmem>>[vector<16xi32>], vector<16xf32>,
        %parallel_loop3A_153 = arith.constant 96 : i32
        %parallel_loop3A_154 = vector.broadcast %parallel_loop3A_153 : i32 to vector<16xi32>
        %parallel_loop3A_155 = arith.addi %parallel_loop3A_68, %parallel_loop3A_154 : vector<16xi32>
        %parallel_loop3A_156 = tpu.vector_load_idx %arg22[%parallel_loop3A_155] : memref<14336xf32, #tpu.memory_space<vmem>>[vector<16xi32>], vector<16xf32>,
        %parallel_loop3A_157 = arith.mulf %parallel_loop3A_74, %parallel_loop3A_156 : vector<16xf32>
        %parallel_loop3A_158 = arith.constant 96 : i32
        %parallel_loop3A_159 = vector.broadcast %parallel_loop3A_158 : i32 to vector<16xi32>
        %parallel_loop3A_160 = arith.addi %parallel_loop3A_70, %parallel_loop3A_159 : vector<16xi32>
        %parallel_loop3A_161 = tpu.vector_load_idx %arg24[%parallel_loop3A_160] : memref<14336xf32, #tpu.memory_space<vmem>>[vector<16xi32>], vector<16xf32>,
        %parallel_loop3A_162 = arith.mulf %parallel_loop3A_157, %parallel_loop3A_161 : vector<16xf32>
        %parallel_loop3A_163 = arith.constant 96 : i32
        %parallel_loop3A_164 = vector.broadcast %parallel_loop3A_163 : i32 to vector<16xi32>
        %parallel_loop3A_165 = arith.addi %parallel_loop3A_72, %parallel_loop3A_164 : vector<16xi32>
        tpu.vector_store_idx %arg25[%parallel_loop3A_165], %parallel_loop3A_162 {add = true} : memref<14336xf32, #tpu.memory_space<vmem>>[vector<16xi32>], vector<16xf32>,
      } {sc.loop_unroll_factor = 2 : i64, sc.parallel_access}
      %parallel_loop3A_57 = arith.constant 0 : i32
      %parallel_loop3A_58 = arith.constant 2048 : i32
      %parallel_loop3A_59 = arith.constant 16 : i32
      scf.for %parallel_loop3A_66 = %parallel_loop3A_57 to %parallel_loop3A_58 step %parallel_loop3A_59  : i32 {
        %parallel_loop3A_67 = arith.index_cast %parallel_loop3A_66 : i32 to index
        %parallel_loop3A_68 = tpu.vector_load %arg30[%parallel_loop3A_67] {strides = array<i32>} : memref<2048xi32, #tpu.memory_space<vmem>>, vector<16xi32>,
        %parallel_loop3A_69 = arith.index_cast %parallel_loop3A_66 : i32 to index
        %parallel_loop3A_70 = tpu.vector_load %arg31[%parallel_loop3A_69] {strides = array<i32>} : memref<2048xi32, #tpu.memory_space<vmem>>, vector<16xi32>,
        %parallel_loop3A_71 = arith.index_cast %parallel_loop3A_66 : i32 to index
        %parallel_loop3A_72 = tpu.vector_load %arg32[%parallel_loop3A_71] {strides = array<i32>} : memref<2048xi32, #tpu.memory_space<vmem>>, vector<16xi32>,
        %parallel_loop3A_73 = arith.index_cast %parallel_loop3A_66 : i32 to index
        %parallel_loop3A_74 = tpu.vector_load %arg33[%parallel_loop3A_73] {strides = array<i32>} : memref<2048xi32, #tpu.memory_space<vmem>>, vector<16xi32>,
        %parallel_loop3A_75 = arith.index_cast %parallel_loop3A_66 : i32 to index
        %parallel_loop3A_76 = tpu.vector_load %arg34[%parallel_loop3A_75] {strides = array<i32>} : memref<2048xf32, #tpu.memory_space<vmem>>, vector<16xf32>,
        %parallel_loop3A_77 = arith.constant 0 : i32
        %parallel_loop3A_78 = vector.broadcast %parallel_loop3A_77 : i32 to vector<16xi32>
        %parallel_loop3A_79 = arith.addi %parallel_loop3A_68, %parallel_loop3A_78 : vector<16xi32>
        %parallel_loop3A_80 = tpu.vector_load_idx %arg22[%parallel_loop3A_79] : memref<14336xf32, #tpu.memory_space<vmem>>[vector<16xi32>], vector<16xf32>,
        %parallel_loop3A_81 = arith.mulf %parallel_loop3A_76, %parallel_loop3A_80 : vector<16xf32>
        %parallel_loop3A_82 = arith.constant 0 : i32
        %parallel_loop3A_83 = vector.broadcast %parallel_loop3A_82 : i32 to vector<16xi32>
        %parallel_loop3A_84 = arith.addi %parallel_loop3A_70, %parallel_loop3A_83 : vector<16xi32>
        %parallel_loop3A_85 = tpu.vector_load_idx %arg24[%parallel_loop3A_84] : memref<14336xf32, #tpu.memory_space<vmem>>[vector<16xi32>], vector<16xf32>,
        %parallel_loop3A_86 = arith.mulf %parallel_loop3A_81, %parallel_loop3A_85 : vector<16xf32>
        %parallel_loop3A_87 = arith.constant 0 : i32
        %parallel_loop3A_88 = vector.broadcast %parallel_loop3A_87 : i32 to vector<16xi32>
        %parallel_loop3A_89 = arith.addi %parallel_loop3A_72, %parallel_loop3A_88 : vector<16xi32>
        %parallel_loop3A_90 = tpu.vector_load_idx %arg24[%parallel_loop3A_89] : memref<14336xf32, #tpu.memory_space<vmem>>[vector<16xi32>], vector<16xf32>,
        %parallel_loop3A_91 = arith.mulf %parallel_loop3A_86, %parallel_loop3A_90 : vector<16xf32>
        %parallel_loop3A_92 = arith.constant 0 : i32
        %parallel_loop3A_93 = vector.broadcast %parallel_loop3A_92 : i32 to vector<16xi32>
        %parallel_loop3A_94 = arith.addi %parallel_loop3A_74, %parallel_loop3A_93 : vector<16xi32>
        tpu.vector_store_idx %arg25[%parallel_loop3A_94], %parallel_loop3A_91 {add = true} : memref<14336xf32, #tpu.memory_space<vmem>>[vector<16xi32>], vector<16xf32>,
        %parallel_loop3A_95 = arith.constant 16 : i32
        %parallel_loop3A_96 = vector.broadcast %parallel_loop3A_95 : i32 to vector<16xi32>
        %parallel_loop3A_97 = arith.addi %parallel_loop3A_68, %parallel_loop3A_96 : vector<16xi32>
        %parallel_loop3A_98 = tpu.vector_load_idx %arg22[%parallel_loop3A_97] : memref<14336xf32, #tpu.memory_space<vmem>>[vector<16xi32>], vector<16xf32>,
        %parallel_loop3A_99 = arith.mulf %parallel_loop3A_76, %parallel_loop3A_98 : vector<16xf32>
        %parallel_loop3A_100 = arith.constant 16 : i32
        %parallel_loop3A_101 = vector.broadcast %parallel_loop3A_100 : i32 to vector<16xi32>
        %parallel_loop3A_102 = arith.addi %parallel_loop3A_70, %parallel_loop3A_101 : vector<16xi32>
        %parallel_loop3A_103 = tpu.vector_load_idx %arg24[%parallel_loop3A_102] : memref<14336xf32, #tpu.memory_space<vmem>>[vector<16xi32>], vector<16xf32>,
        %parallel_loop3A_104 = arith.mulf %parallel_loop3A_99, %parallel_loop3A_103 : vector<16xf32>
        %parallel_loop3A_105 = arith.constant 16 : i32
        %parallel_loop3A_106 = vector.broadcast %parallel_loop3A_105 : i32 to vector<16xi32>
        %parallel_loop3A_107 = arith.addi %parallel_loop3A_72, %parallel_loop3A_106 : vector<16xi32>
        %parallel_loop3A_108 = tpu.vector_load_idx %arg24[%parallel_loop3A_107] : memref<14336xf32, #tpu.memory_space<vmem>>[vector<16xi32>], vector<16xf32>,
        %parallel_loop3A_109 = arith.mulf %parallel_loop3A_104, %parallel_loop3A_108 : vector<16xf32>
        %parallel_loop3A_110 = arith.constant 16 : i32
        %parallel_loop3A_111 = vector.broadcast %parallel_loop3A_110 : i32 to vector<16xi32>
        %parallel_loop3A_112 = arith.addi %parallel_loop3A_74, %parallel_loop3A_111 : vector<16xi32>
        tpu.vector_store_idx %arg25[%parallel_loop3A_112], %parallel_loop3A_109 {add = true} : memref<14336xf32, #tpu.memory_space<vmem>>[vector<16xi32>], vector<16xf32>,
        %parallel_loop3A_113 = arith.constant 32 : i32
        %parallel_loop3A_114 = vector.broadcast %parallel_loop3A_113 : i32 to vector<16xi32>
        %parallel_loop3A_115 = arith.addi %parallel_loop3A_68, %parallel_loop3A_114 : vector<16xi32>
        %parallel_loop3A_116 = tpu.vector_load_idx %arg22[%parallel_loop3A_115] : memref<14336xf32, #tpu.memory_space<vmem>>[vector<16xi32>], vector<16xf32>,
        %parallel_loop3A_117 = arith.mulf %parallel_loop3A_76, %parallel_loop3A_116 : vector<16xf32>
        %parallel_loop3A_118 = arith.constant 32 : i32
        %parallel_loop3A_119 = vector.broadcast %parallel_loop3A_118 : i32 to vector<16xi32>
        %parallel_loop3A_120 = arith.addi %parallel_loop3A_70, %parallel_loop3A_119 : vector<16xi32>
        %parallel_loop3A_121 = tpu.vector_load_idx %arg24[%parallel_loop3A_120] : memref<14336xf32, #tpu.memory_space<vmem>>[vector<16xi32>], vector<16xf32>,
        %parallel_loop3A_122 = arith.mulf %parallel_loop3A_117, %parallel_loop3A_121 : vector<16xf32>
        %parallel_loop3A_123 = arith.constant 32 : i32
        %parallel_loop3A_124 = vector.broadcast %parallel_loop3A_123 : i32 to vector<16xi32>
        %parallel_loop3A_125 = arith.addi %parallel_loop3A_72, %parallel_loop3A_124 : vector<16xi32>
        %parallel_loop3A_126 = tpu.vector_load_idx %arg24[%parallel_loop3A_125] : memref<14336xf32, #tpu.memory_space<vmem>>[vector<16xi32>], vector<16xf32>,
        %parallel_loop3A_127 = arith.mulf %parallel_loop3A_122, %parallel_loop3A_126 : vector<16xf32>
        %parallel_loop3A_128 = arith.constant 32 : i32
        %parallel_loop3A_129 = vector.broadcast %parallel_loop3A_128 : i32 to vector<16xi32>
        %parallel_loop3A_130 = arith.addi %parallel_loop3A_74, %parallel_loop3A_129 : vector<16xi32>
        tpu.vector_store_idx %arg25[%parallel_loop3A_130], %parallel_loop3A_127 {add = true} : memref<14336xf32, #tpu.memory_space<vmem>>[vector<16xi32>], vector<16xf32>,
        %parallel_loop3A_131 = arith.constant 48 : i32
        %parallel_loop3A_132 = vector.broadcast %parallel_loop3A_131 : i32 to vector<16xi32>
        %parallel_loop3A_133 = arith.addi %parallel_loop3A_68, %parallel_loop3A_132 : vector<16xi32>
        %parallel_loop3A_134 = tpu.vector_load_idx %arg22[%parallel_loop3A_133] : memref<14336xf32, #tpu.memory_space<vmem>>[vector<16xi32>], vector<16xf32>,
        %parallel_loop3A_135 = arith.mulf %parallel_loop3A_76, %parallel_loop3A_134 : vector<16xf32>
        %parallel_loop3A_136 = arith.constant 48 : i32
        %parallel_loop3A_137 = vector.broadcast %parallel_loop3A_136 : i32 to vector<16xi32>
        %parallel_loop3A_138 = arith.addi %parallel_loop3A_70, %parallel_loop3A_137 : vector<16xi32>
        %parallel_loop3A_139 = tpu.vector_load_idx %arg24[%parallel_loop3A_138] : memref<14336xf32, #tpu.memory_space<vmem>>[vector<16xi32>], vector<16xf32>,
        %parallel_loop3A_140 = arith.mulf %parallel_loop3A_135, %parallel_loop3A_139 : vector<16xf32>
        %parallel_loop3A_141 = arith.constant 48 : i32
        %parallel_loop3A_142 = vector.broadcast %parallel_loop3A_141 : i32 to vector<16xi32>
        %parallel_loop3A_143 = arith.addi %parallel_loop3A_72, %parallel_loop3A_142 : vector<16xi32>
        %parallel_loop3A_144 = tpu.vector_load_idx %arg24[%parallel_loop3A_143] : memref<14336xf32, #tpu.memory_space<vmem>>[vector<16xi32>], vector<16xf32>,
        %parallel_loop3A_145 = arith.mulf %parallel_loop3A_140, %parallel_loop3A_144 : vector<16xf32>
        %parallel_loop3A_146 = arith.constant 48 : i32
        %parallel_loop3A_147 = vector.broadcast %parallel_loop3A_146 : i32 to vector<16xi32>
        %parallel_loop3A_148 = arith.addi %parallel_loop3A_74, %parallel_loop3A_147 : vector<16xi32>
        tpu.vector_store_idx %arg25[%parallel_loop3A_148], %parallel_loop3A_145 {add = true} : memref<14336xf32, #tpu.memory_space<vmem>>[vector<16xi32>], vector<16xf32>,
        %parallel_loop3A_149 = arith.constant 64 : i32
        %parallel_loop3A_150 = vector.broadcast %parallel_loop3A_149 : i32 to vector<16xi32>
        %parallel_loop3A_151 = arith.addi %parallel_loop3A_68, %parallel_loop3A_150 : vector<16xi32>
        %parallel_loop3A_152 = tpu.vector_load_idx %arg22[%parallel_loop3A_151] : memref<14336xf32, #tpu.memory_space<vmem>>[vector<16xi32>], vector<16xf32>,
        %parallel_loop3A_153 = arith.mulf %parallel_loop3A_76, %parallel_loop3A_152 : vector<16xf32>
        %parallel_loop3A_154 = arith.constant 64 : i32
        %parallel_loop3A_155 = vector.broadcast %parallel_loop3A_154 : i32 to vector<16xi32>
        %parallel_loop3A_156 = arith.addi %parallel_loop3A_70, %parallel_loop3A_155 : vector<16xi32>
        %parallel_loop3A_157 = tpu.vector_load_idx %arg24[%parallel_loop3A_156] : memref<14336xf32, #tpu.memory_space<vmem>>[vector<16xi32>], vector<16xf32>,
        %parallel_loop3A_158 = arith.mulf %parallel_loop3A_153, %parallel_loop3A_157 : vector<16xf32>
        %parallel_loop3A_159 = arith.constant 64 : i32
        %parallel_loop3A_160 = vector.broadcast %parallel_loop3A_159 : i32 to vector<16xi32>
        %parallel_loop3A_161 = arith.addi %parallel_loop3A_72, %parallel_loop3A_160 : vector<16xi32>
        %parallel_loop3A_162 = tpu.vector_load_idx %arg24[%parallel_loop3A_161] : memref<14336xf32, #tpu.memory_space<vmem>>[vector<16xi32>], vector<16xf32>,
        %parallel_loop3A_163 = arith.mulf %parallel_loop3A_158, %parallel_loop3A_162 : vector<16xf32>
        %parallel_loop3A_164 = arith.constant 64 : i32
        %parallel_loop3A_165 = vector.broadcast %parallel_loop3A_164 : i32 to vector<16xi32>
        %parallel_loop3A_166 = arith.addi %parallel_loop3A_74, %parallel_loop3A_165 : vector<16xi32>
        tpu.vector_store_idx %arg25[%parallel_loop3A_166], %parallel_loop3A_163 {add = true} : memref<14336xf32, #tpu.memory_space<vmem>>[vector<16xi32>], vector<16xf32>,
        %parallel_loop3A_167 = arith.constant 80 : i32
        %parallel_loop3A_168 = vector.broadcast %parallel_loop3A_167 : i32 to vector<16xi32>
        %parallel_loop3A_169 = arith.addi %parallel_loop3A_68, %parallel_loop3A_168 : vector<16xi32>
        %parallel_loop3A_170 = tpu.vector_load_idx %arg22[%parallel_loop3A_169] : memref<14336xf32, #tpu.memory_space<vmem>>[vector<16xi32>], vector<16xf32>,
        %parallel_loop3A_171 = arith.mulf %parallel_loop3A_76, %parallel_loop3A_170 : vector<16xf32>
        %parallel_loop3A_172 = arith.constant 80 : i32
        %parallel_loop3A_173 = vector.broadcast %parallel_loop3A_172 : i32 to vector<16xi32>
        %parallel_loop3A_174 = arith.addi %parallel_loop3A_70, %parallel_loop3A_173 : vector<16xi32>
        %parallel_loop3A_175 = tpu.vector_load_idx %arg24[%parallel_loop3A_174] : memref<14336xf32, #tpu.memory_space<vmem>>[vector<16xi32>], vector<16xf32>,
        %parallel_loop3A_176 = arith.mulf %parallel_loop3A_171, %parallel_loop3A_175 : vector<16xf32>
        %parallel_loop3A_177 = arith.constant 80 : i32
        %parallel_loop3A_178 = vector.broadcast %parallel_loop3A_177 : i32 to vector<16xi32>
        %parallel_loop3A_179 = arith.addi %parallel_loop3A_72, %parallel_loop3A_178 : vector<16xi32>
        %parallel_loop3A_180 = tpu.vector_load_idx %arg24[%parallel_loop3A_179] : memref<14336xf32, #tpu.memory_space<vmem>>[vector<16xi32>], vector<16xf32>,
        %parallel_loop3A_181 = arith.mulf %parallel_loop3A_176, %parallel_loop3A_180 : vector<16xf32>
        %parallel_loop3A_182 = arith.constant 80 : i32
        %parallel_loop3A_183 = vector.broadcast %parallel_loop3A_182 : i32 to vector<16xi32>
        %parallel_loop3A_184 = arith.addi %parallel_loop3A_74, %parallel_loop3A_183 : vector<16xi32>
        tpu.vector_store_idx %arg25[%parallel_loop3A_184], %parallel_loop3A_181 {add = true} : memref<14336xf32, #tpu.memory_space<vmem>>[vector<16xi32>], vector<16xf32>,
        %parallel_loop3A_185 = arith.constant 96 : i32
        %parallel_loop3A_186 = vector.broadcast %parallel_loop3A_185 : i32 to vector<16xi32>
        %parallel_loop3A_187 = arith.addi %parallel_loop3A_68, %parallel_loop3A_186 : vector<16xi32>
        %parallel_loop3A_188 = tpu.vector_load_idx %arg22[%parallel_loop3A_187] : memref<14336xf32, #tpu.memory_space<vmem>>[vector<16xi32>], vector<16xf32>,
        %parallel_loop3A_189 = arith.mulf %parallel_loop3A_76, %parallel_loop3A_188 : vector<16xf32>
        %parallel_loop3A_190 = arith.constant 96 : i32
        %parallel_loop3A_191 = vector.broadcast %parallel_loop3A_190 : i32 to vector<16xi32>
        %parallel_loop3A_192 = arith.addi %parallel_loop3A_70, %parallel_loop3A_191 : vector<16xi32>
        %parallel_loop3A_193 = tpu.vector_load_idx %arg24[%parallel_loop3A_192] : memref<14336xf32, #tpu.memory_space<vmem>>[vector<16xi32>], vector<16xf32>,
        %parallel_loop3A_194 = arith.mulf %parallel_loop3A_189, %parallel_loop3A_193 : vector<16xf32>
        %parallel_loop3A_195 = arith.constant 96 : i32
        %parallel_loop3A_196 = vector.broadcast %parallel_loop3A_195 : i32 to vector<16xi32>
        %parallel_loop3A_197 = arith.addi %parallel_loop3A_72, %parallel_loop3A_196 : vector<16xi32>
        %parallel_loop3A_198 = tpu.vector_load_idx %arg24[%parallel_loop3A_197] : memref<14336xf32, #tpu.memory_space<vmem>>[vector<16xi32>], vector<16xf32>,
        %parallel_loop3A_199 = arith.mulf %parallel_loop3A_194, %parallel_loop3A_198 : vector<16xf32>
        %parallel_loop3A_200 = arith.constant 96 : i32
        %parallel_loop3A_201 = vector.broadcast %parallel_loop3A_200 : i32 to vector<16xi32>
        %parallel_loop3A_202 = arith.addi %parallel_loop3A_74, %parallel_loop3A_201 : vector<16xi32>
        tpu.vector_store_idx %arg25[%parallel_loop3A_202], %parallel_loop3A_199 {add = true} : memref<14336xf32, #tpu.memory_space<vmem>>[vector<16xi32>], vector<16xf32>,
      } {sc.loop_unroll_factor = 2 : i64, sc.parallel_access}
      %parallel_loop3A_60 = arith.constant 0 : i32
      %parallel_loop3A_61 = arith.constant 4096 : i32
      %parallel_loop3A_62 = arith.constant 16 : i32
      scf.for %parallel_loop3A_66 = %parallel_loop3A_60 to %parallel_loop3A_61 step %parallel_loop3A_62  : i32 {
        %parallel_loop3A_67 = arith.index_cast %parallel_loop3A_66 : i32 to index
        %parallel_loop3A_68 = tpu.vector_load %arg35[%parallel_loop3A_67] {strides = array<i32>} : memref<4096xi32, #tpu.memory_space<vmem>>, vector<16xi32>,
        %parallel_loop3A_69 = arith.index_cast %parallel_loop3A_66 : i32 to index
        %parallel_loop3A_70 = tpu.vector_load %arg36[%parallel_loop3A_69] {strides = array<i32>} : memref<4096xi32, #tpu.memory_space<vmem>>, vector<16xi32>,
        %parallel_loop3A_71 = arith.index_cast %parallel_loop3A_66 : i32 to index
        %parallel_loop3A_72 = tpu.vector_load %arg37[%parallel_loop3A_71] {strides = array<i32>} : memref<4096xi32, #tpu.memory_space<vmem>>, vector<16xi32>,
        %parallel_loop3A_73 = arith.index_cast %parallel_loop3A_66 : i32 to index
        %parallel_loop3A_74 = tpu.vector_load %arg38[%parallel_loop3A_73] {strides = array<i32>} : memref<4096xi32, #tpu.memory_space<vmem>>, vector<16xi32>,
        %parallel_loop3A_75 = arith.index_cast %parallel_loop3A_66 : i32 to index
        %parallel_loop3A_76 = tpu.vector_load %arg39[%parallel_loop3A_75] {strides = array<i32>} : memref<4096xi32, #tpu.memory_space<vmem>>, vector<16xi32>,
        %parallel_loop3A_77 = arith.index_cast %parallel_loop3A_66 : i32 to index
        %parallel_loop3A_78 = tpu.vector_load %arg40[%parallel_loop3A_77] {strides = array<i32>} : memref<4096xf32, #tpu.memory_space<vmem>>, vector<16xf32>,
        %parallel_loop3A_79 = arith.constant 0 : i32
        %parallel_loop3A_80 = vector.broadcast %parallel_loop3A_79 : i32 to vector<16xi32>
        %parallel_loop3A_81 = arith.addi %parallel_loop3A_68, %parallel_loop3A_80 : vector<16xi32>
        %parallel_loop3A_82 = tpu.vector_load_idx %arg22[%parallel_loop3A_81] : memref<14336xf32, #tpu.memory_space<vmem>>[vector<16xi32>], vector<16xf32>,
        %parallel_loop3A_83 = arith.mulf %parallel_loop3A_78, %parallel_loop3A_82 : vector<16xf32>
        %parallel_loop3A_84 = arith.constant 0 : i32
        %parallel_loop3A_85 = vector.broadcast %parallel_loop3A_84 : i32 to vector<16xi32>
        %parallel_loop3A_86 = arith.addi %parallel_loop3A_70, %parallel_loop3A_85 : vector<16xi32>
        %parallel_loop3A_87 = tpu.vector_load_idx %arg24[%parallel_loop3A_86] : memref<14336xf32, #tpu.memory_space<vmem>>[vector<16xi32>], vector<16xf32>,
        %parallel_loop3A_88 = arith.mulf %parallel_loop3A_83, %parallel_loop3A_87 : vector<16xf32>
        %parallel_loop3A_89 = arith.constant 0 : i32
        %parallel_loop3A_90 = vector.broadcast %parallel_loop3A_89 : i32 to vector<16xi32>
        %parallel_loop3A_91 = arith.addi %parallel_loop3A_72, %parallel_loop3A_90 : vector<16xi32>
        %parallel_loop3A_92 = tpu.vector_load_idx %arg24[%parallel_loop3A_91] : memref<14336xf32, #tpu.memory_space<vmem>>[vector<16xi32>], vector<16xf32>,
        %parallel_loop3A_93 = arith.constant 0 : i32
        %parallel_loop3A_94 = vector.broadcast %parallel_loop3A_93 : i32 to vector<16xi32>
        %parallel_loop3A_95 = arith.addi %parallel_loop3A_74, %parallel_loop3A_94 : vector<16xi32>
        %parallel_loop3A_96 = tpu.vector_load_idx %arg24[%parallel_loop3A_95] : memref<14336xf32, #tpu.memory_space<vmem>>[vector<16xi32>], vector<16xf32>,
        %parallel_loop3A_97 = arith.mulf %parallel_loop3A_92, %parallel_loop3A_96 : vector<16xf32>
        %parallel_loop3A_98 = arith.mulf %parallel_loop3A_88, %parallel_loop3A_97 : vector<16xf32>
        %parallel_loop3A_99 = arith.constant 0 : i32
        %parallel_loop3A_100 = vector.broadcast %parallel_loop3A_99 : i32 to vector<16xi32>
        %parallel_loop3A_101 = arith.addi %parallel_loop3A_76, %parallel_loop3A_100 : vector<16xi32>
        tpu.vector_store_idx %arg25[%parallel_loop3A_101], %parallel_loop3A_98 {add = true} : memref<14336xf32, #tpu.memory_space<vmem>>[vector<16xi32>], vector<16xf32>,
        %parallel_loop3A_102 = arith.constant 16 : i32
        %parallel_loop3A_103 = vector.broadcast %parallel_loop3A_102 : i32 to vector<16xi32>
        %parallel_loop3A_104 = arith.addi %parallel_loop3A_68, %parallel_loop3A_103 : vector<16xi32>
        %parallel_loop3A_105 = tpu.vector_load_idx %arg22[%parallel_loop3A_104] : memref<14336xf32, #tpu.memory_space<vmem>>[vector<16xi32>], vector<16xf32>,
        %parallel_loop3A_106 = arith.mulf %parallel_loop3A_78, %parallel_loop3A_105 : vector<16xf32>
        %parallel_loop3A_107 = arith.constant 16 : i32
        %parallel_loop3A_108 = vector.broadcast %parallel_loop3A_107 : i32 to vector<16xi32>
        %parallel_loop3A_109 = arith.addi %parallel_loop3A_70, %parallel_loop3A_108 : vector<16xi32>
        %parallel_loop3A_110 = tpu.vector_load_idx %arg24[%parallel_loop3A_109] : memref<14336xf32, #tpu.memory_space<vmem>>[vector<16xi32>], vector<16xf32>,
        %parallel_loop3A_111 = arith.mulf %parallel_loop3A_106, %parallel_loop3A_110 : vector<16xf32>
        %parallel_loop3A_112 = arith.constant 16 : i32
        %parallel_loop3A_113 = vector.broadcast %parallel_loop3A_112 : i32 to vector<16xi32>
        %parallel_loop3A_114 = arith.addi %parallel_loop3A_72, %parallel_loop3A_113 : vector<16xi32>
        %parallel_loop3A_115 = tpu.vector_load_idx %arg24[%parallel_loop3A_114] : memref<14336xf32, #tpu.memory_space<vmem>>[vector<16xi32>], vector<16xf32>,
        %parallel_loop3A_116 = arith.constant 16 : i32
        %parallel_loop3A_117 = vector.broadcast %parallel_loop3A_116 : i32 to vector<16xi32>
        %parallel_loop3A_118 = arith.addi %parallel_loop3A_74, %parallel_loop3A_117 : vector<16xi32>
        %parallel_loop3A_119 = tpu.vector_load_idx %arg24[%parallel_loop3A_118] : memref<14336xf32, #tpu.memory_space<vmem>>[vector<16xi32>], vector<16xf32>,
        %parallel_loop3A_120 = arith.mulf %parallel_loop3A_115, %parallel_loop3A_119 : vector<16xf32>
        %parallel_loop3A_121 = arith.mulf %parallel_loop3A_111, %parallel_loop3A_120 : vector<16xf32>
        %parallel_loop3A_122 = arith.constant 16 : i32
        %parallel_loop3A_123 = vector.broadcast %parallel_loop3A_122 : i32 to vector<16xi32>
        %parallel_loop3A_124 = arith.addi %parallel_loop3A_76, %parallel_loop3A_123 : vector<16xi32>
        tpu.vector_store_idx %arg25[%parallel_loop3A_124], %parallel_loop3A_121 {add = true} : memref<14336xf32, #tpu.memory_space<vmem>>[vector<16xi32>], vector<16xf32>,
        %parallel_loop3A_125 = arith.constant 32 : i32
        %parallel_loop3A_126 = vector.broadcast %parallel_loop3A_125 : i32 to vector<16xi32>
        %parallel_loop3A_127 = arith.addi %parallel_loop3A_68, %parallel_loop3A_126 : vector<16xi32>
        %parallel_loop3A_128 = tpu.vector_load_idx %arg22[%parallel_loop3A_127] : memref<14336xf32, #tpu.memory_space<vmem>>[vector<16xi32>], vector<16xf32>,
        %parallel_loop3A_129 = arith.mulf %parallel_loop3A_78, %parallel_loop3A_128 : vector<16xf32>
        %parallel_loop3A_130 = arith.constant 32 : i32
        %parallel_loop3A_131 = vector.broadcast %parallel_loop3A_130 : i32 to vector<16xi32>
        %parallel_loop3A_132 = arith.addi %parallel_loop3A_70, %parallel_loop3A_131 : vector<16xi32>
        %parallel_loop3A_133 = tpu.vector_load_idx %arg24[%parallel_loop3A_132] : memref<14336xf32, #tpu.memory_space<vmem>>[vector<16xi32>], vector<16xf32>,
        %parallel_loop3A_134 = arith.mulf %parallel_loop3A_129, %parallel_loop3A_133 : vector<16xf32>
        %parallel_loop3A_135 = arith.constant 32 : i32
        %parallel_loop3A_136 = vector.broadcast %parallel_loop3A_135 : i32 to vector<16xi32>
        %parallel_loop3A_137 = arith.addi %parallel_loop3A_72, %parallel_loop3A_136 : vector<16xi32>
        %parallel_loop3A_138 = tpu.vector_load_idx %arg24[%parallel_loop3A_137] : memref<14336xf32, #tpu.memory_space<vmem>>[vector<16xi32>], vector<16xf32>,
        %parallel_loop3A_139 = arith.constant 32 : i32
        %parallel_loop3A_140 = vector.broadcast %parallel_loop3A_139 : i32 to vector<16xi32>
        %parallel_loop3A_141 = arith.addi %parallel_loop3A_74, %parallel_loop3A_140 : vector<16xi32>
        %parallel_loop3A_142 = tpu.vector_load_idx %arg24[%parallel_loop3A_141] : memref<14336xf32, #tpu.memory_space<vmem>>[vector<16xi32>], vector<16xf32>,
        %parallel_loop3A_143 = arith.mulf %parallel_loop3A_138, %parallel_loop3A_142 : vector<16xf32>
        %parallel_loop3A_144 = arith.mulf %parallel_loop3A_134, %parallel_loop3A_143 : vector<16xf32>
        %parallel_loop3A_145 = arith.constant 32 : i32
        %parallel_loop3A_146 = vector.broadcast %parallel_loop3A_145 : i32 to vector<16xi32>
        %parallel_loop3A_147 = arith.addi %parallel_loop3A_76, %parallel_loop3A_146 : vector<16xi32>
        tpu.vector_store_idx %arg25[%parallel_loop3A_147], %parallel_loop3A_144 {add = true} : memref<14336xf32, #tpu.memory_space<vmem>>[vector<16xi32>], vector<16xf32>,
        %parallel_loop3A_148 = arith.constant 48 : i32
        %parallel_loop3A_149 = vector.broadcast %parallel_loop3A_148 : i32 to vector<16xi32>
        %parallel_loop3A_150 = arith.addi %parallel_loop3A_68, %parallel_loop3A_149 : vector<16xi32>
        %parallel_loop3A_151 = tpu.vector_load_idx %arg22[%parallel_loop3A_150] : memref<14336xf32, #tpu.memory_space<vmem>>[vector<16xi32>], vector<16xf32>,
        %parallel_loop3A_152 = arith.mulf %parallel_loop3A_78, %parallel_loop3A_151 : vector<16xf32>
        %parallel_loop3A_153 = arith.constant 48 : i32
        %parallel_loop3A_154 = vector.broadcast %parallel_loop3A_153 : i32 to vector<16xi32>
        %parallel_loop3A_155 = arith.addi %parallel_loop3A_70, %parallel_loop3A_154 : vector<16xi32>
        %parallel_loop3A_156 = tpu.vector_load_idx %arg24[%parallel_loop3A_155] : memref<14336xf32, #tpu.memory_space<vmem>>[vector<16xi32>], vector<16xf32>,
        %parallel_loop3A_157 = arith.mulf %parallel_loop3A_152, %parallel_loop3A_156 : vector<16xf32>
        %parallel_loop3A_158 = arith.constant 48 : i32
        %parallel_loop3A_159 = vector.broadcast %parallel_loop3A_158 : i32 to vector<16xi32>
        %parallel_loop3A_160 = arith.addi %parallel_loop3A_72, %parallel_loop3A_159 : vector<16xi32>
        %parallel_loop3A_161 = tpu.vector_load_idx %arg24[%parallel_loop3A_160] : memref<14336xf32, #tpu.memory_space<vmem>>[vector<16xi32>], vector<16xf32>,
        %parallel_loop3A_162 = arith.constant 48 : i32
        %parallel_loop3A_163 = vector.broadcast %parallel_loop3A_162 : i32 to vector<16xi32>
        %parallel_loop3A_164 = arith.addi %parallel_loop3A_74, %parallel_loop3A_163 : vector<16xi32>
        %parallel_loop3A_165 = tpu.vector_load_idx %arg24[%parallel_loop3A_164] : memref<14336xf32, #tpu.memory_space<vmem>>[vector<16xi32>], vector<16xf32>,
        %parallel_loop3A_166 = arith.mulf %parallel_loop3A_161, %parallel_loop3A_165 : vector<16xf32>
        %parallel_loop3A_167 = arith.mulf %parallel_loop3A_157, %parallel_loop3A_166 : vector<16xf32>
        %parallel_loop3A_168 = arith.constant 48 : i32
        %parallel_loop3A_169 = vector.broadcast %parallel_loop3A_168 : i32 to vector<16xi32>
        %parallel_loop3A_170 = arith.addi %parallel_loop3A_76, %parallel_loop3A_169 : vector<16xi32>
        tpu.vector_store_idx %arg25[%parallel_loop3A_170], %parallel_loop3A_167 {add = true} : memref<14336xf32, #tpu.memory_space<vmem>>[vector<16xi32>], vector<16xf32>,
        %parallel_loop3A_171 = arith.constant 64 : i32
        %parallel_loop3A_172 = vector.broadcast %parallel_loop3A_171 : i32 to vector<16xi32>
        %parallel_loop3A_173 = arith.addi %parallel_loop3A_68, %parallel_loop3A_172 : vector<16xi32>
        %parallel_loop3A_174 = tpu.vector_load_idx %arg22[%parallel_loop3A_173] : memref<14336xf32, #tpu.memory_space<vmem>>[vector<16xi32>], vector<16xf32>,
        %parallel_loop3A_175 = arith.mulf %parallel_loop3A_78, %parallel_loop3A_174 : vector<16xf32>
        %parallel_loop3A_176 = arith.constant 64 : i32
        %parallel_loop3A_177 = vector.broadcast %parallel_loop3A_176 : i32 to vector<16xi32>
        %parallel_loop3A_178 = arith.addi %parallel_loop3A_70, %parallel_loop3A_177 : vector<16xi32>
        %parallel_loop3A_179 = tpu.vector_load_idx %arg24[%parallel_loop3A_178] : memref<14336xf32, #tpu.memory_space<vmem>>[vector<16xi32>], vector<16xf32>,
        %parallel_loop3A_180 = arith.mulf %parallel_loop3A_175, %parallel_loop3A_179 : vector<16xf32>
        %parallel_loop3A_181 = arith.constant 64 : i32
        %parallel_loop3A_182 = vector.broadcast %parallel_loop3A_181 : i32 to vector<16xi32>
        %parallel_loop3A_183 = arith.addi %parallel_loop3A_72, %parallel_loop3A_182 : vector<16xi32>
        %parallel_loop3A_184 = tpu.vector_load_idx %arg24[%parallel_loop3A_183] : memref<14336xf32, #tpu.memory_space<vmem>>[vector<16xi32>], vector<16xf32>,
        %parallel_loop3A_185 = arith.constant 64 : i32
        %parallel_loop3A_186 = vector.broadcast %parallel_loop3A_185 : i32 to vector<16xi32>
        %parallel_loop3A_187 = arith.addi %parallel_loop3A_74, %parallel_loop3A_186 : vector<16xi32>
        %parallel_loop3A_188 = tpu.vector_load_idx %arg24[%parallel_loop3A_187] : memref<14336xf32, #tpu.memory_space<vmem>>[vector<16xi32>], vector<16xf32>,
        %parallel_loop3A_189 = arith.mulf %parallel_loop3A_184, %parallel_loop3A_188 : vector<16xf32>
        %parallel_loop3A_190 = arith.mulf %parallel_loop3A_180, %parallel_loop3A_189 : vector<16xf32>
        %parallel_loop3A_191 = arith.constant 64 : i32
        %parallel_loop3A_192 = vector.broadcast %parallel_loop3A_191 : i32 to vector<16xi32>
        %parallel_loop3A_193 = arith.addi %parallel_loop3A_76, %parallel_loop3A_192 : vector<16xi32>
        tpu.vector_store_idx %arg25[%parallel_loop3A_193], %parallel_loop3A_190 {add = true} : memref<14336xf32, #tpu.memory_space<vmem>>[vector<16xi32>], vector<16xf32>,
        %parallel_loop3A_194 = arith.constant 80 : i32
        %parallel_loop3A_195 = vector.broadcast %parallel_loop3A_194 : i32 to vector<16xi32>
        %parallel_loop3A_196 = arith.addi %parallel_loop3A_68, %parallel_loop3A_195 : vector<16xi32>
        %parallel_loop3A_197 = tpu.vector_load_idx %arg22[%parallel_loop3A_196] : memref<14336xf32, #tpu.memory_space<vmem>>[vector<16xi32>], vector<16xf32>,
        %parallel_loop3A_198 = arith.mulf %parallel_loop3A_78, %parallel_loop3A_197 : vector<16xf32>
        %parallel_loop3A_199 = arith.constant 80 : i32
        %parallel_loop3A_200 = vector.broadcast %parallel_loop3A_199 : i32 to vector<16xi32>
        %parallel_loop3A_201 = arith.addi %parallel_loop3A_70, %parallel_loop3A_200 : vector<16xi32>
        %parallel_loop3A_202 = tpu.vector_load_idx %arg24[%parallel_loop3A_201] : memref<14336xf32, #tpu.memory_space<vmem>>[vector<16xi32>], vector<16xf32>,
        %parallel_loop3A_203 = arith.mulf %parallel_loop3A_198, %parallel_loop3A_202 : vector<16xf32>
        %parallel_loop3A_204 = arith.constant 80 : i32
        %parallel_loop3A_205 = vector.broadcast %parallel_loop3A_204 : i32 to vector<16xi32>
        %parallel_loop3A_206 = arith.addi %parallel_loop3A_72, %parallel_loop3A_205 : vector<16xi32>
        %parallel_loop3A_207 = tpu.vector_load_idx %arg24[%parallel_loop3A_206] : memref<14336xf32, #tpu.memory_space<vmem>>[vector<16xi32>], vector<16xf32>,
        %parallel_loop3A_208 = arith.constant 80 : i32
        %parallel_loop3A_209 = vector.broadcast %parallel_loop3A_208 : i32 to vector<16xi32>
        %parallel_loop3A_210 = arith.addi %parallel_loop3A_74, %parallel_loop3A_209 : vector<16xi32>
        %parallel_loop3A_211 = tpu.vector_load_idx %arg24[%parallel_loop3A_210] : memref<14336xf32, #tpu.memory_space<vmem>>[vector<16xi32>], vector<16xf32>,
        %parallel_loop3A_212 = arith.mulf %parallel_loop3A_207, %parallel_loop3A_211 : vector<16xf32>
        %parallel_loop3A_213 = arith.mulf %parallel_loop3A_203, %parallel_loop3A_212 : vector<16xf32>
        %parallel_loop3A_214 = arith.constant 80 : i32
        %parallel_loop3A_215 = vector.broadcast %parallel_loop3A_214 : i32 to vector<16xi32>
        %parallel_loop3A_216 = arith.addi %parallel_loop3A_76, %parallel_loop3A_215 : vector<16xi32>
        tpu.vector_store_idx %arg25[%parallel_loop3A_216], %parallel_loop3A_213 {add = true} : memref<14336xf32, #tpu.memory_space<vmem>>[vector<16xi32>], vector<16xf32>,
        %parallel_loop3A_217 = arith.constant 96 : i32
        %parallel_loop3A_218 = vector.broadcast %parallel_loop3A_217 : i32 to vector<16xi32>
        %parallel_loop3A_219 = arith.addi %parallel_loop3A_68, %parallel_loop3A_218 : vector<16xi32>
        %parallel_loop3A_220 = tpu.vector_load_idx %arg22[%parallel_loop3A_219] : memref<14336xf32, #tpu.memory_space<vmem>>[vector<16xi32>], vector<16xf32>,
        %parallel_loop3A_221 = arith.mulf %parallel_loop3A_78, %parallel_loop3A_220 : vector<16xf32>
        %parallel_loop3A_222 = arith.constant 96 : i32
        %parallel_loop3A_223 = vector.broadcast %parallel_loop3A_222 : i32 to vector<16xi32>
        %parallel_loop3A_224 = arith.addi %parallel_loop3A_70, %parallel_loop3A_223 : vector<16xi32>
        %parallel_loop3A_225 = tpu.vector_load_idx %arg24[%parallel_loop3A_224] : memref<14336xf32, #tpu.memory_space<vmem>>[vector<16xi32>], vector<16xf32>,
        %parallel_loop3A_226 = arith.mulf %parallel_loop3A_221, %parallel_loop3A_225 : vector<16xf32>
        %parallel_loop3A_227 = arith.constant 96 : i32
        %parallel_loop3A_228 = vector.broadcast %parallel_loop3A_227 : i32 to vector<16xi32>
        %parallel_loop3A_229 = arith.addi %parallel_loop3A_72, %parallel_loop3A_228 : vector<16xi32>
        %parallel_loop3A_230 = tpu.vector_load_idx %arg24[%parallel_loop3A_229] : memref<14336xf32, #tpu.memory_space<vmem>>[vector<16xi32>], vector<16xf32>,
        %parallel_loop3A_231 = arith.constant 96 : i32
        %parallel_loop3A_232 = vector.broadcast %parallel_loop3A_231 : i32 to vector<16xi32>
        %parallel_loop3A_233 = arith.addi %parallel_loop3A_74, %parallel_loop3A_232 : vector<16xi32>
        %parallel_loop3A_234 = tpu.vector_load_idx %arg24[%parallel_loop3A_233] : memref<14336xf32, #tpu.memory_space<vmem>>[vector<16xi32>], vector<16xf32>,
        %parallel_loop3A_235 = arith.mulf %parallel_loop3A_230, %parallel_loop3A_234 : vector<16xf32>
        %parallel_loop3A_236 = arith.mulf %parallel_loop3A_226, %parallel_loop3A_235 : vector<16xf32>
        %parallel_loop3A_237 = arith.constant 96 : i32
        %parallel_loop3A_238 = vector.broadcast %parallel_loop3A_237 : i32 to vector<16xi32>
        %parallel_loop3A_239 = arith.addi %parallel_loop3A_76, %parallel_loop3A_238 : vector<16xi32>
        tpu.vector_store_idx %arg25[%parallel_loop3A_239], %parallel_loop3A_236 {add = true} : memref<14336xf32, #tpu.memory_space<vmem>>[vector<16xi32>], vector<16xf32>,
      } {sc.loop_unroll_factor = 2 : i64, sc.parallel_access}
      %mul3A_63 = arith.constant 14336 : i32
      %mul3A_64 = arith.muli %min3A_17, %mul3A_63 : i32
      "tpu.region"() ({
        %run_scoped3A = tpu.sem_alloc : memref<!tpu.dma_semaphore, #tpu.memory_space<semaphore_mem>>
        %dma_start3A = tpu.memref_slice %arg20[%mul3A_64] : memref<1820672xf32, #tpu.memory_space<hbm>> -> memref<14336xf32, #tpu.memory_space<hbm>>
        %dma_start3A_66 = tpu.memref_slice %arg20[%mul3A_64] : memref<1820672xf32, #tpu.memory_space<hbm>> -> memref<14336xf32, #tpu.memory_space<hbm>>
        tpu.enqueue_dma source(%arg25 : memref<14336xf32, #tpu.memory_space<vmem>>) target(%dma_start3A_66 : memref<14336xf32, #tpu.memory_space<hbm>>) target_semaphore(%run_scoped3A : memref<!tpu.dma_semaphore, #tpu.memory_space<semaphore_mem>>)
        %dma_wait3A = tpu.memref_slice %arg20[%mul3A_64] : memref<1820672xf32, #tpu.memory_space<hbm>> -> memref<14336xf32, #tpu.memory_space<hbm>>
        %dma_wait3A_67 = tpu.memref_slice %arg20[%mul3A_64] : memref<1820672xf32, #tpu.memory_space<hbm>> -> memref<14336xf32, #tpu.memory_space<hbm>>
        tpu.wait_dma2 semaphore(%run_scoped3A : memref<!tpu.dma_semaphore, #tpu.memory_space<semaphore_mem>>) src(%arg25 : memref<14336xf32, #tpu.memory_space<vmem>>) dst(%dma_wait3A_67 : memref<14336xf32, #tpu.memory_space<hbm>>)
        tpu.yield
      }) : () -> ()
      %scan3A_65 = arith.constant 0 : i32
      scf.yield %scan3A_65 : i32
    }
    %scan3A_12 = arith.constant 4 : i32
    return
  }
}

module attributes {stable_mosaic.version = 14 : i64} {
  func.func @_tc_body(%arg0: i32, %arg1: memref<64x128xf32, #tpu.memory_space<vmem>>, %arg2: memref<1x1x512xi32, #tpu.memory_space<vmem>>, %arg3: memref<512x128xf32, #tpu.memory_space<vmem>>, %arg4: memref<128x64xf32, #tpu.memory_space<vmem>>, %arg5: memref<128x64xf32, #tpu.memory_space<vmem>>, %arg6: memref<64x128xf32, #tpu.memory_space<vmem>>, %arg7: memref<128x128xf32, #tpu.memory_space<vmem>>, %arg8: memref<128x128xf32, #tpu.memory_space<vmem>>, %arg9: memref<128x128xf32, #tpu.memory_space<vmem>>, %arg10: memref<128x128xf32, #tpu.memory_space<vmem>>, %arg11: memref<128x256xf32, #tpu.memory_space<vmem>>, %arg12: memref<128x256xf32, #tpu.memory_space<vmem>>, %arg13: memref<128x256xf32, #tpu.memory_space<vmem>>, %arg14: memref<128x256xf32, #tpu.memory_space<vmem>>, %arg15: memref<256x128xf32, #tpu.memory_space<vmem>>, %arg16: memref<512x128xf32, #tpu.memory_space<vmem>>) attributes {dimension_semantics = [#tpu.dimension_semantics<arbitrary>], iteration_bounds = array<i64: 70>, scalar_prefetch = 0 : i64, scratch_operands = 0 : i64, tpu.core_type = #tpu.core_type<tc>, window_params = [{pipeline_mode = #tpu.pipeline_mode<synchronous>, transform_indices = @transform_0, window_bounds = array<i64: 64, 128>}, {transform_indices = @transform_1, window_bounds = array<i64: 1, 1, 512>}, {transform_indices = @transform_2, window_bounds = array<i64: 512, 128>}, {pipeline_mode = #tpu.pipeline_mode<synchronous>, transform_indices = @transform_3, window_bounds = array<i64: 128, 64>}, {pipeline_mode = #tpu.pipeline_mode<synchronous>, transform_indices = @transform_4, window_bounds = array<i64: 128, 64>}, {pipeline_mode = #tpu.pipeline_mode<synchronous>, transform_indices = @transform_5, window_bounds = array<i64: 64, 128>}, {pipeline_mode = #tpu.pipeline_mode<synchronous>, transform_indices = @transform_6, window_bounds = array<i64: 128, 128>}, {pipeline_mode = #tpu.pipeline_mode<synchronous>, transform_indices = @transform_7, window_bounds = array<i64: 128, 128>}, {pipeline_mode = #tpu.pipeline_mode<synchronous>, transform_indices = @transform_8, window_bounds = array<i64: 128, 128>}, {pipeline_mode = #tpu.pipeline_mode<synchronous>, transform_indices = @transform_9, window_bounds = array<i64: 128, 128>}, {pipeline_mode = #tpu.pipeline_mode<synchronous>, transform_indices = @transform_10, window_bounds = array<i64: 128, 256>}, {pipeline_mode = #tpu.pipeline_mode<synchronous>, transform_indices = @transform_11, window_bounds = array<i64: 128, 256>}, {pipeline_mode = #tpu.pipeline_mode<synchronous>, transform_indices = @transform_12, window_bounds = array<i64: 128, 256>}, {pipeline_mode = #tpu.pipeline_mode<synchronous>, transform_indices = @transform_13, window_bounds = array<i64: 128, 256>}, {pipeline_mode = #tpu.pipeline_mode<synchronous>, transform_indices = @transform_14, window_bounds = array<i64: 256, 128>}, {transform_indices = @transform_15, window_bounds = array<i64: 512, 128>}]} {
    %get3A = arith.constant 0 : index
    %get3A_0 = arith.constant 0 : index
    %get3A_1 = vector.load %arg3[%get3A, %get3A_0] : memref<512x128xf32, #tpu.memory_space<vmem>>, vector<512x128xf32>
    %get3A_2 = arith.constant 0 : index
    %get3A_3 = arith.constant 0 : index
    %get3A_4 = arith.constant 0 : index
    %get3A_5 = vector.load %arg2[%get3A_2, %get3A_3, %get3A_4] : memref<1x1x512xi32, #tpu.memory_space<vmem>>, vector<1x1x512xi32>
    %get3A_6 = vector.shape_cast %get3A_5 : vector<1x1x512xi32> to vector<512xi32>
    %broadcast_in_dim3A = vector.shape_cast %get3A_6 : vector<512xi32> to vector<512x1xi32>
    %iota3A = tpu.iota {dimensions = array<i32: 1>} : vector<1x64xi32>
    %eq3A = vector.broadcast %broadcast_in_dim3A : vector<512x1xi32> to vector<512x64xi32>
    %eq3A_7 = vector.broadcast %iota3A : vector<1x64xi32> to vector<512x64xi32>
    %eq3A_8 = arith.cmpi eq, %eq3A, %eq3A_7 : vector<512x64xi32>
    %convert_element_type3A = arith.extui %eq3A_8 : vector<512x64xi1> to vector<512x64xi32>
    %convert_element_type3A_9 = arith.sitofp %convert_element_type3A : vector<512x64xi32> to vector<512x64xf32>
    %get3A_10 = arith.constant 0 : index
    %get3A_11 = arith.constant 0 : index
    %get3A_12 = vector.load %arg1[%get3A_10, %get3A_11] : memref<64x128xf32, #tpu.memory_space<vmem>>, vector<64x128xf32>
    %dot_general3A = arith.constant dense<0.000000e+00> : vector<512x128xf32>
    %dot_general3A_13 = tpu.matmul %convert_element_type3A_9, %get3A_12, %dot_general3A {dimension_numbers = #tpu.dot_dimension_numbers<[1], [0], [0], [1], [0, 0, 1, 1], [], []>, transpose_lhs_hint = false} : vector<512x64xf32>, vector<64x128xf32>, vector<512x128xf32> -> vector<512x128xf32>
    %get3A_14 = arith.constant 0 : index
    %get3A_15 = arith.constant 0 : index
    %get3A_16 = vector.load %arg4[%get3A_14, %get3A_15] : memref<128x64xf32, #tpu.memory_space<vmem>>, vector<128x64xf32>
    %get3A_17 = arith.constant 0 : index
    %get3A_18 = arith.constant 0 : index
    %get3A_19 = vector.load %arg5[%get3A_17, %get3A_18] : memref<128x64xf32, #tpu.memory_space<vmem>>, vector<128x64xf32>
    %get3A_20 = arith.constant 0 : index
    %get3A_21 = arith.constant 0 : index
    %get3A_22 = vector.load %arg6[%get3A_20, %get3A_21] : memref<64x128xf32, #tpu.memory_space<vmem>>, vector<64x128xf32>
    %dot_general3A_23 = arith.constant dense<0.000000e+00> : vector<512x64xf32>
    %dot_general3A_24 = tpu.matmul %dot_general3A_13, %get3A_16, %dot_general3A_23 {dimension_numbers = #tpu.dot_dimension_numbers<[1], [0], [0], [1], [0, 0, 1, 1], [], []>, transpose_lhs_hint = false} : vector<512x128xf32>, vector<128x64xf32>, vector<512x64xf32> -> vector<512x64xf32>
    %dot_general3A_25 = arith.constant dense<0.000000e+00> : vector<512x64xf32>
    %dot_general3A_26 = tpu.matmul %get3A_1, %get3A_19, %dot_general3A_25 {dimension_numbers = #tpu.dot_dimension_numbers<[1], [0], [0], [1], [0, 0, 1, 1], [], []>, transpose_lhs_hint = false} : vector<512x128xf32>, vector<128x64xf32>, vector<512x64xf32> -> vector<512x64xf32>
    %mul3A = arith.mulf %dot_general3A_24, %dot_general3A_26 : vector<512x64xf32>
    %dot_general3A_27 = arith.constant dense<0.000000e+00> : vector<512x128xf32>
    %dot_general3A_28 = tpu.matmul %mul3A, %get3A_22, %dot_general3A_27 {dimension_numbers = #tpu.dot_dimension_numbers<[1], [0], [0], [1], [0, 0, 1, 1], [], []>, transpose_lhs_hint = false} : vector<512x64xf32>, vector<64x128xf32>, vector<512x128xf32> -> vector<512x128xf32>
    %get3A_29 = arith.constant 0 : index
    %get3A_30 = arith.constant 0 : index
    %get3A_31 = vector.load %arg7[%get3A_29, %get3A_30] : memref<128x128xf32, #tpu.memory_space<vmem>>, vector<128x128xf32>
    %get3A_32 = arith.constant 0 : index
    %get3A_33 = arith.constant 0 : index
    %get3A_34 = vector.load %arg8[%get3A_32, %get3A_33] : memref<128x128xf32, #tpu.memory_space<vmem>>, vector<128x128xf32>
    %get3A_35 = arith.constant 0 : index
    %get3A_36 = arith.constant 0 : index
    %get3A_37 = vector.load %arg9[%get3A_35, %get3A_36] : memref<128x128xf32, #tpu.memory_space<vmem>>, vector<128x128xf32>
    %get3A_38 = arith.constant 0 : index
    %get3A_39 = arith.constant 0 : index
    %get3A_40 = vector.load %arg10[%get3A_38, %get3A_39] : memref<128x128xf32, #tpu.memory_space<vmem>>, vector<128x128xf32>
    %dot_general3A_41 = arith.constant dense<0.000000e+00> : vector<512x128xf32>
    %dot_general3A_42 = tpu.matmul %dot_general3A_13, %get3A_31, %dot_general3A_41 {dimension_numbers = #tpu.dot_dimension_numbers<[1], [0], [0], [1], [0, 0, 1, 1], [], []>, transpose_lhs_hint = false} : vector<512x128xf32>, vector<128x128xf32>, vector<512x128xf32> -> vector<512x128xf32>
    %dot_general3A_43 = arith.constant dense<0.000000e+00> : vector<512x128xf32>
    %dot_general3A_44 = tpu.matmul %get3A_1, %get3A_34, %dot_general3A_43 {dimension_numbers = #tpu.dot_dimension_numbers<[1], [0], [0], [1], [0, 0, 1, 1], [], []>, transpose_lhs_hint = false} : vector<512x128xf32>, vector<128x128xf32>, vector<512x128xf32> -> vector<512x128xf32>
    %mul3A_45 = arith.mulf %dot_general3A_42, %dot_general3A_44 : vector<512x128xf32>
    %dot_general3A_46 = arith.constant dense<0.000000e+00> : vector<512x128xf32>
    %dot_general3A_47 = tpu.matmul %get3A_1, %get3A_37, %dot_general3A_46 {dimension_numbers = #tpu.dot_dimension_numbers<[1], [0], [0], [1], [0, 0, 1, 1], [], []>, transpose_lhs_hint = false} : vector<512x128xf32>, vector<128x128xf32>, vector<512x128xf32> -> vector<512x128xf32>
    %mul3A_48 = arith.mulf %mul3A_45, %dot_general3A_47 : vector<512x128xf32>
    %dot_general3A_49 = arith.constant dense<0.000000e+00> : vector<512x128xf32>
    %dot_general3A_50 = tpu.matmul %mul3A_48, %get3A_40, %dot_general3A_49 {dimension_numbers = #tpu.dot_dimension_numbers<[1], [0], [0], [1], [0, 0, 1, 1], [], []>, transpose_lhs_hint = false} : vector<512x128xf32>, vector<128x128xf32>, vector<512x128xf32> -> vector<512x128xf32>
    %add3A = arith.addf %dot_general3A_28, %dot_general3A_50 : vector<512x128xf32>
    %get3A_51 = arith.constant 0 : index
    %get3A_52 = arith.constant 0 : index
    %get3A_53 = vector.load %arg11[%get3A_51, %get3A_52] : memref<128x256xf32, #tpu.memory_space<vmem>>, vector<128x256xf32>
    %get3A_54 = arith.constant 0 : index
    %get3A_55 = arith.constant 0 : index
    %get3A_56 = vector.load %arg12[%get3A_54, %get3A_55] : memref<128x256xf32, #tpu.memory_space<vmem>>, vector<128x256xf32>
    %get3A_57 = arith.constant 0 : index
    %get3A_58 = arith.constant 0 : index
    %get3A_59 = vector.load %arg13[%get3A_57, %get3A_58] : memref<128x256xf32, #tpu.memory_space<vmem>>, vector<128x256xf32>
    %get3A_60 = arith.constant 0 : index
    %get3A_61 = arith.constant 0 : index
    %get3A_62 = vector.load %arg14[%get3A_60, %get3A_61] : memref<128x256xf32, #tpu.memory_space<vmem>>, vector<128x256xf32>
    %get3A_63 = arith.constant 0 : index
    %get3A_64 = arith.constant 0 : index
    %get3A_65 = vector.load %arg15[%get3A_63, %get3A_64] : memref<256x128xf32, #tpu.memory_space<vmem>>, vector<256x128xf32>
    %dot_general3A_66 = arith.constant dense<0.000000e+00> : vector<512x256xf32>
    %dot_general3A_67 = tpu.matmul %dot_general3A_13, %get3A_53, %dot_general3A_66 {dimension_numbers = #tpu.dot_dimension_numbers<[1], [0], [0], [1], [0, 0, 1, 1], [], []>, transpose_lhs_hint = false} : vector<512x128xf32>, vector<128x256xf32>, vector<512x256xf32> -> vector<512x256xf32>
    %dot_general3A_68 = arith.constant dense<0.000000e+00> : vector<512x256xf32>
    %dot_general3A_69 = tpu.matmul %get3A_1, %get3A_56, %dot_general3A_68 {dimension_numbers = #tpu.dot_dimension_numbers<[1], [0], [0], [1], [0, 0, 1, 1], [], []>, transpose_lhs_hint = false} : vector<512x128xf32>, vector<128x256xf32>, vector<512x256xf32> -> vector<512x256xf32>
    %mul3A_70 = arith.mulf %dot_general3A_67, %dot_general3A_69 : vector<512x256xf32>
    %dot_general3A_71 = arith.constant dense<0.000000e+00> : vector<512x256xf32>
    %dot_general3A_72 = tpu.matmul %get3A_1, %get3A_59, %dot_general3A_71 {dimension_numbers = #tpu.dot_dimension_numbers<[1], [0], [0], [1], [0, 0, 1, 1], [], []>, transpose_lhs_hint = false} : vector<512x128xf32>, vector<128x256xf32>, vector<512x256xf32> -> vector<512x256xf32>
    %mul3A_73 = arith.mulf %mul3A_70, %dot_general3A_72 : vector<512x256xf32>
    %dot_general3A_74 = arith.constant dense<0.000000e+00> : vector<512x256xf32>
    %dot_general3A_75 = tpu.matmul %get3A_1, %get3A_62, %dot_general3A_74 {dimension_numbers = #tpu.dot_dimension_numbers<[1], [0], [0], [1], [0, 0, 1, 1], [], []>, transpose_lhs_hint = false} : vector<512x128xf32>, vector<128x256xf32>, vector<512x256xf32> -> vector<512x256xf32>
    %mul3A_76 = arith.mulf %mul3A_73, %dot_general3A_75 : vector<512x256xf32>
    %dot_general3A_77 = arith.constant dense<0.000000e+00> : vector<512x128xf32>
    %dot_general3A_78 = tpu.matmul %mul3A_76, %get3A_65, %dot_general3A_77 {dimension_numbers = #tpu.dot_dimension_numbers<[1], [0], [0], [1], [0, 0, 1, 1], [], []>, transpose_lhs_hint = false} : vector<512x256xf32>, vector<256x128xf32>, vector<512x128xf32> -> vector<512x128xf32>
    %add3A_79 = arith.addf %add3A, %dot_general3A_78 : vector<512x128xf32>
    %swap3A = arith.constant 0 : index
    %swap3A_80 = arith.constant 0 : index
    %swap3A_81 = vector.load %arg16[%swap3A, %swap3A_80] : memref<512x128xf32, #tpu.memory_space<vmem>>, vector<512x128xf32>
    tpu.vector_store %arg16[%swap3A, %swap3A_80], %add3A_79 {strides = array<i32>} : memref<512x128xf32, #tpu.memory_space<vmem>>, vector<512x128xf32>,
    return
  }
  func.func @transform_0(%arg0: i32) -> (i32, i32) {
    %c0_i32 = arith.constant 0 : i32
    %c0_i32_0 = arith.constant 0 : i32
    %c0_i32_1 = arith.constant 0 : i32
    return %c0_i32, %c0_i32_0 : i32, i32
  }
  func.func @transform_1(%arg0: i32) -> (i32, i32, i32) {
    %c0_i32 = arith.constant 0 : i32
    %c0_i32_0 = arith.constant 0 : i32
    %c0_i32_1 = arith.constant 0 : i32
    return %arg0, %c0_i32, %c0_i32_0 : i32, i32, i32
  }
  func.func @transform_2(%arg0: i32) -> (i32, i32) {
    %c0_i32 = arith.constant 0 : i32
    %c0_i32_0 = arith.constant 0 : i32
    return %arg0, %c0_i32 : i32, i32
  }
  func.func @transform_3(%arg0: i32) -> (i32, i32) {
    %c0_i32 = arith.constant 0 : i32
    %c0_i32_0 = arith.constant 0 : i32
    %c0_i32_1 = arith.constant 0 : i32
    return %c0_i32, %c0_i32_0 : i32, i32
  }
  func.func @transform_4(%arg0: i32) -> (i32, i32) {
    %c0_i32 = arith.constant 0 : i32
    %c0_i32_0 = arith.constant 0 : i32
    %c0_i32_1 = arith.constant 0 : i32
    return %c0_i32, %c0_i32_0 : i32, i32
  }
  func.func @transform_5(%arg0: i32) -> (i32, i32) {
    %c0_i32 = arith.constant 0 : i32
    %c0_i32_0 = arith.constant 0 : i32
    %c0_i32_1 = arith.constant 0 : i32
    return %c0_i32, %c0_i32_0 : i32, i32
  }
  func.func @transform_6(%arg0: i32) -> (i32, i32) {
    %c0_i32 = arith.constant 0 : i32
    %c0_i32_0 = arith.constant 0 : i32
    %c0_i32_1 = arith.constant 0 : i32
    return %c0_i32, %c0_i32_0 : i32, i32
  }
  func.func @transform_7(%arg0: i32) -> (i32, i32) {
    %c0_i32 = arith.constant 0 : i32
    %c0_i32_0 = arith.constant 0 : i32
    %c0_i32_1 = arith.constant 0 : i32
    return %c0_i32, %c0_i32_0 : i32, i32
  }
  func.func @transform_8(%arg0: i32) -> (i32, i32) {
    %c0_i32 = arith.constant 0 : i32
    %c0_i32_0 = arith.constant 0 : i32
    %c0_i32_1 = arith.constant 0 : i32
    return %c0_i32, %c0_i32_0 : i32, i32
  }
  func.func @transform_9(%arg0: i32) -> (i32, i32) {
    %c0_i32 = arith.constant 0 : i32
    %c0_i32_0 = arith.constant 0 : i32
    %c0_i32_1 = arith.constant 0 : i32
    return %c0_i32, %c0_i32_0 : i32, i32
  }
  func.func @transform_10(%arg0: i32) -> (i32, i32) {
    %c0_i32 = arith.constant 0 : i32
    %c0_i32_0 = arith.constant 0 : i32
    %c0_i32_1 = arith.constant 0 : i32
    return %c0_i32, %c0_i32_0 : i32, i32
  }
  func.func @transform_11(%arg0: i32) -> (i32, i32) {
    %c0_i32 = arith.constant 0 : i32
    %c0_i32_0 = arith.constant 0 : i32
    %c0_i32_1 = arith.constant 0 : i32
    return %c0_i32, %c0_i32_0 : i32, i32
  }
  func.func @transform_12(%arg0: i32) -> (i32, i32) {
    %c0_i32 = arith.constant 0 : i32
    %c0_i32_0 = arith.constant 0 : i32
    %c0_i32_1 = arith.constant 0 : i32
    return %c0_i32, %c0_i32_0 : i32, i32
  }
  func.func @transform_13(%arg0: i32) -> (i32, i32) {
    %c0_i32 = arith.constant 0 : i32
    %c0_i32_0 = arith.constant 0 : i32
    %c0_i32_1 = arith.constant 0 : i32
    return %c0_i32, %c0_i32_0 : i32, i32
  }
  func.func @transform_14(%arg0: i32) -> (i32, i32) {
    %c0_i32 = arith.constant 0 : i32
    %c0_i32_0 = arith.constant 0 : i32
    %c0_i32_1 = arith.constant 0 : i32
    return %c0_i32, %c0_i32_0 : i32, i32
  }
  func.func @transform_15(%arg0: i32) -> (i32, i32) {
    %c0_i32 = arith.constant 0 : i32
    %c0_i32_0 = arith.constant 0 : i32
    return %arg0, %c0_i32 : i32, i32
  }
}

</mosaic_0001>

<sc_bundles>
// kernel: kernel.4.cloned.1.call-start
scs
__scs_entry_jumppad:
0x0: {  	(pc) =	sbr.rel $0x88, $3  }
0x1: {  	(tag) =	ssettag $0x0;
	lr =	simm.s32 $0x1  }
0x2: {  	[smem:$0x3F98] =	sst lr;
	_ =	strace $0xD0000000  }
0x3: {  	_ = 	snop  }
0x4: {  	_ = 	snop  }
0x5: {  	_ = 	snop  }
0x6: {  	_ = 	snop  }
0x7: {  	_ = 	snop  }
__scs_overlays_trampoline_lowered:
0x8: {  	[smem:$0x3FA7] =	sst s0  }
0x9: {  	[smem:$0x3FA8] =	sst s1  }
0xa: {  	[smem:$0x3FA9] =	sst s2  }
0xb: {  	[smem:$0x3FAA] =	sst s3  }
0xc: {  	[smem:$0x3FAB] =	sst s4  }
0xd: {  	[smem:$0x3FAC] =	sst s5  }
0xe: {  	[smem:$0x3FAD] =	sst s6  }
0xf: {  	[smem:$0x3FAE] =	sst s7  }
0x10: {  	[smem:$0x3FAF] =	sst s8  }
0x11: {  	[smem:$0x3FB0] =	sst s9;
	s0 =	simm.s32 @!p0 $0x0  }
0x12: {  	s1 =	sld [smem:$0x3F96];
	s0 =	simm.s32 @p0 $0x1  }
0x13: {  	[smem:$0x3FB1] =	sst s0;
	s0 =	simm.s32 @!p1 $0x0  }
0x14: {  	s2 =	sld [smem:$0x3F95];
	s0 =	simm.s32 @p1 $0x1  }
0x15: {  	[smem:$0x3FB2] =	sst s0;
	s0 =	simm.s32 @!p2 $0x0  }
0x16: {  	s3 =	sld [smem:$0x3FDB];
	s0 =	simm.s32 @p2 $0x1  }
0x17: {  	s4 =	simm.s32 $0x1BF5;
	[smem:$0x3FB4] =	sst s0  }
0x18: {  	s0 =	sld [smem:$0x3F97];
	_ =	swait.ge [sflag:s4], $0x0  }
0x19: {  	s7 =	sld [smem:$0x3F98]  }
0x1a: {  	s8 =	sadd.s32 $0xFFFFE003, lr  }
0x1b: {  	s9 =	sadd.s32 $0xFFFFFEF7, lr;
	s5 =	simm.s32 $0xFFFFFFFF;
	p2 =	slt.u32 s8, $0xFFFFF086  }
0x1c: {  	p1 =	slt.u32 s9, $0xF7A;
	s5 =	simm.s32 @!p2 $0x0  }
0x1d: {  	s5 =	simm.s32 @p1 $0x1;
	p0 =	seq.s32 s7, s2  }
0x1e: {  	s7 =	smul.u32 @!p0 $0xF7A, s2;
	p2 =	seq.s32 @!p0 s5, $0x0  }
0x1f: {  	s9 =	smul.u32 $0xF7A, s1;
	s8 =	simm.s32 @!p0 $0x1BF5;
	p2 =	por !p2, p0  }
0x20: {  	[sflag:s8] =	ssyncset.s32 @!p0 $0xFFFFF086;
	s6 =	sadd.s32 @!p0 s3, s7;
	s7 =	simm.s32 @!p0 $0x108  }
0x21: {  	s3 =	sadd.s32 s3, s9;
	s6 =	sadd.s32 @!p0 $0x88, s6;
	s7 =	simm.s32 @p2 $0x1082  }
0x22: {  	[simem:s7], [sflag:s8] =	dma.local @!p0 [hbm:s6], $0xF7A  }
0x23: {  	s9 =	sor.u32 $0xD0000000, s2;
	s6 =	simm.s32 $0x108;
	_ =	swait.ge @!p0 [sflag:s8], $0x0  }
0x24: {  	s3 =	sadd.s32 $0x88, s3;
	s6 =	simm.s32 @!p1 $0x1082;
	[sflag:s4] =	ssyncset.s32 $0xFFFFF086  }
0x25: {  	[simem:s6], [sflag:s4] =	dma.local [hbm:s3], $0xF7A  }
0x26: {  	[smem:$0x3F98] =	sst s1;
	(tag) =	ssettag s2;
	_ =	strace s9  }
0x27: {  	s1 =	sld [smem:$0x3FA8]  }
0x28: {  	s2 =	sld [smem:$0x3FA9]  }
0x29: {  	s4 =	sld [smem:$0x3FAB]  }
0x2a: {  	p0 =	seq.s32 s5, $0x0;
	s5 =	sld [smem:$0x3FAC]  }
0x2b: {  	s6 =	sld [smem:$0x3FAD]  }
0x2c: {  	s7 =	sld [smem:$0x3FAE]  }
0x2d: {  	s3 =	simm.s32 $0x108;
	s8 =	sld [smem:$0x3FAF]  }
0x2e: {  	s3 =	simm.s32 @!p0 $0x1082;
	s9 =	sld [smem:$0x3FB0]  }
0x2f: {  	lr =	sadd.s32 s0, s3;
	s0 =	sld [smem:$0x3FA7]  }
0x30: {  	s3 =	sld [smem:$0x3FAA]  }
0x31: {  	[smem:$0x3FB3] =	sst s10  }
0x32: {  	s10 =	sld [smem:$0x3FB1];
	_ =	sdelay $0x3  }
0x33: {  	p0 =	seq.s32 s10, $0x1;
	s10 =	sld [smem:$0x3FB3];
	_ =	sdelay $0x3  }
0x34: {  	[smem:$0x3FB3] =	sst s10  }
0x35: {  	s10 =	sld [smem:$0x3FB2];
	_ =	sdelay $0x3  }
0x36: {  	p1 =	seq.s32 s10, $0x1;
	s10 =	sld [smem:$0x3FB3];
	_ =	sdelay $0x3  }
0x37: {  	[smem:$0x3FB3] =	sst s10  }
0x38: {  	s10 =	sld [smem:$0x3FB4]  }
0x39: {  	_ = 	snop;
	(pc) =	sbr.ind lr, $3  }
0x3a: {  	_ = 	snop  }
0x3b: {  	_ = 	snop  }
0x3c: {  	p2 =	seq.s32 s10, $0x1;
	s10 =	sld [smem:$0x3FB3]  }
0x3d: {  	_ =	shalt  }
0x3e: {  	_ =	shalt  }
0x3f: {  	_ =	shalt  }
0x40: {  	_ =	shalt  }
0x41: {  	_ =	shalt  }
0x42: {  	_ =	shalt  }
0x43: {  	_ =	shalt  }
0x44: {  	_ =	shalt  }
0x45: {  	_ =	shalt  }
0x46: {  	_ =	shalt  }
0x47: {  	_ =	shalt  }
0x48: {  	_ =	shalt  }
0x49: {  	_ =	shalt  }
0x4a: {  	_ =	shalt  }
0x4b: {  	_ =	shalt  }
0x4c: {  	_ =	shalt  }
0x4d: {  	_ =	shalt  }
0x4e: {  	_ =	shalt  }
0x4f: {  	_ =	shalt  }
0x50: {  	_ =	shalt  }
0x51: {  	_ =	shalt  }
0x52: {  	_ =	shalt  }
0x53: {  	_ =	shalt  }
0x54: {  	_ =	shalt  }
0x55: {  	_ =	shalt  }
0x56: {  	_ =	shalt  }
0x57: {  	_ =	shalt  }
0x58: {  	_ =	shalt  }
0x59: {  	_ =	shalt  }
0x5a: {  	_ =	shalt  }
0x5b: {  	_ =	shalt  }
0x5c: {  	_ =	shalt  }
0x5d: {  	_ =	shalt  }
0x5e: {  	_ =	shalt  }
0x5f: {  	_ =	shalt  }
0x60: {  	_ =	shalt  }
0x61: {  	_ =	shalt  }
0x62: {  	_ =	shalt  }
0x63: {  	_ =	shalt  }
0x64: {  	_ =	shalt  }
0x65: {  	_ =	shalt  }
0x66: {  	_ =	shalt  }
0x67: {  	_ =	shalt  }
0x68: {  	_ =	shalt  }
0x69: {  	_ =	shalt  }
0x6a: {  	_ =	shalt  }
0x6b: {  	_ =	shalt  }
0x6c: {  	_ =	shalt  }
0x6d: {  	_ =	shalt  }
0x6e: {  	_ =	shalt  }
0x6f: {  	_ =	shalt  }
0x70: {  	_ =	shalt  }
0x71: {  	_ =	shalt  }
0x72: {  	_ =	shalt  }
0x73: {  	_ =	shalt  }
0x74: {  	_ =	shalt  }
0x75: {  	_ =	shalt  }
0x76: {  	_ =	shalt  }
0x77: {  	_ =	shalt  }
0x78: {  	_ =	shalt  }
0x79: {  	_ =	shalt  }
0x7a: {  	_ =	shalt  }
0x7b: {  	_ =	shalt  }
0x7c: {  	_ =	shalt  }
0x7d: {  	_ =	shalt  }
0x7e: {  	_ =	shalt  }
0x7f: {  	_ =	shalt  }
0x80: {  	_ =	shalt  }
0x81: {  	_ =	shalt  }
0x82: {  	_ =	shalt  }
0x83: {  	_ =	shalt  }
0x84: {  	_ =	shalt  }
0x85: {  	_ =	shalt  }
0x86: {  	_ =	shalt  }
0x87: {  	_ =	shalt  }
.Lfunc_end0:
.L_simem_size_0:
called_computation_lowered:
.L_overlay_start_0:
0x88: {  	s2 =	sld [smem:$0x3FD9]  }
0x89: {  	s3 =	sld [smem:$0x3FFE];
	_ =	sdelay $0x1  }
0x8a: {  	s1 =	srdreg.scid  }
0x8b: {  	s0 =	sand.u32 $0x1, s1  }
0x8c: {  	s17 =	sshll.u32 s0, $0xA;
	s2 =	sadd.s32 s3, s2  }
0x8d: {  	s2 =	sadd.s32 s2, s17  }
0x8e: {  	[smem:$0x3FBF] =	sst s2  }
0x8f: {  	_ = 	snop  }
0x90: {  	s2 =	sld [smem:$0x3FD0];
	(tm) =	ssettm $0x1  }
0x91: {  	s18 =	sld [smem:$0x3FFB];
	_ =	sdelay $0x3  }
0x92: {  	_ =	strace s18  }
0x93: {  	s3 =	sld [smem:$0x3FFC];
	_ =	sdelay $0x3  }
0x94: {  	_ =	strace s3  }
0x95: {  	s3 =	sld [smem:$0x3FFD];
	_ =	sdelay $0x3  }
0x96: {  	_ =	strace s3  }
0x97: {  	_ =	strace $0x8FFFFFFF  }
0x98: {  	s19 =	sld [smem:$0x3FDB];
	_ =	sdelay $0x1  }
0x99: {  	s4 =	simm.s32 $_scs_section_size  }
0x9a: {  	s5 =	simm.s32 $_size__tile_overlayer_lowered;
	s6 =	simm.s32 $_tile_overlayer_lowered  }
0x9b: {  	s22 =	simm.s32 $0x1BFF;
	s21 =	sshll.u32 s6, $0x1;
	s3 =	sadd.s32 s4, s19  }
0x9c: {  	s7 =	simm.s32 $0x0;
	s20 =	sshll.u32 s5, $0x1;
	s5 =	sadd.s32 s21, s3  }
0x9d: {  	[timem:s7], [sflag:s22] =	dma.local [hbm:s5], s20  }
0x9e: {  	_ =	swait.ge [sflag:s22], s20  }
0x9f: {  	s4 =	ssub.s32 $0x0, s20;
	[sflag:s22] =	ssyncset.done $0x0  }
0xa0: {  	[sflag:s22] =	ssyncadd.s32 s4;
	_ =	sdelay $0x1  }
0xa1: {  	s23 =	simm.s32 $0x1B8B  }
0xa2: {  	_ =	swait.ge [sflag:s23], $0x1  }
0xa3: {  	[sflag:s23] =	ssyncset.done $0x0  }
0xa4: {  	s25 =	simm.s32 $0x1B8E;
	s24 =	sld [smem:$0x3FFE];
	[sflag:s23] =	ssyncadd.s32 $0xFFFFFFFF  }
0xa5: {  	s26 =	simm.s32 $execute0_lowered;
	[smem:$0x3FD2] =	sst s25  }
0xa6: {  	s5 =	sshll.u32 s26, $0x1;
	_ =	strace $0x80000046;
	[dreg:$0x1] =	wrdreg $0xFFFFFFFF  }
0xa7: {  	s28 =	simm.s32 $_size_execute0_lowered;
	s3 =	sadd.s32 s3, s5;
	[dreg:$0x0] =	wrdreg $0x0  }
0xa8: {  	s5 =	sshll.u32 s28, $0x1;
	[dreg:$0x2] =	wrdreg s3  }
0xa9: {  	[dreg:$0x3] =	wrdreg s5  }
0xaa: {  	[dreg:$0x4] =	wrdreg $0xC0  }
0xab: {  	_ =	task [dreg:s7], $0x5FFFF  }
0xac: {  	[dreg:$0x1] =	wrdreg $0xFFFFFFFF  }
0xad: {  	[dreg:$0x0] =	wrdreg $0x60  }
0xae: {  	[dreg:$0x2] =	wrdreg s24  }
0xaf: {  	[dreg:$0x3] =	wrdreg s2  }
0xb0: {  	[dreg:$0x4] =	wrdreg $0x9  }
0xb1: {  	_ =	task.clear_ibuf [dreg:s7], $0x5FFFF;
	_ =	strace $0x90000046  }
0xb2: {  	s29 =	simm.s32 $0x9;
	_ =	strace $0x80000048  }
0xb3: {  	_ =	swait.ge [sflag:s29], $0x1  }
0xb4: {  	[sflag:s29] =	ssyncadd.s32 $0xFFFFFFFF  }
0xb5: {  	_ =	strace $0x90000048  }
0xb6: {  	_ =	sfence  }
0xb7: {  	s30 =	sld [smem:$0x0];
	_ =	sdelay $0x2  }
0xb8: {  	s31 =	sshll.u32 s1, $0xD;
	s1 =	sshrl.u32 s1, $0x2  }
0xb9: {  	s3 =	sand.u32 $0x4000, s31;
	s1 =	sadd.s32 s1, s30  }
0xba: {  	s0 =	sor.u32 s3, s0;
	s1 =	sshll.u32 s1, $0x11  }
0xbb: {  	s0 =	sor.u32 s1, s0  }
0xbc: {  	s0 =	sadd.s32 $0x8F2B, s0  }
0xbd: {  	[sflag:s0] =	ssyncadd.remote.s32 $0x1  }
0xbe: {  	_ =	sfence.sel $0xFFFF  }
0xbf: {  	[dreg:$0x0] =	wrdreg $0xFFFFFFFF;
	(pc) =	sbr.abs _section_cstart, $3  }
0xc0: {  	[dreg:$0x1] =	wrdreg $0xFFFFFFFF  }
0xc1: {  	_ =	task.clear_ibuf [dreg:s7], $0x2FFFF;
	_ =	strace $0x9FFFFFFF  }
0xc2: {  	(tm) =	ssettm $0x7FFFFFFF  }
0xc3: {  	_ =	shalt  }
tec
execute0_lowered:
.L_overlay_start_1:
0x0: {  	(tag) =	ssettag $0x1  }
0x1: {  	s5 =	rddreg [dreg:$0x0]  }
0x2: {  	s2 =	rddreg [dreg:$0x1];
	s3 =	simm.s32 $0x0  }
0x3: {  	[smem:$0x7FF] =	sst s3;
	s7 =	sadd.s32 $0x2E00, s5  }
0x4: {  	s16 =	sadd.s32 $0x3600, s5;
	_ =	strace $0x80000047;
	[dreg:$0x3] =	wrdreg s7  }
0x5: {  	s17 =	sadd.s32 $0x3400, s5;
	[dreg:$0x4] =	wrdreg s16  }
0x6: {  	s18 =	sadd.s32 $0x2A00, s5;
	[dreg:$0x5] =	wrdreg s17  }
0x7: {  	s19 =	sadd.s32 $0x2C00, s5;
	[dreg:$0x6] =	wrdreg s18  }
0x8: {  	s0 =	srdreg.scid;
	s20 =	sadd.s32 $0x4400, s5;
	[dreg:$0x7] =	wrdreg s19  }
0x9: {  	s1 =	stileid.u32;
	s21 =	sadd.s32 $0x4A00, s5;
	[dreg:$0x8] =	wrdreg s20  }
0xa: {  	s29 =	simm.s32 $0x5A00;
	s22 =	sadd.s32 $0x4800, s5;
	[dreg:$0x9] =	wrdreg s21  }
0xb: {  	s30 =	simm.s32 $0x2000;
	s23 =	sadd.s32 $0x4600, s5;
	[dreg:$0xa] =	wrdreg s22  }
0xc: {  	s31 =	simm.s32 $0x9200;
	s24 =	sadd.s32 $0x3200, s5;
	[dreg:$0xb] =	wrdreg s23  }
0xd: {  	s0 =	sand.u32 $0x1, s0;
	s25 =	sadd.s32 $0x3800, s5;
	[dreg:$0xc] =	wrdreg s24  }
0xe: {  	s1 =	sshll.u32 s1, $0x1;
	s26 =	sadd.s32 $0x3A00, s5;
	[dreg:$0xd] =	wrdreg s25  }
0xf: {  	s1 =	sor.u32 s0, s1;
	[dreg:$0xe] =	wrdreg s26;
	s17 =	sadd.s32 $0x3C00, s5  }
0x10: {  	s0 =	ssub.s32 $0x2, s0;
	s18 =	sadd.s32 $0x3E00, s5;
	s4 =	smul.u32 $0x1C0, s1  }
.Ltmp0:
0x11: {  	s19 =	sadd.s32 $0x4000, s5;
	s20 =	sadd.s32 $0x4200, s5;
	(pc) =	sbr.rel .LBB2_1-.Ltmp0, $4  }
0x12: {  	s21 =	sadd.s32 $0x5400, s5;
	s25 =	simm.s32 $0x1;
	s4 =	smin.u32 s4, $0x35D0  }
0x13: {  	s16 =	simm.s32 $0x200;
	s28 =	sshrl.u32 s0, $0x1;
	s6 =	sshrl.u32 s4, $0x3  }
0x14: {  	s22 =	sshll.u32 s1, $0x2;
	s0 =	ssub.s32 s0, s28;
	s6 =	sadd.s32 s6, s5  }
0x15: {  	v0 =	vimm.f32 $0.0e+00;
	s1 =	simm.s32 $0x0;
	s24 =	smax.u32 s0, $0x1;
	s23 =	sadd.s32 $0x4C00, s6  }
.LBB2_19:
0x16: {  	s1 =	sadd.s32 $0x1, s1  }
0x17: {  	p0 =	sne.s32 s1, s24  }
.Ltmp1:
0x18: {  	_ = 	snop;
	(pc) =	sbr.rel @!p0 .LBB2_20-.Ltmp1, $1  }
0x19: {  	_ =	sdelay $0x3  }
.LBB2_1:
0x1a: {  	s0 =	rddreg [dreg:$0x3]  }
0x1b: {  	[tilespmem:s3], [sflag:$0x1] =	stream.linear.gather [hbm4b:s0+s3], $0x2000, $0x38;
	[tilespmem:$0x16200] =	vst v63  }
0x1c: {  	_ =	swait.ge [sflag:s25], $0x2000  }
0x1d: {  	[sflag:s25] =	ssyncset.done $0x0  }
0x1e: {  	s5 =	simm.s32 $0xCA00;
	s28 =	rddreg [dreg:$0x4];
	[sflag:s25] =	ssyncadd.s32 $0xFFFFE000  }
0x1f: {  	[tilespmem:s5], [sflag:$0x1] =	stream.linear.gather [hbm4b:s28+s3], $0x400, $0x38;
	[tilespmem:$0x16200] =	vst v63  }
0x20: {  	_ =	swait.ge [sflag:s25], $0x400  }
0x21: {  	[sflag:s25] =	ssyncset.done $0x0  }
0x22: {  	s7 =	simm.s32 $0xCE00;
	s6 =	rddreg [dreg:$0x5];
	[sflag:s25] =	ssyncadd.s32 $0xFFFFFC00  }
0x23: {  	[tilespmem:s7], [sflag:$0x1] =	stream.linear.gather [hbm4b:s6+s3], $0x400, $0x38;
	[tilespmem:$0x16200] =	vst v63  }
0x24: {  	_ =	swait.ge [sflag:s25], $0x400  }
0x25: {  	[sflag:s25] =	ssyncset.done $0x0  }
0x26: {  	s9 =	simm.s32 $0xD200;
	s8 =	rddreg [dreg:$0x6];
	[sflag:s25] =	ssyncadd.s32 $0xFFFFFC00  }
0x27: {  	[tilespmem:s9], [sflag:$0x1] =	stream.linear.gather [hbm4b:s8+s3], $0x400, $0x38;
	[tilespmem:$0x16200] =	vst v63  }
0x28: {  	_ =	swait.ge [sflag:s25], $0x400  }
0x29: {  	[sflag:s25] =	ssyncset.done $0x0  }
0x2a: {  	s11 =	simm.s32 $0xD600;
	s10 =	rddreg [dreg:$0x7];
	[sflag:s25] =	ssyncadd.s32 $0xFFFFFC00  }
0x2b: {  	[tilespmem:s11], [sflag:$0x1] =	stream.linear.gather [hbm4b:s10+s3], $0x400, $0x38;
	[tilespmem:$0x16200] =	vst v63  }
0x2c: {  	_ =	swait.ge [sflag:s25], $0x400  }
0x2d: {  	[sflag:s25] =	ssyncset.done $0x0  }
0x2e: {  	s13 =	simm.s32 $0xDA00;
	s12 =	rddreg [dreg:$0x8];
	[sflag:s25] =	ssyncadd.s32 $0xFFFFFC00  }
0x2f: {  	[tilespmem:s13], [sflag:$0x1] =	stream.linear.gather [hbm4b:s12+s3], $0x800, $0x38;
	[tilespmem:$0x16200] =	vst v63  }
0x30: {  	_ =	swait.ge [sflag:s25], $0x800  }
0x31: {  	[sflag:s25] =	ssyncset.done $0x0  }
0x32: {  	s15 =	simm.s32 $0xE200;
	s14 =	rddreg [dreg:$0x9];
	[sflag:s25] =	ssyncadd.s32 $0xFFFFF800  }
0x33: {  	[tilespmem:s15], [sflag:$0x1] =	stream.linear.gather [hbm4b:s14+s3], $0x800, $0x38;
	[tilespmem:$0x16200] =	vst v63  }
0x34: {  	_ =	swait.ge [sflag:s25], $0x800  }
0x35: {  	[sflag:s25] =	ssyncset.done $0x0  }
0x36: {  	s28 =	simm.s32 $0xEA00;
	s26 =	rddreg [dreg:$0xa];
	[sflag:s25] =	ssyncadd.s32 $0xFFFFF800  }
0x37: {  	[tilespmem:s28], [sflag:$0x1] =	stream.linear.gather [hbm4b:s26+s3], $0x800, $0x38;
	[tilespmem:$0x16200] =	vst v63  }
0x38: {  	_ =	swait.ge [sflag:s25], $0x800  }
0x39: {  	[sflag:s25] =	ssyncset.done $0x0  }
0x3a: {  	s6 =	simm.s32 $0xF200;
	s5 =	rddreg [dreg:$0xb];
	[sflag:s25] =	ssyncadd.s32 $0xFFFFF800  }
0x3b: {  	[tilespmem:s6], [sflag:$0x1] =	stream.linear.gather [hbm4b:s5+s3], $0x800, $0x38;
	[tilespmem:$0x16200] =	vst v63  }
0x3c: {  	_ =	swait.ge [sflag:s25], $0x800  }
0x3d: {  	[sflag:s25] =	ssyncset.done $0x0  }
0x3e: {  	s8 =	simm.s32 $0xFA00;
	s7 =	rddreg [dreg:$0xc];
	[sflag:s25] =	ssyncadd.s32 $0xFFFFF800  }
0x3f: {  	[tilespmem:s8], [sflag:$0x1] =	stream.linear.gather [hbm4b:s7+s3], $0x800, $0x38;
	[tilespmem:$0x16200] =	vst v63  }
0x40: {  	_ =	swait.ge [sflag:s25], $0x800  }
0x41: {  	[sflag:s25] =	ssyncset.done $0x0  }
0x42: {  	s10 =	simm.s32 $0x10200;
	s9 =	rddreg [dreg:$0xd];
	[sflag:s25] =	ssyncadd.s32 $0xFFFFF800  }
0x43: {  	[tilespmem:s10], [sflag:$0x1] =	stream.linear.gather [hbm4b:s9+s3], $0x1000, $0x38;
	[tilespmem:$0x16200] =	vst v63  }
0x44: {  	_ =	swait.ge [sflag:s25], $0x1000  }
0x45: {  	[sflag:s25] =	ssyncset.done $0x0  }
0x46: {  	s12 =	simm.s32 $0x11200;
	s11 =	rddreg [dreg:$0xe];
	[sflag:s25] =	ssyncadd.s32 $0xFFFFF000  }
0x47: {  	[tilespmem:s12], [sflag:$0x1] =	stream.linear.gather [hbm4b:s11+s3], $0x1000, $0x38;
	[tilespmem:$0x16200] =	vst v63  }
0x48: {  	_ =	swait.ge [sflag:s25], $0x1000  }
0x49: {  	[sflag:s25] =	ssyncset.done $0x0  }
0x4a: {  	s13 =	simm.s32 $0x12200;
	[sflag:s25] =	ssyncadd.s32 $0xFFFFF000  }
0x4b: {  	[tilespmem:s13], [sflag:$0x1] =	stream.linear.gather [hbm4b:s17+s3], $0x1000, $0x38;
	[tilespmem:$0x16200] =	vst v63  }
0x4c: {  	_ =	swait.ge [sflag:s25], $0x1000  }
0x4d: {  	[sflag:s25] =	ssyncset.done $0x0  }
0x4e: {  	s14 =	simm.s32 $0x13200;
	[sflag:s25] =	ssyncadd.s32 $0xFFFFF000  }
0x4f: {  	[tilespmem:s14], [sflag:$0x1] =	stream.linear.gather [hbm4b:s18+s3], $0x1000, $0x38;
	[tilespmem:$0x16200] =	vst v63  }
0x50: {  	_ =	swait.ge [sflag:s25], $0x1000  }
0x51: {  	[sflag:s25] =	ssyncset.done $0x0  }
0x52: {  	s15 =	simm.s32 $0x14200;
	[sflag:s25] =	ssyncadd.s32 $0xFFFFF000  }
0x53: {  	[tilespmem:s15], [sflag:$0x1] =	stream.linear.gather [hbm4b:s19+s3], $0x1000, $0x38;
	[tilespmem:$0x16200] =	vst v63  }
0x54: {  	_ =	swait.ge [sflag:s25], $0x1000  }
0x55: {  	[sflag:s25] =	ssyncset.done $0x0  }
0x56: {  	s26 =	simm.s32 $0x15200;
	[sflag:s25] =	ssyncadd.s32 $0xFFFFF000  }
0x57: {  	[tilespmem:s26], [sflag:$0x1] =	stream.linear.gather [hbm4b:s20+s3], $0x1000, $0x38;
	[tilespmem:$0x16200] =	vst v63  }
0x58: {  	_ =	swait.ge [sflag:s25], $0x1000  }
0x59: {  	[sflag:s25] =	ssyncset.done $0x0  }
0x5a: {  	s28 =	simm.s32 $0x5800;
	[sflag:s25] =	ssyncadd.s32 $0xFFFFF000  }
0x5b: {  	[tilespmem:s28], [sflag:$0x1] =	stream.linear.gather [hbm4b:s23+s3], $0x1C0, $0x38;
	[tilespmem:$0x16200] =	vst v63  }
0x5c: {  	_ =	swait.ge [sflag:s25], $0x1C0  }
0x5d: {  	[sflag:s25] =	ssyncset.done $0x0  }
0x5e: {  	s0 =	simm.s32 $0x0;
	[sflag:s25] =	ssyncadd.s32 $0xFFFFFE40  }
.LBB2_2:
0x5f: {  	s5 =	sadd.s32 s22, s0  }
0x60: {  	p0 =	slt.s32 s5, $0x7E  }
0x61: {  	s5 =	simm.s32 @!p0 $0x7E  }
0x62: {  	s26 =	smul.u32 $0x700, s5;
	_ =	sdelay $0x1  }
0x63: {  	s11 =	simm.s32 $0x0;
	s6 =	sadd.s32 s2, s26  }
0x64: {  	[tilespmem:s29], [sflag:$0x1] =	stream.linear.gather [hbm4b:s6+s11], $0x3800, $0x38;
	[tilespmem:$0x16200] =	vst v63  }
0x65: {  	s5 =	smul.u32 $0x70, s5;
	_ =	swait.ge [sflag:s25], $0x3800  }
0x66: {  	[sflag:s25] =	ssyncset.done $0x0  }
0x67: {  	s5 =	ssub.s32 s5, s4;
	[sflag:s25] =	ssyncadd.s32 $0xFFFFC800  }
0x68: {  	v6 =	vld [tilespmem:s5+$0x5800];
	_ =	sdelay $0x3  }
0x69: {  	s8 =	simm.s32 $0x40  }
0x6a: {  	v1 =	vadd.s32 s8, v6  }
0x6b: {  	v7 =	vld [tilespmem:s5+$0x5810];
	_ =	sdelay $0x2  }
0x6c: {  	v5 =	vld [tilespmem:s5+$0x5820]  }
0x6d: {  	v8 =	vld.idx.msk [tilespmem:v1+s3+$0x0], $0xffff  }
0x6e: {  	v4 =	vld [tilespmem:s5+$0x5830];
	v9 =	vadd.s32 s8, v7  }
0x6f: {  	v3 =	vld [tilespmem:s5+$0x5840]  }
0x70: {  	v10 =	vld.idx.msk [tilespmem:v6+s3+$0x0], $0xffff  }
0x71: {  	s7 =	simm.s32 $0x2070;
	s13 =	simm.s32 $0xC0;
	v2 =	vld [tilespmem:s5+$0x5850]  }
0x72: {  	v11 =	vadd.s32 s13, v6;
	v1 =	vld [tilespmem:s5+$0x5860];
	[tilespmem:s7+$0x0] =	vst v8  }
0x73: {  	v9 =	vld.idx.msk [tilespmem:v9+s3+$0x0], $0xffff  }
0x74: {  	v12 =	vadd.s32 s8, v5  }
0x75: {  	[tilespmem:s7+$0xFFFFFF90] =	vst v10;
	v8 =	vadd.s32 $0x80, v6  }
0x76: {  	v13 =	vld.idx.msk [tilespmem:v7+s3+$0x0], $0xffff;
	v10 =	vadd.s32 s11, v8  }
0x77: {  	v11 =	vld.idx.msk [tilespmem:v11+s3+$0x0], $0xffff  }
0x78: {  	s12 =	simm.s32 $0x80;
	v14 =	vadd.s32 s13, v7;
	[tilespmem:s7+$0x10] =	vst v9  }
0x79: {  	v16 =	vadd.s32 s12, v8;
	v12 =	vld.idx.msk [tilespmem:v12+s3+$0x0], $0xffff  }
0x7a: {  	s14 =	simm.s32 $0x100;
	v15 =	vadd.s32 s8, v4  }
0x7b: {  	s5 =	simm.s32 $0x2150;
	v19 =	vadd.s32 s14, v8;
	[tilespmem:s7+$0xFFFFFFA0] =	vst v13;
	v9 =	vadd.s32 $0x80, v7;
	v10 =	vld.idx.msk [tilespmem:v10+s3+$0x0], $0xffff  }
0x7c: {  	[tilespmem:s5+$0x0] =	vst v11;
	v17 =	vld.idx.msk [tilespmem:v5+s3+$0x0], $0xffff;
	v13 =	vadd.s32 s11, v9  }
0x7d: {  	s28 =	simm.s32 $0x140;
	v11 =	vld.idx.msk [tilespmem:v14+s3+$0x0], $0xffff  }
0x7e: {  	v16 =	vld.idx.msk [tilespmem:v16+s3+$0x0], $0xffff;
	[tilespmem:s7+$0x20] =	vst v12;
	v12 =	vadd.s32 s28, v6  }
0x7f: {  	v14 =	vld.idx.msk [tilespmem:v15+s3+$0x0], $0xffff;
	v15 =	vadd.s32 s13, v5  }
0x80: {  	v18 =	vadd.s32 s8, v3;
	v19 =	vld.idx.msk [tilespmem:v19+s3+$0x0], $0xffff;
	[tilespmem:s5+$0xFFFFFF90] =	vst v10  }
0x81: {  	v22 =	vadd.s32 s12, v9;
	[tilespmem:s7+$0xFFFFFFB0] =	vst v17;
	v10 =	vadd.s32 $0x80, v5;
	v13 =	vld.idx.msk [tilespmem:v13+s3+$0x0], $0xffff  }
0x82: {  	v20 =	vld.idx.msk [tilespmem:v4+s3+$0x0], $0xffff;
	v17 =	vadd.s32 s11, v10  }
0x83: {  	[tilespmem:s5+$0x10] =	vst v11;
	v12 =	vld.idx.msk [tilespmem:v12+s3+$0x0], $0xffff  }
0x84: {  	s6 =	simm.s32 $0x2230;
	v15 =	vld.idx.msk [tilespmem:v15+s3+$0x0], $0xffff;
	[tilespmem:s7+$0x30] =	vst v14;
	v14 =	vadd.s32 s28, v7  }
0x85: {  	v21 =	vadd.s32 s13, v4;
	[tilespmem:s6+$0xFFFFFF90] =	vst v16;
	v18 =	vld.idx.msk [tilespmem:v18+s3+$0x0], $0xffff  }
0x86: {  	v22 =	vld.idx.msk [tilespmem:v22+s3+$0x0], $0xffff;
	[tilespmem:s5+$0xFFFFFFA0] =	vst v13;
	v13 =	vadd.s32 s8, v2  }
0x87: {  	v11 =	vadd.s32 $0x80, v4;
	v25 =	vadd.s32 s12, v10;
	[tilespmem:s7+$0xFFFFFFC0] =	vst v20;
	v17 =	vld.idx.msk [tilespmem:v17+s3+$0x0], $0xffff  }
0x88: {  	s15 =	simm.s32 $0x180;
	v20 =	vadd.s32 s11, v11;
	v23 =	vld.idx.msk [tilespmem:v3+s3+$0x0], $0xffff;
	[tilespmem:s6+$0x0] =	vst v12  }
0x89: {  	s9 =	simm.s32 $0x1C0;
	v12 =	vadd.s32 s15, v8;
	[tilespmem:s5+$0x20] =	vst v15;
	v14 =	vld.idx.msk [tilespmem:v14+s3+$0x0], $0xffff  }
0x8a: {  	v15 =	vadd.s32 s9, v6;
	[tilespmem:s7+$0x40] =	vst v18;
	v18 =	vld.idx.msk [tilespmem:v21+s3+$0x0], $0xffff  }
0x8b: {  	[tilespmem:s6+$0xFFFFFFA0] =	vst v22;
	v21 =	vadd.s32 s28, v5;
	v13 =	vld.idx.msk [tilespmem:v13+s3+$0x0], $0xffff  }
0x8c: {  	v22 =	vld.idx.msk [tilespmem:v25+s3+$0x0], $0xffff;
	[tilespmem:s5+$0xFFFFFFB0] =	vst v17;
	v17 =	vadd.s32 s13, v3  }
0x8d: {  	v20 =	vld.idx.msk [tilespmem:v20+s3+$0x0], $0xffff  }
0x8e: {  	v24 =	vadd.s32 s8, v1;
	v16 =	vadd.s32 $0x80, v3;
	v35 =	vld.idx.msk [tilespmem:v12+s3+$0x0], $0xffff;
	[tilespmem:s6+$0x10] =	vst v14  }
0x8f: {  	v12 =	vadd.s32 s11, v16;
	v15 =	vld.idx.msk [tilespmem:v15+s3+$0x0], $0xffff;
	[tilespmem:s5+$0x30] =	vst v18  }
0x90: {  	v14 =	vld.idx.msk [tilespmem:v21+s3+$0x0], $0xffff;
	[tilespmem:s7+$0x50] =	vst v13;
	v13 =	vadd.s32 s9, v7  }
0x91: {  	[tilespmem:s7+$0xFFFFFFD0] =	vst v23;
	v21 =	vadd.s32 s28, v4;
	v17 =	vld.idx.msk [tilespmem:v17+s3+$0x0], $0xffff  }
0x92: {  	s8 =	simm.s32 $0x2310;
	v27 =	vld.idx.msk [tilespmem:v2+s3+$0x0], $0xffff;
	[tilespmem:s5+$0xFFFFFFC0] =	vst v20;
	v20 =	vadd.s32 s13, v2  }
0x93: {  	[tilespmem:s8+$0xFFFFFF90] =	vst v19;
	v18 =	vld.idx.msk [tilespmem:v24+s3+$0x0], $0xffff;
	v24 =	vadd.s32 s14, v9  }
0x94: {  	v23 =	vadd.s32 s12, v11;
	v12 =	vld.idx.msk [tilespmem:v12+s3+$0x0], $0xffff;
	[tilespmem:s8+$0x0] =	vst v15  }
0x95: {  	s10 =	simm.s32 $0x240;
	v48 =	vadd.s32 s15, v9;
	[tilespmem:s6+$0x20] =	vst v14;
	v13 =	vld.idx.msk [tilespmem:v13+s3+$0x0], $0xffff  }
0x96: {  	v28 =	vadd.s32 $0x80, v2;
	v15 =	vadd.s32 s10, v6;
	[tilespmem:s5+$0x40] =	vst v17;
	v25 =	vld.idx.msk [tilespmem:v21+s3+$0x0], $0xffff  }
0x97: {  	v33 =	vadd.s32 s11, v28;
	v29 =	vadd.s32 $0x80, v1;
	[tilespmem:s6+$0xFFFFFFB0] =	vst v22;
	v20 =	vld.idx.msk [tilespmem:v20+s3+$0x0], $0xffff  }
0x98: {  	v17 =	vadd.s32 s11, v29;
	s11 =	simm.s32 $0x23F0;
	v30 =	vld.idx.msk [tilespmem:v24+s3+$0x0], $0xffff;
	[tilespmem:s7+$0x60] =	vst v18  }
0x99: {  	v14 =	vadd.s32 s16, v8;
	v18 =	vld.idx.msk [tilespmem:v23+s3+$0x0], $0xffff;
	[tilespmem:s11+$0xFFFFFF90] =	vst v35  }
0x9a: {  	v19 =	vadd.s32 s9, v5;
	v49 =	vld.idx.msk [tilespmem:v48+s3+$0x0], $0xffff  }
0x9b: {  	v22 =	vadd.s32 s28, v3;
	[tilespmem:s5+$0xFFFFFFD0] =	vst v12;
	v32 =	vld.idx.msk [tilespmem:v15+s3+$0x0], $0xffff  }
0x9c: {  	v31 =	vadd.s32 s13, v1;
	[tilespmem:s7+$0xFFFFFFE0] =	vst v27;
	v34 =	vld.idx.msk [tilespmem:v33+s3+$0x0], $0xffff  }
0x9d: {  	v38 =	vadd.s32 s10, v7;
	v23 =	vadd.s32 s14, v10;
	v33 =	vld.idx.msk [tilespmem:v1+s3+$0x0], $0xffff  }
0x9e: {  	v40 =	vadd.s32 s9, v4;
	v26 =	vld.idx.msk [tilespmem:v14+s3+$0x0], $0xffff;
	v14 =	vadd.s32 s12, v16;
	[tilespmem:s8+$0x10] =	vst v13  }
0x9f: {  	v44 =	vadd.s32 s28, v2;
	v45 =	vadd.s32 s14, v11;
	s13 =	simm.s32 $0x280;
	[tilespmem:s6+$0x30] =	vst v25;
	v36 =	vld.idx.msk [tilespmem:v19+s3+$0x0], $0xffff  }
0xa0: {  	v27 =	vadd.s32 s16, v11;
	v42 =	vadd.s32 s13, v8;
	v43 =	vadd.s32 s13, v9;
	v37 =	vld.idx.msk [tilespmem:v22+s3+$0x0], $0xffff;
	[tilespmem:s5+$0x50] =	vst v20  }
0xa1: {  	v47 =	vadd.s32 s13, v11;
	v24 =	vadd.s32 s14, v16;
	v35 =	vadd.s32 s13, v29;
	[tilespmem:s8+$0xFFFFFFA0] =	vst v30;
	v41 =	vld.idx.msk [tilespmem:v31+s3+$0x0], $0xffff  }
0xa2: {  	v21 =	vadd.s32 s12, v28;
	v12 =	vadd.s32 s12, v29;
	v48 =	vadd.s32 s9, v3;
	[tilespmem:s6+$0xFFFFFFC0] =	vst v18;
	v50 =	vld.idx.msk [tilespmem:v23+s3+$0x0], $0xffff  }
0xa3: {  	v15 =	vadd.s32 s14, v28;
	s12 =	simm.s32 $0x2C0;
	v13 =	vadd.s32 s14, v29;
	v25 =	vadd.s32 s15, v11;
	[tilespmem:s11+$0x0] =	vst v32;
	v51 =	vld.idx.msk [tilespmem:v14+s3+$0x0], $0xffff  }
0xa4: {  	v46 =	vadd.s32 s12, v6;
	v30 =	vadd.s32 s15, v10;
	v22 =	vadd.s32 s15, v16;
	v39 =	vld.idx.msk [tilespmem:v38+s3+$0x0], $0xffff;
	[tilespmem:s8+$0x20] =	vst v36  }
0xa5: {  	v19 =	vadd.s32 s15, v28;
	v20 =	vadd.s32 s16, v28;
	v18 =	vadd.s32 s16, v29;
	[tilespmem:s6+$0x40] =	vst v37;
	v40 =	vld.idx.msk [tilespmem:v40+s3+$0x0], $0xffff  }
0xa6: {  	v31 =	vadd.s32 s16, v10;
	v23 =	vadd.s32 s16, v16;
	[tilespmem:s5+$0x60] =	vst v41;
	v41 =	vld.idx.msk [tilespmem:v44+s3+$0x0], $0xffff;
	v44 =	vadd.s32 s10, v5  }
0xa7: {  	v32 =	vadd.s32 s16, v9;
	v14 =	vadd.s32 s15, v29;
	v38 =	vadd.s32 s13, v28;
	[tilespmem:s8+$0xFFFFFFB0] =	vst v50  }
0xa8: {  	s14 =	simm.s32 $0xA;
	v36 =	vadd.s32 s13, v10;
	v37 =	vadd.s32 s13, v16;
	v50 =	vadd.s32 s28, v1;
	s28 =	simm.s32 $0x23F0;
	v45 =	vld.idx.msk [tilespmem:v45+s3+$0x0], $0xffff;
	[tilespmem:s6+$0xFFFFFFD0] =	vst v51  }
.LBB2_3:
0xa9: {  	v51 =	vld.idx.msk [tilespmem:v42+s3+$0x0], $0xffff;
	[tilespmem:s5+$0xFFFFFFE0] =	vst v34;
	v52 =	vmov v43;
	v53 =	vmov v47;
	s15 =	smov.u32 s12  }
0xaa: {  	v34 =	vld.idx.msk [tilespmem:v46+s3+$0x0], $0xffff;
	[tilespmem:s11+$0x10] =	vst v39  }
0xab: {  	v39 =	vld.idx.msk [tilespmem:v44+s3+$0x0], $0xffff;
	[tilespmem:s8+$0x30] =	vst v40  }
0xac: {  	v40 =	vld.idx.msk [tilespmem:v48+s3+$0x0], $0xffff;
	[tilespmem:s6+$0x50] =	vst v41  }
0xad: {  	v41 =	vadd.s32 s15, v7;
	[tilespmem:s11+$0xFFFFFFA0] =	vst v49;
	v44 =	vld.idx.msk [tilespmem:v50+s3+$0x0], $0xffff  }
0xae: {  	s14 =	sadd.s32 $0x2, s14;
	v49 =	vadd.s32 s10, v4;
	v48 =	vld.idx.msk [tilespmem:v30+s3+$0x0], $0xffff;
	[tilespmem:s8+$0xFFFFFFC0] =	vst v45;
	v30 =	vmov v31;
	v31 =	vmov v36  }
0xaf: {  	s11 =	sadd.s32 $0xE0, s11;
	v45 =	vadd.s32 s9, v2;
	v50 =	vld.idx.msk [tilespmem:v24+s3+$0x0], $0xffff;
	[tilespmem:s7+$0xFFFFFFF0] =	vst v33;
	v24 =	vmovc v22;
	v22 =	vmov v23;
	v23 =	vmov v37;
	s7 =	smov.u32 s5;
	s5 =	smov.u32 s6  }
0xb0: {  	s6 =	smov.u32 s8;
	s8 =	smov.u32 s28;
	s28 =	smov.u32 s11;
	[tilespmem:s11+$0x0] =	vst v34;
	v34 =	vld.idx.msk [tilespmem:v21+s3+$0x0], $0xffff;
	v21 =	vmovc v15;
	v15 =	vmov v19;
	v19 =	vmov v20;
	v20 =	vmov v38  }
0xb1: {  	s13 =	sadd.s32 $0x80, s13;
	p0 =	slt.u32 s14, $0x7E;
	[tilespmem:s8+$0x20] =	vst v39;
	v33 =	vld.idx.msk [tilespmem:v17+s3+$0x0], $0xffff;
	v17 =	vmovc v12;
	v12 =	vmovc v13;
	v13 =	vmov v14;
	v14 =	vmov v18;
	v18 =	vmov v35  }
.Ltmp2:
0xb2: {  	v42 =	vadd.s32 s13, v8;
	v43 =	vadd.s32 s13, v9;
	s12 =	sadd.s32 $0x40, s13;
	v36 =	vadd.s32 s13, v10;
	v39 =	vld.idx.msk [tilespmem:v41+s3+$0x0], $0xffff;
	[tilespmem:s6+$0x40] =	vst v40;
	(pc) =	sbr.rel @p0 .LBB2_3-.Ltmp2, $4  }
0xb3: {  	v47 =	vadd.s32 s13, v11;
	v46 =	vadd.s32 s12, v6;
	v37 =	vadd.s32 s13, v16;
	v40 =	vld.idx.msk [tilespmem:v49+s3+$0x0], $0xffff;
	[tilespmem:s5+$0x60] =	vst v44  }
0xb4: {  	v38 =	vadd.s32 s13, v28;
	v35 =	vadd.s32 s13, v29;
	v44 =	vadd.s32 s15, v5;
	[tilespmem:s11+$0xFFFFFF90] =	vst v26;
	v41 =	vld.idx.msk [tilespmem:v45+s3+$0x0], $0xffff;
	v26 =	vmovc v51  }
0xb5: {  	v49 =	vld.idx.msk [tilespmem:v32+s3+$0x0], $0xffff;
	[tilespmem:s8+$0xFFFFFFB0] =	vst v48;
	v48 =	vadd.s32 s10, v3;
	v32 =	vmov v52  }
0xb6: {  	v45 =	vld.idx.msk [tilespmem:v25+s3+$0x0], $0xffff;
	[tilespmem:s6+$0xFFFFFFD0] =	vst v50;
	v50 =	vadd.s32 s9, v1;
	v25 =	vmov v27;
	v27 =	vmov v53;
	s9 =	smov.u32 s10;
	s10 =	smov.u32 s15  }
0xb7: {  	_ =	sdelay $0x3  }
0xb8: {  	v6 =	vld.idx.msk [tilespmem:v46+s3+$0x0], $0xffff  }
0xb9: {  	v7 =	vadd.s32 s12, v7;
	[tilespmem:s11+$0x10] =	vst v39  }
0xba: {  	s15 =	sadd.s32 $0xE0, s11;
	[tilespmem:s5+$0xFFFFFFE0] =	vst v34  }
0xbb: {  	[tilespmem:s15+$0xFFFFFF90] =	vst v26  }
0xbc: {  	[tilespmem:s8+$0x30] =	vst v40;
	v40 =	vld.idx.msk [tilespmem:v32+s3+$0x0], $0xffff  }
0xbd: {  	[tilespmem:s15+$0x0] =	vst v6  }
0xbe: {  	[tilespmem:s7+$0xFFFFFFF0] =	vst v33;
	v6 =	vld.idx.msk [tilespmem:v7+s3+$0x0], $0xffff  }
0xbf: {  	v5 =	vadd.s32 s12, v5;
	v46 =	vld.idx.msk [tilespmem:v21+s3+$0x0], $0xffff;
	[tilespmem:s6+$0x50] =	vst v41  }
0xc0: {  	v8 =	vld.idx.msk [tilespmem:v44+s3+$0x0], $0xffff;
	[tilespmem:s11+$0xFFFFFFA0] =	vst v49  }
0xc1: {  	v52 =	vld.idx.msk [tilespmem:v17+s3+$0x0], $0xffff;
	[tilespmem:s15+$0xFFFFFFA0] =	vst v40  }
0xc2: {  	v11 =	vadd.s32 s10, v4;
	[tilespmem:s8+$0xFFFFFFC0] =	vst v45;
	v7 =	vld.idx.msk [tilespmem:v31+s3+$0x0], $0xffff  }
0xc3: {  	v42 =	vld.idx.msk [tilespmem:v30+s3+$0x0], $0xffff;
	[tilespmem:s15+$0x10] =	vst v6  }
0xc4: {  	[tilespmem:s6+$0xFFFFFFE0] =	vst v46;
	v5 =	vld.idx.msk [tilespmem:v5+s3+$0x0], $0xffff  }
0xc5: {  	v43 =	vadd.s32 s12, v4;
	v9 =	vld.idx.msk [tilespmem:v48+s3+$0x0], $0xffff;
	[tilespmem:s28+$0x20] =	vst v8  }
0xc6: {  	v10 =	vld.idx.msk [tilespmem:v50+s3+$0x0], $0xffff;
	[tilespmem:s5+$0xFFFFFFF0] =	vst v52  }
0xc7: {  	v11 =	vld.idx.msk [tilespmem:v11+s3+$0x0], $0xffff;
	[tilespmem:s15+$0xFFFFFFB0] =	vst v7  }
0xc8: {  	v16 =	vadd.s32 s10, v3;
	[tilespmem:s28+$0xFFFFFFB0] =	vst v42;
	v48 =	vld.idx.msk [tilespmem:v27+s3+$0x0], $0xffff  }
0xc9: {  	v47 =	vld.idx.msk [tilespmem:v25+s3+$0x0], $0xffff;
	[tilespmem:s15+$0x20] =	vst v5  }
0xca: {  	[tilespmem:s8+$0x40] =	vst v9;
	v4 =	vld.idx.msk [tilespmem:v43+s3+$0x0], $0xffff  }
0xcb: {  	v3 =	vadd.s32 s12, v3;
	v44 =	vld.idx.msk [tilespmem:v24+s3+$0x0], $0xffff;
	[tilespmem:s6+$0x60] =	vst v10  }
0xcc: {  	v45 =	vadd.s32 s9, v2;
	v61 =	vld.idx.msk [tilespmem:v12+s3+$0x0], $0xffff;
	[tilespmem:s28+$0x30] =	vst v11  }
0xcd: {  	v51 =	vld.idx.msk [tilespmem:v16+s3+$0x0], $0xffff;
	[tilespmem:s15+$0xFFFFFFC0] =	vst v48  }
0xce: {  	v53 =	vadd.s32 s10, v2;
	[tilespmem:s28+$0xFFFFFFC0] =	vst v47;
	v55 =	vld.idx.msk [tilespmem:v23+s3+$0x0], $0xffff  }
0xcf: {  	v54 =	vld.idx.msk [tilespmem:v22+s3+$0x0], $0xffff;
	[tilespmem:s15+$0x30] =	vst v4  }
0xd0: {  	[tilespmem:s8+$0xFFFFFFD0] =	vst v44;
	v3 =	vld.idx.msk [tilespmem:v3+s3+$0x0], $0xffff  }
0xd1: {  	v2 =	vadd.s32 s12, v2;
	v49 =	vld.idx.msk [tilespmem:v45+s3+$0x0], $0xffff;
	[tilespmem:s6+$0xFFFFFFF0] =	vst v61  }
0xd2: {  	v50 =	vadd.s32 s9, v1;
	v58 =	vld.idx.msk [tilespmem:v15+s3+$0x0], $0xffff;
	[tilespmem:s28+$0x40] =	vst v51  }
0xd3: {  	v57 =	vld.idx.msk [tilespmem:v53+s3+$0x0], $0xffff;
	[tilespmem:s15+$0xFFFFFFD0] =	vst v55  }
0xd4: {  	v59 =	vadd.s32 s10, v1;
	[tilespmem:s28+$0xFFFFFFD0] =	vst v54;
	v60 =	vld.idx.msk [tilespmem:v20+s3+$0x0], $0xffff  }
0xd5: {  	[tilespmem:s15+$0x40] =	vst v3;
	v3 =	vld.idx.msk [tilespmem:v19+s3+$0x0], $0xffff  }
0xd6: {  	[tilespmem:s8+$0x50] =	vst v49;
	v2 =	vld.idx.msk [tilespmem:v2+s3+$0x0], $0xffff  }
0xd7: {  	v1 =	vadd.s32 s12, v1;
	v56 =	vld.idx.msk [tilespmem:v50+s3+$0x0], $0xffff;
	[tilespmem:s8+$0xFFFFFFE0] =	vst v58  }
0xd8: {  	v63 =	vld.idx.msk [tilespmem:v13+s3+$0x0], $0xffff;
	[tilespmem:s28+$0x50] =	vst v57  }
0xd9: {  	v62 =	vld.idx.msk [tilespmem:v59+s3+$0x0], $0xffff;
	[tilespmem:s15+$0xFFFFFFE0] =	vst v60  }
0xda: {  	[tilespmem:s28+$0xFFFFFFE0] =	vst v3;
	v3 =	vld.idx.msk [tilespmem:v18+s3+$0x0], $0xffff  }
0xdb: {  	[tilespmem:s15+$0x50] =	vst v2;
	v2 =	vld.idx.msk [tilespmem:v14+s3+$0x0], $0xffff  }
0xdc: {  	[tilespmem:s8+$0x60] =	vst v56;
	v1 =	vld.idx.msk [tilespmem:v1+s3+$0x0], $0xffff  }
0xdd: {  	[tilespmem:s8+$0xFFFFFFF0] =	vst v63  }
0xde: {  	[tilespmem:s28+$0x60] =	vst v62  }
0xdf: {  	[tilespmem:s15+$0xFFFFFFF0] =	vst v3  }
0xe0: {  	[tilespmem:s28+$0xFFFFFFF0] =	vst v2  }
0xe1: {  	s9 =	simm.s32 $0x9240;
	[tilespmem:s15+$0x60] =	vst v1  }
0xe2: {  	[tilespmem:s9+$0xFFFFFFC0] =	vst v0  }
0xe3: {  	p0 =	por $0x1, $0x1;
	[tilespmem:s9+$0x30] =	vst v0  }
.Ltmp3:
0xe4: {  	[tilespmem:s9+$0x20] =	vst v0;
	(pc) =	sbr.rel @!p0 .LBB2_6-.Ltmp3, $4  }
0xe5: {  	[tilespmem:s9+$0x10] =	vst v0  }
0xe6: {  	[tilespmem:s9+$0x0] =	vst v0  }
0xe7: {  	s10 =	simm.s32 $0x0;
	s7 =	simm.s32 $0xD210;
	[tilespmem:s9+$0xFFFFFFF0] =	vst v0  }
0xe8: {  	s5 =	simm.s32 $0xCE10;
	s6 =	simm.s32 $0xCA10;
	s8 =	simm.s32 $0xD610;
	[tilespmem:s9+$0xFFFFFFE0] =	vst v0  }
.LBB2_5:
0xe9: {  	s10 =	sadd.s32 $0x80, s10;
	[tilespmem:s9+$0xFFFFFFD0] =	vst v0;
	s9 =	sadd.s32 $0x80, s9  }
0xea: {  	[tilespmem:s9+$0xFFFFFFC0] =	vst v0;
	p0 =	slt.u32 s10, $0x3780  }
0xeb: {  	[tilespmem:s9+$0x30] =	vst v0  }
.Ltmp4:
0xec: {  	[tilespmem:s9+$0x20] =	vst v0;
	(pc) =	sbr.rel @p0 .LBB2_5-.Ltmp4, $4  }
0xed: {  	[tilespmem:s9+$0x10] =	vst v0  }
0xee: {  	[tilespmem:s9+$0x0] =	vst v0  }
0xef: {  	[tilespmem:s9+$0xFFFFFFF0] =	vst v0  }
0xf0: {  	[tilespmem:s9+$0xFFFFFFE0] =	vst v0  }
.LBB2_6:
0xf1: {  	[tilespmem:s9+$0xFFFFFFD0] =	vst v0  }
0xf2: {  	v4 =	vld [tilespmem:s6+$0x0];
	_ =	sdelay $0x1  }
0xf3: {  	v5 =	vld [tilespmem:s5+$0x0];
	_ =	sdelay $0x3  }
0xf4: {  	v9 =	vld [tilespmem:s6+$0xFFFFFFF0]  }
0xf5: {  	v2 =	vld [tilespmem:s8+$0x0]  }
0xf6: {  	v1 =	vld.idx.msk [tilespmem:v4+s30+$0x0], $0xffff  }
0xf7: {  	v3 =	vld [tilespmem:s7+$0x0]  }
0xf8: {  	v6 =	vld.idx.msk [tilespmem:v5+s29+$0x0], $0xffff  }
0xf9: {  	v7 =	vld [tilespmem:s5+$0xFFFFFFF0];
	_ =	sdelay $0x1  }
0xfa: {  	v11 =	vadd.s32 $0x10, v4;
	v1 =	vmul.f32 v1, v2  }
0xfb: {  	v10 =	vld [tilespmem:s8+$0xFFFFFFF0]  }
0xfc: {  	v8 =	vld [tilespmem:s7+$0xFFFFFFF0];
	v1 =	vmul.f32 v6, v1;
	v6 =	vadd.s32 $0x10, v5  }
0xfd: {  	v12 =	vld.idx.msk [tilespmem:v9+s30+$0x0], $0xffff  }
0xfe: {  	[tilespmem:v3+s31+$0x0] =	vst.idx.add.f32.msk $0xffff, v1  }
0xff: {  	v1 =	vld.idx.msk [tilespmem:v11+s30+$0x0], $0xffff  }
0x100: {  	v11 =	vld.idx.msk [tilespmem:v7+s29+$0x0], $0xffff  }
0x101: {  	v6 =	vld.idx.msk [tilespmem:v6+s29+$0x0], $0xffff;
	_ =	sdelay $0x1  }
0x102: {  	v13 =	vadd.s32 $0x10, v3;
	v12 =	vmul.f32 v12, v10  }
0x103: {  	v14 =	vadd.s32 $0x20, v4;
	v1 =	vmul.f32 v1, v2  }
0x104: {  	v15 =	vadd.s32 $0x10, v9;
	v11 =	vmul.f32 v11, v12  }
0x105: {  	v1 =	vmul.f32 v6, v1;
	v6 =	vadd.s32 $0x20, v5  }
0x106: {  	[tilespmem:v8+s31+$0x0] =	vst.idx.add.f32.msk $0xffff, v11  }
0x107: {  	v11 =	vadd.s32 $0x10, v7;
	[tilespmem:v13+s31+$0x0] =	vst.idx.add.f32.msk $0xffff, v1  }
0x108: {  	v1 =	vld.idx.msk [tilespmem:v14+s30+$0x0], $0xffff  }
0x109: {  	v12 =	vld.idx.msk [tilespmem:v15+s30+$0x0], $0xffff  }
0x10a: {  	v6 =	vld.idx.msk [tilespmem:v6+s29+$0x0], $0xffff;
	_ =	sdelay $0x1  }
0x10b: {  	v13 =	vadd.s32 $0x20, v3;
	v11 =	vld.idx.msk [tilespmem:v11+s29+$0x0], $0xffff  }
0x10c: {  	v14 =	vadd.s32 $0x30, v4;
	v1 =	vmul.f32 v1, v2  }
0x10d: {  	v15 =	vadd.s32 $0x10, v8  }
0x10e: {  	v12 =	vmul.f32 v12, v10;
	v1 =	vmul.f32 v6, v1;
	v6 =	vadd.s32 $0x30, v5  }
0x10f: {  	v16 =	vadd.s32 $0x20, v9  }
0x110: {  	v11 =	vmul.f32 v11, v12;
	[tilespmem:v13+s31+$0x0] =	vst.idx.add.f32.msk $0xffff, v1  }
0x111: {  	v1 =	vadd.s32 $0x20, v7;
	v12 =	vld.idx.msk [tilespmem:v14+s30+$0x0], $0xffff  }
0x112: {  	[tilespmem:v15+s31+$0x0] =	vst.idx.add.f32.msk $0xffff, v11  }
0x113: {  	v6 =	vld.idx.msk [tilespmem:v6+s29+$0x0], $0xffff  }
0x114: {  	v11 =	vld.idx.msk [tilespmem:v16+s30+$0x0], $0xffff  }
0x115: {  	v13 =	vadd.s32 $0x30, v3  }
0x116: {  	s12 =	sadd.s32 $0x20, s6;
	v1 =	vld.idx.msk [tilespmem:v1+s29+$0x0], $0xffff;
	v12 =	vmul.f32 v12, v2  }
0x117: {  	s11 =	sadd.s32 $0x20, s5;
	s13 =	sadd.s32 $0x20, s7;
	v17 =	vld [tilespmem:s12+$0x0];
	v14 =	vadd.s32 $0x40, v4  }
0x118: {  	s6 =	sadd.s32 $0x20, s13;
	v15 =	vadd.s32 $0x20, v8;
	v16 =	vld [tilespmem:s11+$0x0];
	v6 =	vmul.f32 v6, v12  }
0x119: {  	v32 =	vld [tilespmem:s6+$0xFFFFFFF0];
	v11 =	vmul.f32 v11, v10;
	v12 =	vadd.s32 $0x40, v5  }
0x11a: {  	[tilespmem:v13+s31+$0x0] =	vst.idx.add.f32.msk $0xffff, v6  }
0x11b: {  	v1 =	vmul.f32 v1, v11;
	v11 =	vld [tilespmem:s12+$0xFFFFFFF0]  }
0x11c: {  	v6 =	vld.idx.msk [tilespmem:v14+s30+$0x0], $0xffff  }
0x11d: {  	[tilespmem:v15+s31+$0x0] =	vst.idx.add.f32.msk $0xffff, v1  }
0x11e: {  	v1 =	vld.idx.msk [tilespmem:v12+s29+$0x0], $0xffff  }
0x11f: {  	v18 =	vld.idx.msk [tilespmem:v17+s30+$0x0], $0xffff  }
0x120: {  	s14 =	sadd.s32 $0x20, s8;
	v20 =	vld.idx.msk [tilespmem:v16+s29+$0x0], $0xffff;
	v13 =	vadd.s32 $0x40, v3  }
0x121: {  	v15 =	vld [tilespmem:s14+$0x0];
	v6 =	vmul.f32 v6, v2  }
0x122: {  	v19 =	vadd.s32 $0x50, v4;
	v12 =	vld [tilespmem:s11+$0xFFFFFFF0]  }
0x123: {  	v14 =	vld [tilespmem:s13+$0x0];
	v1 =	vmul.f32 v1, v6  }
0x124: {  	v6 =	vadd.s32 $0x50, v5;
	v21 =	vld.idx.msk [tilespmem:v11+s30+$0x0], $0xffff  }
0x125: {  	[tilespmem:v13+s31+$0x0] =	vst.idx.add.f32.msk $0xffff, v1  }
0x126: {  	v1 =	vld [tilespmem:s14+$0xFFFFFFF0];
	v13 =	vmul.f32 v18, v15  }
0x127: {  	v22 =	vadd.s32 $0x30, v9;
	v19 =	vld.idx.msk [tilespmem:v19+s30+$0x0], $0xffff  }
0x128: {  	v18 =	vadd.s32 $0x10, v17;
	v20 =	vmul.f32 v20, v13;
	v13 =	vld [tilespmem:s13+$0xFFFFFFF0]  }
0x129: {  	v25 =	vadd.s32 $0x30, v7;
	v6 =	vld.idx.msk [tilespmem:v6+s29+$0x0], $0xffff  }
0x12a: {  	v24 =	vadd.s32 $0x10, v16;
	v23 =	vld.idx.msk [tilespmem:v12+s29+$0x0], $0xffff  }
0x12b: {  	[tilespmem:v14+s31+$0x0] =	vst.idx.add.f32.msk $0xffff, v20;
	v20 =	vadd.s32 $0x50, v3  }
0x12c: {  	v22 =	vld.idx.msk [tilespmem:v22+s30+$0x0], $0xffff;
	v19 =	vmul.f32 v19, v2  }
0x12d: {  	v4 =	vadd.s32 $0x60, v4;
	v18 =	vld.idx.msk [tilespmem:v18+s30+$0x0], $0xffff;
	v21 =	vmul.f32 v21, v1  }
0x12e: {  	v25 =	vld.idx.msk [tilespmem:v25+s29+$0x0], $0xffff;
	v26 =	vadd.s32 $0x10, v11;
	v6 =	vmul.f32 v6, v19  }
0x12f: {  	v5 =	vadd.s32 $0x60, v5;
	v24 =	vld.idx.msk [tilespmem:v24+s29+$0x0], $0xffff;
	v21 =	vmul.f32 v23, v21  }
0x130: {  	v19 =	vadd.s32 $0x10, v12;
	[tilespmem:v20+s31+$0x0] =	vst.idx.add.f32.msk $0xffff, v6  }
0x131: {  	v6 =	vadd.s32 $0x10, v14;
	[tilespmem:v13+s31+$0x0] =	vst.idx.add.f32.msk $0xffff, v21  }
0x132: {  	v18 =	vmul.f32 v18, v15;
	v20 =	vadd.s32 $0x20, v17;
	v4 =	vld.idx.msk [tilespmem:v4+s30+$0x0], $0xffff  }
0x133: {  	v23 =	vadd.s32 $0x20, v16;
	v21 =	vld.idx.msk [tilespmem:v26+s30+$0x0], $0xffff  }
0x134: {  	v5 =	vld.idx.msk [tilespmem:v5+s29+$0x0], $0xffff;
	v18 =	vmul.f32 v24, v18;
	v24 =	vadd.s32 $0x30, v8  }
0x135: {  	v22 =	vmul.f32 v22, v10;
	v26 =	vadd.s32 $0x40, v9;
	v19 =	vld.idx.msk [tilespmem:v19+s29+$0x0], $0xffff  }
0x136: {  	[tilespmem:v6+s31+$0x0] =	vst.idx.add.f32.msk $0xffff, v18;
	v6 =	vadd.s32 $0x40, v7  }
0x137: {  	v22 =	vmul.f32 v25, v22;
	v3 =	vadd.s32 $0x60, v3;
	v18 =	vld.idx.msk [tilespmem:v20+s30+$0x0], $0xffff  }
0x138: {  	v20 =	vadd.s32 $0x10, v13;
	v23 =	vld.idx.msk [tilespmem:v23+s29+$0x0], $0xffff;
	v2 =	vmul.f32 v4, v2  }
0x139: {  	v25 =	vadd.s32 $0x20, v11;
	v21 =	vmul.f32 v21, v1;
	[tilespmem:v24+s31+$0x0] =	vst.idx.add.f32.msk $0xffff, v22  }
0x13a: {  	v27 =	vadd.s32 $0x20, v12;
	v22 =	vld.idx.msk [tilespmem:v26+s30+$0x0], $0xffff;
	v2 =	vmul.f32 v5, v2  }
0x13b: {  	v19 =	vmul.f32 v19, v21;
	v21 =	vadd.s32 $0x20, v14;
	v6 =	vld.idx.msk [tilespmem:v6+s29+$0x0], $0xffff  }
0x13c: {  	v24 =	vadd.s32 $0x30, v17;
	[tilespmem:v3+s31+$0x0] =	vst.idx.add.f32.msk $0xffff, v2;
	v18 =	vmul.f32 v18, v15  }
0x13d: {  	[tilespmem:v20+s31+$0x0] =	vst.idx.add.f32.msk $0xffff, v19;
	v19 =	vadd.s32 $0x30, v16  }
0x13e: {  	v20 =	vadd.s32 $0x40, v8;
	v4 =	vld.idx.msk [tilespmem:v25+s30+$0x0], $0xffff;
	v18 =	vmul.f32 v23, v18  }
0x13f: {  	v25 =	vadd.s32 $0x50, v9;
	v23 =	vld.idx.msk [tilespmem:v27+s29+$0x0], $0xffff;
	v5 =	vmul.f32 v22, v10  }
0x140: {  	[tilespmem:v21+s31+$0x0] =	vst.idx.add.f32.msk $0xffff, v18  }
0x141: {  	v2 =	vmul.f32 v6, v5;
	v21 =	vld.idx.msk [tilespmem:v24+s30+$0x0], $0xffff  }
0x142: {  	v22 =	vadd.s32 $0x20, v13;
	v3 =	vld.idx.msk [tilespmem:v19+s29+$0x0], $0xffff  }
0x143: {  	v4 =	vmul.f32 v4, v1;
	[tilespmem:v20+s31+$0x0] =	vst.idx.add.f32.msk $0xffff, v2  }
0x144: {  	s15 =	sadd.s32 $0x20, s11;
	v19 =	vld.idx.msk [tilespmem:v25+s30+$0x0], $0xffff  }
0x145: {  	s5 =	sadd.s32 $0x20, s12;
	v25 =	vld [tilespmem:s15+$0xFFFFFFF0];
	v2 =	vmul.f32 v23, v4;
	v4 =	vadd.s32 $0x30, v14  }
0x146: {  	v6 =	vadd.s32 $0x40, v17;
	v23 =	vld [tilespmem:s5+$0xFFFFFFF0];
	v5 =	vmul.f32 v21, v15  }
0x147: {  	v18 =	vadd.s32 $0x50, v7;
	[tilespmem:v22+s31+$0x0] =	vst.idx.add.f32.msk $0xffff, v2  }
0x148: {  	v20 =	vadd.s32 $0x40, v16;
	v3 =	vmul.f32 v3, v5;
	v5 =	vld [tilespmem:s5+$0x0]  }
0x149: {  	v2 =	vld [tilespmem:s15+$0x0]  }
0x14a: {  	v21 =	vadd.s32 $0x30, v11;
	[tilespmem:v4+s31+$0x0] =	vst.idx.add.f32.msk $0xffff, v3  }
0x14b: {  	v4 =	vld.idx.msk [tilespmem:v6+s30+$0x0], $0xffff  }
0x14c: {  	v18 =	vld.idx.msk [tilespmem:v18+s29+$0x0], $0xffff  }
0x14d: {  	v6 =	vld.idx.msk [tilespmem:v20+s29+$0x0], $0xffff  }
0x14e: {  	v3 =	vld [tilespmem:s6+$0x0]  }
0x14f: {  	v20 =	vld.idx.msk [tilespmem:v21+s30+$0x0], $0xffff;
	v21 =	vadd.s32 $0x40, v14  }
0x150: {  	s7 =	sadd.s32 $0x20, s14;
	v22 =	vld.idx.msk [tilespmem:v5+s30+$0x0], $0xffff;
	v24 =	vmul.f32 v4, v15  }
0x151: {  	v26 =	vadd.s32 $0x50, v17;
	v4 =	vld [tilespmem:s7+$0x0]  }
0x152: {  	v28 =	vld.idx.msk [tilespmem:v23+s30+$0x0], $0xffff;
	v6 =	vmul.f32 v6, v24  }
0x153: {  	v27 =	vld.idx.msk [tilespmem:v2+s29+$0x0], $0xffff;
	v24 =	vadd.s32 $0x50, v16  }
0x154: {  	v31 =	vadd.s32 $0x50, v8;
	[tilespmem:v21+s31+$0x0] =	vst.idx.add.f32.msk $0xffff, v6  }
0x155: {  	v19 =	vmul.f32 v19, v10;
	v6 =	vld [tilespmem:s7+$0xFFFFFFF0]  }
0x156: {  	v21 =	vld.idx.msk [tilespmem:v26+s30+$0x0], $0xffff;
	v22 =	vmul.f32 v22, v4;
	v26 =	vadd.s32 $0x10, v5  }
0x157: {  	v29 =	vadd.s32 $0x30, v12;
	v18 =	vmul.f32 v18, v19;
	v30 =	vld.idx.msk [tilespmem:v25+s29+$0x0], $0xffff  }
0x158: {  	v24 =	vld.idx.msk [tilespmem:v24+s29+$0x0], $0xffff;
	v22 =	vmul.f32 v27, v22;
	v27 =	vadd.s32 $0x10, v2  }
0x159: {  	[tilespmem:v31+s31+$0x0] =	vst.idx.add.f32.msk $0xffff, v18  }
0x15a: {  	[tilespmem:v3+s31+$0x0] =	vst.idx.add.f32.msk $0xffff, v22;
	v22 =	vadd.s32 $0x50, v14;
	v28 =	vmul.f32 v28, v6  }
0x15b: {  	v18 =	vadd.s32 $0x10, v25;
	v26 =	vld.idx.msk [tilespmem:v26+s30+$0x0], $0xffff;
	v21 =	vmul.f32 v21, v15  }
0x15c: {  	v17 =	vadd.s32 $0x60, v17;
	v19 =	vld.idx.msk [tilespmem:v29+s29+$0x0], $0xffff;
	v28 =	vmul.f32 v30, v28  }
0x15d: {  	v16 =	vadd.s32 $0x60, v16;
	v27 =	vld.idx.msk [tilespmem:v27+s29+$0x0], $0xffff;
	v21 =	vmul.f32 v24, v21  }
0x15e: {  	v24 =	vadd.s32 $0x10, v23;
	[tilespmem:v32+s31+$0x0] =	vst.idx.add.f32.msk $0xffff, v28  }
0x15f: {  	v28 =	vadd.s32 $0x30, v13;
	[tilespmem:v22+s31+$0x0] =	vst.idx.add.f32.msk $0xffff, v21  }
0x160: {  	v20 =	vmul.f32 v20, v1;
	v21 =	vadd.s32 $0x10, v3;
	v18 =	vld.idx.msk [tilespmem:v18+s29+$0x0], $0xffff;
	v22 =	vmul.f32 v26, v4  }
0x161: {  	v17 =	vld.idx.msk [tilespmem:v17+s30+$0x0], $0xffff;
	v26 =	vadd.s32 $0x20, v5  }
0x162: {  	v19 =	vmul.f32 v19, v20;
	v16 =	vld.idx.msk [tilespmem:v16+s29+$0x0], $0xffff;
	v22 =	vmul.f32 v27, v22;
	v27 =	vadd.s32 $0x20, v2  }
0x163: {  	v29 =	vadd.s32 $0x40, v11;
	v24 =	vld.idx.msk [tilespmem:v24+s30+$0x0], $0xffff  }
0x164: {  	v9 =	vadd.s32 $0x60, v9;
	[tilespmem:v28+s31+$0x0] =	vst.idx.add.f32.msk $0xffff, v19  }
0x165: {  	v14 =	vadd.s32 $0x60, v14;
	[tilespmem:v21+s31+$0x0] =	vst.idx.add.f32.msk $0xffff, v22  }
0x166: {  	v20 =	vadd.s32 $0x40, v12;
	v21 =	vld.idx.msk [tilespmem:v26+s30+$0x0], $0xffff;
	v15 =	vmul.f32 v17, v15  }
0x167: {  	v17 =	vadd.s32 $0x10, v32;
	v19 =	vld.idx.msk [tilespmem:v27+s29+$0x0], $0xffff  }
0x168: {  	v15 =	vmul.f32 v16, v15;
	v16 =	vadd.s32 $0x20, v23;
	v22 =	vmul.f32 v24, v6;
	v24 =	vld.idx.msk [tilespmem:v29+s30+$0x0], $0xffff  }
0x169: {  	v26 =	vadd.s32 $0x20, v25;
	v27 =	vld.idx.msk [tilespmem:v9+s30+$0x0], $0xffff  }
0x16a: {  	[tilespmem:v14+s31+$0x0] =	vst.idx.add.f32.msk $0xffff, v15;
	v14 =	vmul.f32 v18, v22;
	v15 =	vadd.s32 $0x20, v3  }
0x16b: {  	v18 =	vld.idx.msk [tilespmem:v20+s29+$0x0], $0xffff;
	v20 =	vmul.f32 v21, v4;
	v21 =	vadd.s32 $0x30, v5  }
0x16c: {  	v35 =	vadd.s32 $0x20, v32;
	v31 =	vadd.s32 $0x40, v13;
	v28 =	vadd.s32 $0x60, v7;
	[tilespmem:v17+s31+$0x0] =	vst.idx.add.f32.msk $0xffff, v14  }
0x16d: {  	v30 =	vadd.s32 $0x50, v12;
	v17 =	vadd.s32 $0x30, v2;
	v14 =	vld.idx.msk [tilespmem:v16+s30+$0x0], $0xffff;
	v16 =	vmul.f32 v19, v20  }
0x16e: {  	v7 =	vadd.s32 $0x60, v8;
	v8 =	vadd.s32 $0x60, v13;
	v29 =	vadd.s32 $0x50, v11;
	v33 =	vld.idx.msk [tilespmem:v26+s29+$0x0], $0xffff  }
0x16f: {  	v9 =	vadd.s32 $0x60, v12;
	v12 =	vadd.s32 $0x50, v13;
	v13 =	vmul.f32 v24, v1;
	[tilespmem:v15+s31+$0x0] =	vst.idx.add.f32.msk $0xffff, v16  }
0x170: {  	v11 =	vadd.s32 $0x60, v11;
	v22 =	vadd.s32 $0x30, v25;
	v24 =	vadd.s32 $0x30, v23;
	v34 =	vld.idx.msk [tilespmem:v21+s30+$0x0], $0xffff  }
0x171: {  	v36 =	vld.idx.msk [tilespmem:v28+s29+$0x0], $0xffff;
	v19 =	vadd.s32 $0x40, v23;
	v20 =	vadd.s32 $0x40, v25;
	v18 =	vmul.f32 v18, v13  }
0x172: {  	v16 =	vadd.s32 $0x50, v23;
	v15 =	vadd.s32 $0x50, v25;
	v28 =	vld.idx.msk [tilespmem:v17+s29+$0x0], $0xffff;
	v17 =	vmul.f32 v14, v6  }
0x173: {  	v13 =	vadd.s32 $0x60, v25;
	v25 =	vadd.s32 $0x40, v5;
	v21 =	vadd.s32 $0x40, v32;
	[tilespmem:v31+s31+$0x0] =	vst.idx.add.f32.msk $0xffff, v18  }
0x174: {  	v18 =	vmul.f32 v27, v10;
	v26 =	vld.idx.msk [tilespmem:v29+s30+$0x0], $0xffff;
	v29 =	vadd.s32 $0x30, v3;
	v31 =	vmul.f32 v33, v17  }
0x175: {  	v10 =	vadd.s32 $0x60, v32;
	v14 =	vadd.s32 $0x60, v23;
	v27 =	vld.idx.msk [tilespmem:v30+s29+$0x0], $0xffff;
	v30 =	vmul.f32 v34, v4  }
0x176: {  	s28 =	simm.s32 $0x20;
	s8 =	simm.s32 $0x40;
	s9 =	sadd.s32 $0x20, s15;
	v23 =	vadd.s32 $0x30, v32;
	v18 =	vmul.f32 v36, v18;
	v17 =	vadd.s32 $0x50, v32;
	[tilespmem:v35+s31+$0x0] =	vst.idx.add.f32.msk $0xffff, v31  }
.LBB2_7:
0x177: {  	v31 =	vld [tilespmem:s9+$0x0];
	v28 =	vmul.f32 v28, v30;
	v30 =	vadd.s32 $0x40, v2;
	s5 =	sadd.s32 $0x20, s5  }
0x178: {  	s8 =	sadd.s32 $0x20, s8;
	v32 =	vld [tilespmem:s5+$0x0]  }
0x179: {  	p0 =	slt.u32 s8, $0x3E0;
	v26 =	vmul.f32 v26, v1;
	[tilespmem:v29+s31+$0x0] =	vst.idx.add.f32.msk $0xffff, v28  }
0x17a: {  	v25 =	vld.idx.msk [tilespmem:v25+s30+$0x0], $0xffff  }
0x17b: {  	v26 =	vmul.f32 v27, v26;
	v28 =	vld [tilespmem:s5+$0xFFFFFFF0]  }
0x17c: {  	v27 =	vld.idx.msk [tilespmem:v30+s29+$0x0], $0xffff  }
0x17d: {  	v29 =	vld [tilespmem:s9+$0xFFFFFFF0]  }
0x17e: {  	s6 =	sadd.s32 $0x20, s6;
	v30 =	vld.idx.msk [tilespmem:v24+s30+$0x0], $0xffff  }
0x17f: {  	v34 =	vadd.s32 $0x40, v3;
	v33 =	vld [tilespmem:s6+$0x0]  }
0x180: {  	v37 =	vadd.s32 $0x50, v5;
	s7 =	sadd.s32 $0x20, s7;
	v25 =	vmul.f32 v25, v4;
	v35 =	vadd.s32 $0x10, v28;
	v36 =	vld.idx.msk [tilespmem:v32+s30+$0x0], $0xffff  }
0x181: {  	v38 =	vadd.s32 $0x20, v28;
	v24 =	vadd.s32 $0x30, v28;
	v39 =	vadd.s32 $0x40, v28;
	v40 =	vld [tilespmem:s7+$0x0]  }
0x182: {  	v43 =	vadd.s32 $0x50, v2;
	v27 =	vmul.f32 v27, v25;
	v41 =	vadd.s32 $0x10, v29;
	v42 =	vld.idx.msk [tilespmem:v31+s29+$0x0], $0xffff  }
0x183: {  	v45 =	vadd.s32 $0x20, v29;
	v46 =	vadd.s32 $0x30, v29;
	v47 =	vadd.s32 $0x40, v29;
	v44 =	vld.idx.msk [tilespmem:v28+s30+$0x0], $0xffff  }
0x184: {  	v48 =	vadd.s32 $0x50, v28;
	v25 =	vadd.s32 $0x50, v29;
	v30 =	vmul.f32 v30, v6;
	[tilespmem:v34+s31+$0x0] =	vst.idx.add.f32.msk $0xffff, v27  }
0x185: {  	v27 =	vadd.s32 $0x60, v28;
	v28 =	vadd.s32 $0x60, v29;
	v34 =	vld.idx.msk [tilespmem:v37+s30+$0x0], $0xffff  }
0x186: {  	v49 =	vadd.s32 $0x10, v32;
	v37 =	vld [tilespmem:s7+$0xFFFFFFF0];
	v36 =	vmul.f32 v36, v40  }
0x187: {  	v43 =	vld.idx.msk [tilespmem:v43+s29+$0x0], $0xffff  }
0x188: {  	v29 =	vld.idx.msk [tilespmem:v29+s29+$0x0], $0xffff;
	v36 =	vmul.f32 v42, v36;
	v42 =	vadd.s32 $0x10, v31  }
0x189: {  	v50 =	vld [tilespmem:s6+$0xFFFFFFF0]  }
0x18a: {  	[tilespmem:v33+s31+$0x0] =	vst.idx.add.f32.msk $0xffff, v36;
	v36 =	vadd.s32 $0x50, v3  }
0x18b: {  	v51 =	vadd.s32 $0x60, v5;
	v5 =	vmovc v32;
	v34 =	vmul.f32 v34, v4;
	v44 =	vmul.f32 v44, v37;
	v49 =	vld.idx.msk [tilespmem:v49+s30+$0x0], $0xffff  }
0x18c: {  	v32 =	vld.idx.msk [tilespmem:v22+s29+$0x0], $0xffff;
	v22 =	vmov v46  }
0x18d: {  	v34 =	vmul.f32 v43, v34;
	v43 =	vadd.s32 $0x60, v2;
	v2 =	vmov v31;
	v42 =	vld.idx.msk [tilespmem:v42+s29+$0x0], $0xffff  }
0x18e: {  	v29 =	vmul.f32 v29, v44;
	v31 =	vadd.s32 $0x10, v50;
	v44 =	vadd.s32 $0x20, v50;
	[tilespmem:v12+s31+$0x0] =	vst.idx.add.f32.msk $0xffff, v26;
	v12 =	vmovc v17  }
0x18f: {  	v26 =	vadd.s32 $0x30, v50;
	v46 =	vadd.s32 $0x40, v50;
	v17 =	vadd.s32 $0x50, v50;
	[tilespmem:v36+s31+$0x0] =	vst.idx.add.f32.msk $0xffff, v34  }
0x190: {  	v34 =	vadd.s32 $0x60, v50;
	v36 =	vadd.s32 $0x10, v33;
	v51 =	vld.idx.msk [tilespmem:v51+s30+$0x0], $0xffff  }
0x191: {  	[tilespmem:v50+s31+$0x0] =	vst.idx.add.f32.msk $0xffff, v29;
	v29 =	vmul.f32 v49, v40;
	v49 =	vadd.s32 $0x20, v5  }
0x192: {  	v30 =	vmul.f32 v32, v30;
	v32 =	vld.idx.msk [tilespmem:v43+s29+$0x0], $0xffff  }
0x193: {  	v35 =	vld.idx.msk [tilespmem:v35+s30+$0x0], $0xffff;
	v29 =	vmul.f32 v42, v29;
	v42 =	vadd.s32 $0x20, v2  }
0x194: {  	v41 =	vld.idx.msk [tilespmem:v41+s29+$0x0], $0xffff  }
0x195: {  	[tilespmem:v36+s31+$0x0] =	vst.idx.add.f32.msk $0xffff, v29;
	v29 =	vadd.s32 $0x60, v3;
	v3 =	vmov v33  }
0x196: {  	v36 =	vmul.f32 v51, v4;
	v4 =	vmov v40;
	v33 =	vld.idx.msk [tilespmem:v49+s30+$0x0], $0xffff  }
0x197: {  	[tilespmem:v23+s31+$0x0] =	vst.idx.add.f32.msk $0xffff, v30;
	v23 =	vmov v26  }
0x198: {  	v30 =	vmul.f32 v32, v36;
	v26 =	vld.idx.msk [tilespmem:v42+s29+$0x0], $0xffff  }
0x199: {  	v32 =	vmul.f32 v35, v37;
	v35 =	vld.idx.msk [tilespmem:v19+s30+$0x0], $0xffff;
	v19 =	vmov v39  }
0x19a: {  	[tilespmem:v29+s31+$0x0] =	vst.idx.add.f32.msk $0xffff, v30  }
0x19b: {  	v29 =	vmul.f32 v41, v32;
	v30 =	vadd.s32 $0x20, v3;
	v32 =	vld.idx.msk [tilespmem:v20+s29+$0x0], $0xffff;
	v20 =	vmov v47  }
0x19c: {  	v36 =	vadd.s32 $0x30, v5;
	v33 =	vmul.f32 v33, v4;
	v39 =	vld.idx.msk [tilespmem:v11+s30+$0x0], $0xffff;
	v11 =	vmovc v14;
	v14 =	vmov v27  }
0x19d: {  	[tilespmem:v31+s31+$0x0] =	vst.idx.add.f32.msk $0xffff, v29  }
0x19e: {  	v26 =	vmul.f32 v26, v33;
	v29 =	vadd.s32 $0x30, v2;
	v27 =	vld.idx.msk [tilespmem:v38+s30+$0x0], $0xffff  }
0x19f: {  	v33 =	vmul.f32 v35, v6;
	v31 =	vld.idx.msk [tilespmem:v45+s29+$0x0], $0xffff  }
0x1a0: {  	[tilespmem:v30+s31+$0x0] =	vst.idx.add.f32.msk $0xffff, v26  }
0x1a1: {  	v26 =	vmul.f32 v32, v33;
	v30 =	vld.idx.msk [tilespmem:v36+s30+$0x0], $0xffff  }
0x1a2: {  	v32 =	vmul.f32 v39, v1;
	v1 =	vmovc v6;
	v6 =	vmovc v37;
	v33 =	vld.idx.msk [tilespmem:v9+s29+$0x0], $0xffff;
	v9 =	vmov v13;
	v13 =	vmov v28  }
0x1a3: {  	v28 =	vld.idx.msk [tilespmem:v29+s29+$0x0], $0xffff  }
.Ltmp5:
0x1a4: {  	v27 =	vmul.f32 v27, v6;
	[tilespmem:v21+s31+$0x0] =	vst.idx.add.f32.msk $0xffff, v26;
	v21 =	vmov v46;
	(pc) =	sbr.rel @p0 .LBB2_7-.Ltmp5, $4  }
0x1a5: {  	v26 =	vld.idx.msk [tilespmem:v16+s30+$0x0], $0xffff;
	v16 =	vmov v48  }
0x1a6: {  	v29 =	vadd.s32 $0x30, v3;
	v31 =	vmul.f32 v31, v27;
	v27 =	vld.idx.msk [tilespmem:v15+s29+$0x0], $0xffff;
	v15 =	vmov v25  }
0x1a7: {  	v30 =	vmul.f32 v30, v4;
	v25 =	vadd.s32 $0x40, v5;
	[tilespmem:v7+s31+$0x0] =	vst.idx.add.f32.msk $0xffff, v18;
	v7 =	vmovc v8;
	v8 =	vmov v10  }
0x1a8: {  	s9 =	sadd.s32 $0x20, s9;
	v18 =	vmul.f32 v33, v32;
	v10 =	vmov v34;
	[tilespmem:v44+s31+$0x0] =	vst.idx.add.f32.msk $0xffff, v31  }
0x1a9: {  	_ =	sdelay $0x3  }
0x1aa: {  	v24 =	vld.idx.msk [tilespmem:v24+s30+$0x0], $0xffff;
	_ =	sdelay $0x1  }
0x1ab: {  	v22 =	vld.idx.msk [tilespmem:v22+s29+$0x0], $0xffff  }
0x1ac: {  	v28 =	vmul.f32 v28, v30;
	v30 =	vadd.s32 $0x40, v2;
	_ =	sdelay $0x1  }
0x1ad: {  	[tilespmem:v29+s31+$0x0] =	vst.idx.add.f32.msk $0xffff, v28;
	v24 =	vmul.f32 v24, v6  }
0x1ae: {  	v25 =	vld.idx.msk [tilespmem:v25+s30+$0x0], $0xffff  }
0x1af: {  	v22 =	vmul.f32 v22, v24  }
0x1b0: {  	v24 =	vld.idx.msk [tilespmem:v30+s29+$0x0], $0xffff  }
0x1b1: {  	[tilespmem:v23+s31+$0x0] =	vst.idx.add.f32.msk $0xffff, v22  }
0x1b2: {  	v22 =	vadd.s32 $0x40, v3;
	v19 =	vld.idx.msk [tilespmem:v19+s30+$0x0], $0xffff  }
0x1b3: {  	v23 =	vmul.f32 v25, v4;
	v25 =	vadd.s32 $0x50, v5  }
0x1b4: {  	v20 =	vld.idx.msk [tilespmem:v20+s29+$0x0], $0xffff  }
0x1b5: {  	v23 =	vmul.f32 v24, v23;
	v24 =	vadd.s32 $0x50, v2;
	_ =	sdelay $0x1  }
0x1b6: {  	[tilespmem:v22+s31+$0x0] =	vst.idx.add.f32.msk $0xffff, v23;
	v19 =	vmul.f32 v19, v6  }
0x1b7: {  	v22 =	vld.idx.msk [tilespmem:v25+s30+$0x0], $0xffff  }
0x1b8: {  	v19 =	vmul.f32 v20, v19  }
0x1b9: {  	v20 =	vld.idx.msk [tilespmem:v24+s29+$0x0], $0xffff  }
0x1ba: {  	[tilespmem:v21+s31+$0x0] =	vst.idx.add.f32.msk $0xffff, v19  }
0x1bb: {  	v19 =	vmul.f32 v26, v1;
	v21 =	vadd.s32 $0x50, v3;
	v16 =	vld.idx.msk [tilespmem:v16+s30+$0x0], $0xffff  }
0x1bc: {  	v22 =	vmul.f32 v22, v4  }
0x1bd: {  	v5 =	vadd.s32 $0x60, v5;
	v15 =	vld.idx.msk [tilespmem:v15+s29+$0x0], $0xffff;
	v19 =	vmul.f32 v27, v19  }
0x1be: {  	v2 =	vadd.s32 $0x60, v2;
	v20 =	vmul.f32 v20, v22  }
0x1bf: {  	[tilespmem:v12+s31+$0x0] =	vst.idx.add.f32.msk $0xffff, v19  }
0x1c0: {  	[tilespmem:v21+s31+$0x0] =	vst.idx.add.f32.msk $0xffff, v20;
	v12 =	vmul.f32 v16, v6  }
0x1c1: {  	v11 =	vld.idx.msk [tilespmem:v11+s30+$0x0], $0xffff  }
0x1c2: {  	v5 =	vld.idx.msk [tilespmem:v5+s30+$0x0], $0xffff;
	v12 =	vmul.f32 v15, v12  }
0x1c3: {  	v2 =	vld.idx.msk [tilespmem:v2+s29+$0x0], $0xffff  }
0x1c4: {  	[tilespmem:v17+s31+$0x0] =	vst.idx.add.f32.msk $0xffff, v12  }
0x1c5: {  	v12 =	vld.idx.msk [tilespmem:v14+s30+$0x0], $0xffff  }
0x1c6: {  	v9 =	vld.idx.msk [tilespmem:v9+s29+$0x0], $0xffff  }
0x1c7: {  	v3 =	vadd.s32 $0x60, v3;
	v4 =	vmul.f32 v5, v4;
	v5 =	vld.idx.msk [tilespmem:v13+s29+$0x0], $0xffff;
	_ =	sdelay $0x1  }
0x1c8: {  	v1 =	vmul.f32 v11, v1  }
0x1c9: {  	v2 =	vmul.f32 v2, v4;
	v4 =	vmul.f32 v12, v6  }
0x1ca: {  	[tilespmem:v7+s31+$0x0] =	vst.idx.add.f32.msk $0xffff, v18;
	v1 =	vmul.f32 v9, v1  }
0x1cb: {  	[tilespmem:v3+s31+$0x0] =	vst.idx.add.f32.msk $0xffff, v2;
	v2 =	vmul.f32 v5, v4  }
0x1cc: {  	[tilespmem:v8+s31+$0x0] =	vst.idx.add.f32.msk $0xffff, v1  }
0x1cd: {  	s5 =	simm.s32 $0xDA10;
	[tilespmem:v10+s31+$0x0] =	vst.idx.add.f32.msk $0xffff, v2  }
0x1ce: {  	v17 =	vld [tilespmem:s5+$0x0]  }
0x1cf: {  	s6 =	simm.s32 $0xE210  }
0x1d0: {  	v18 =	vld [tilespmem:s6+$0x0]  }
0x1d1: {  	s7 =	simm.s32 $0xEA10  }
0x1d2: {  	v19 =	vld [tilespmem:s7+$0x0];
	_ =	sdelay $0x1  }
0x1d3: {  	s8 =	simm.s32 $0xFA10  }
0x1d4: {  	v10 =	vld [tilespmem:s8+$0x0]  }
0x1d5: {  	v1 =	vld.idx.msk [tilespmem:v17+s30+$0x0], $0xffff;
	_ =	sdelay $0x1  }
0x1d6: {  	s9 =	simm.s32 $0xF210;
	v2 =	vld.idx.msk [tilespmem:v18+s29+$0x0], $0xffff  }
0x1d7: {  	v12 =	vld [tilespmem:s9+$0x0]  }
0x1d8: {  	v3 =	vld.idx.msk [tilespmem:v19+s29+$0x0], $0xffff  }
0x1d9: {  	v1 =	vmul.f32 v1, v10;
	_ =	sdelay $0x1  }
0x1da: {  	v1 =	vmul.f32 v2, v1;
	v2 =	vadd.s32 $0x10, v17;
	_ =	sdelay $0x1  }
0x1db: {  	v9 =	vld [tilespmem:s5+$0xFFFFFFF0];
	v1 =	vmul.f32 v3, v1;
	v3 =	vadd.s32 $0x10, v18  }
0x1dc: {  	v8 =	vld [tilespmem:s6+$0xFFFFFFF0]  }
0x1dd: {  	[tilespmem:v12+s31+$0x0] =	vst.idx.add.f32.msk $0xffff, v1;
	v1 =	vadd.s32 $0x10, v19  }
0x1de: {  	v2 =	vld.idx.msk [tilespmem:v2+s30+$0x0], $0xffff  }
0x1df: {  	v11 =	vld [tilespmem:s7+$0xFFFFFFF0]  }
0x1e0: {  	v3 =	vld.idx.msk [tilespmem:v3+s29+$0x0], $0xffff;
	_ =	sdelay $0x1  }
0x1e1: {  	v4 =	vld.idx.msk [tilespmem:v1+s29+$0x0], $0xffff  }
0x1e2: {  	v2 =	vmul.f32 v2, v10  }
0x1e3: {  	v13 =	vld [tilespmem:s9+$0xFFFFFFF0];
	v6 =	vadd.s32 $0x10, v12  }
0x1e4: {  	v5 =	vld.idx.msk [tilespmem:v9+s30+$0x0], $0xffff;
	v2 =	vmul.f32 v3, v2;
	v3 =	vadd.s32 $0x20, v17  }
0x1e5: {  	v1 =	vld [tilespmem:s8+$0xFFFFFFF0]  }
0x1e6: {  	v7 =	vld.idx.msk [tilespmem:v8+s29+$0x0], $0xffff;
	v2 =	vmul.f32 v4, v2;
	v4 =	vadd.s32 $0x20, v18  }
0x1e7: {  	v14 =	vld.idx.msk [tilespmem:v11+s29+$0x0], $0xffff  }
0x1e8: {  	[tilespmem:v6+s31+$0x0] =	vst.idx.add.f32.msk $0xffff, v2;
	v2 =	vadd.s32 $0x20, v19  }
0x1e9: {  	v3 =	vld.idx.msk [tilespmem:v3+s30+$0x0], $0xffff  }
0x1ea: {  	v5 =	vmul.f32 v5, v1  }
0x1eb: {  	v4 =	vld.idx.msk [tilespmem:v4+s29+$0x0], $0xffff  }
0x1ec: {  	v6 =	vadd.s32 $0x10, v9;
	v5 =	vmul.f32 v7, v5  }
0x1ed: {  	v7 =	vadd.s32 $0x10, v8;
	v2 =	vld.idx.msk [tilespmem:v2+s29+$0x0], $0xffff  }
0x1ee: {  	v15 =	vadd.s32 $0x10, v11;
	v5 =	vmul.f32 v14, v5;
	v3 =	vmul.f32 v3, v10  }
0x1ef: {  	v14 =	vadd.s32 $0x20, v12  }
0x1f0: {  	[tilespmem:v13+s31+$0x0] =	vst.idx.add.f32.msk $0xffff, v5;
	v3 =	vmul.f32 v4, v3;
	v4 =	vadd.s32 $0x30, v17  }
0x1f1: {  	v5 =	vld.idx.msk [tilespmem:v6+s30+$0x0], $0xffff  }
0x1f2: {  	v6 =	vld.idx.msk [tilespmem:v7+s29+$0x0], $0xffff;
	v2 =	vmul.f32 v2, v3;
	v3 =	vadd.s32 $0x30, v18  }
0x1f3: {  	v7 =	vld.idx.msk [tilespmem:v15+s29+$0x0], $0xffff  }
0x1f4: {  	[tilespmem:v14+s31+$0x0] =	vst.idx.add.f32.msk $0xffff, v2;
	v2 =	vadd.s32 $0x30, v19  }
0x1f5: {  	v4 =	vld.idx.msk [tilespmem:v4+s30+$0x0], $0xffff  }
0x1f6: {  	v5 =	vmul.f32 v5, v1  }
0x1f7: {  	v14 =	vadd.s32 $0x10, v13;
	v3 =	vld.idx.msk [tilespmem:v3+s29+$0x0], $0xffff  }
0x1f8: {  	v5 =	vmul.f32 v6, v5  }
0x1f9: {  	v15 =	vadd.s32 $0x20, v9;
	v2 =	vld.idx.msk [tilespmem:v2+s29+$0x0], $0xffff  }
0x1fa: {  	v6 =	vadd.s32 $0x20, v8;
	v5 =	vmul.f32 v7, v5;
	v4 =	vmul.f32 v4, v10  }
0x1fb: {  	v7 =	vadd.s32 $0x30, v12  }
0x1fc: {  	s15 =	simm.s32 $0xDA30;
	[tilespmem:v14+s31+$0x0] =	vst.idx.add.f32.msk $0xffff, v5;
	v3 =	vmul.f32 v3, v4;
	v4 =	vadd.s32 $0x40, v17  }
0x1fd: {  	v5 =	vadd.s32 $0x40, v18;
	v14 =	vld [tilespmem:s15+$0xFFFFFFF0]  }
0x1fe: {  	v20 =	vld.idx.msk [tilespmem:v15+s30+$0x0], $0xffff;
	v2 =	vmul.f32 v2, v3  }
0x1ff: {  	v16 =	vadd.s32 $0x20, v11;
	v21 =	vld.idx.msk [tilespmem:v6+s29+$0x0], $0xffff  }
0x200: {  	v3 =	vadd.s32 $0x40, v19;
	[tilespmem:v7+s31+$0x0] =	vst.idx.add.f32.msk $0xffff, v2  }
0x201: {  	v2 =	vld.idx.msk [tilespmem:v4+s30+$0x0], $0xffff  }
0x202: {  	v7 =	vld.idx.msk [tilespmem:v5+s29+$0x0], $0xffff  }
0x203: {  	v4 =	vld [tilespmem:s15+$0x0]  }
0x204: {  	v22 =	vld.idx.msk [tilespmem:v16+s29+$0x0], $0xffff  }
0x205: {  	s5 =	simm.s32 $0xE230;
	v16 =	vld.idx.msk [tilespmem:v3+s29+$0x0], $0xffff  }
0x206: {  	v5 =	vld [tilespmem:s5+$0x0];
	v2 =	vmul.f32 v2, v10  }
0x207: {  	s6 =	simm.s32 $0xEA30;
	v23 =	vadd.s32 $0x40, v12;
	v15 =	vld [tilespmem:s5+$0xFFFFFFF0]  }
0x208: {  	v24 =	vadd.s32 $0x50, v17;
	s8 =	simm.s32 $0xFA30;
	v6 =	vld [tilespmem:s6+$0x0];
	v7 =	vmul.f32 v7, v2  }
0x209: {  	s7 =	simm.s32 $0xF230;
	v3 =	vld [tilespmem:s8+$0x0]  }
0x20a: {  	v2 =	vld [tilespmem:s7+$0x0];
	v7 =	vmul.f32 v16, v7;
	v16 =	vadd.s32 $0x50, v18  }
0x20b: {  	v25 =	vld.idx.msk [tilespmem:v4+s30+$0x0], $0xffff  }
0x20c: {  	[tilespmem:v23+s31+$0x0] =	vst.idx.add.f32.msk $0xffff, v7;
	v7 =	vadd.s32 $0x50, v19  }
0x20d: {  	v23 =	vld.idx.msk [tilespmem:v24+s30+$0x0], $0xffff  }
0x20e: {  	v24 =	vld.idx.msk [tilespmem:v5+s29+$0x0], $0xffff  }
0x20f: {  	v26 =	vld.idx.msk [tilespmem:v16+s29+$0x0], $0xffff  }
0x210: {  	v27 =	vld.idx.msk [tilespmem:v6+s29+$0x0], $0xffff  }
0x211: {  	v28 =	vld.idx.msk [tilespmem:v7+s29+$0x0], $0xffff;
	v7 =	vmul.f32 v25, v3  }
0x212: {  	v32 =	vld [tilespmem:s7+$0xFFFFFFF0];
	v23 =	vmul.f32 v23, v10  }
0x213: {  	v29 =	vadd.s32 $0x50, v12;
	v16 =	vld [tilespmem:s6+$0xFFFFFFF0];
	v24 =	vmul.f32 v24, v7  }
0x214: {  	v17 =	vadd.s32 $0x60, v17;
	v25 =	vld.idx.msk [tilespmem:v14+s30+$0x0], $0xffff;
	v23 =	vmul.f32 v26, v23  }
0x215: {  	v7 =	vld [tilespmem:s8+$0xFFFFFFF0];
	v24 =	vmul.f32 v27, v24;
	v27 =	vadd.s32 $0x10, v4  }
0x216: {  	v18 =	vadd.s32 $0x60, v18;
	v26 =	vld.idx.msk [tilespmem:v15+s29+$0x0], $0xffff;
	v23 =	vmul.f32 v28, v23  }
0x217: {  	[tilespmem:v2+s31+$0x0] =	vst.idx.add.f32.msk $0xffff, v24;
	v24 =	vadd.s32 $0x10, v5  }
0x218: {  	v19 =	vadd.s32 $0x60, v19;
	[tilespmem:v29+s31+$0x0] =	vst.idx.add.f32.msk $0xffff, v23  }
0x219: {  	v20 =	vmul.f32 v20, v1;
	v23 =	vadd.s32 $0x10, v6;
	v17 =	vld.idx.msk [tilespmem:v17+s30+$0x0], $0xffff  }
0x21a: {  	v28 =	vadd.s32 $0x20, v13;
	v27 =	vld.idx.msk [tilespmem:v27+s30+$0x0], $0xffff  }
0x21b: {  	v20 =	vmul.f32 v21, v20;
	v18 =	vld.idx.msk [tilespmem:v18+s29+$0x0], $0xffff  }
0x21c: {  	v21 =	vadd.s32 $0x30, v9;
	v24 =	vld.idx.msk [tilespmem:v24+s29+$0x0], $0xffff  }
0x21d: {  	v20 =	vmul.f32 v22, v20;
	v29 =	vadd.s32 $0x30, v8;
	v19 =	vld.idx.msk [tilespmem:v19+s29+$0x0], $0xffff  }
0x21e: {  	v22 =	vadd.s32 $0x30, v11;
	v23 =	vld.idx.msk [tilespmem:v23+s29+$0x0], $0xffff;
	v10 =	vmul.f32 v17, v10  }
0x21f: {  	v12 =	vadd.s32 $0x60, v12;
	[tilespmem:v28+s31+$0x0] =	vst.idx.add.f32.msk $0xffff, v20;
	v17 =	vmul.f32 v27, v3  }
0x220: {  	v20 =	vld.idx.msk [tilespmem:v16+s29+$0x0], $0xffff;
	v27 =	vadd.s32 $0x10, v2;
	v10 =	vmul.f32 v18, v10  }
0x221: {  	v21 =	vld.idx.msk [tilespmem:v21+s30+$0x0], $0xffff;
	v18 =	vmul.f32 v25, v7;
	v17 =	vmul.f32 v24, v17;
	v24 =	vadd.s32 $0x20, v4  }
0x222: {  	v25 =	vld.idx.msk [tilespmem:v29+s29+$0x0], $0xffff;
	v10 =	vmul.f32 v19, v10  }
0x223: {  	v18 =	vmul.f32 v26, v18;
	v19 =	vld.idx.msk [tilespmem:v22+s29+$0x0], $0xffff;
	v22 =	vadd.s32 $0x20, v5;
	v17 =	vmul.f32 v23, v17  }
0x224: {  	v23 =	vadd.s32 $0x10, v14;
	[tilespmem:v12+s31+$0x0] =	vst.idx.add.f32.msk $0xffff, v10  }
0x225: {  	v10 =	vmul.f32 v20, v18;
	v12 =	vadd.s32 $0x20, v6;
	[tilespmem:v27+s31+$0x0] =	vst.idx.add.f32.msk $0xffff, v17  }
0x226: {  	v17 =	vadd.s32 $0x10, v15;
	v18 =	vld.idx.msk [tilespmem:v24+s30+$0x0], $0xffff  }
0x227: {  	v21 =	vmul.f32 v21, v1;
	v20 =	vadd.s32 $0x10, v16;
	[tilespmem:v32+s31+$0x0] =	vst.idx.add.f32.msk $0xffff, v10  }
0x228: {  	v10 =	vadd.s32 $0x30, v13;
	v22 =	vld.idx.msk [tilespmem:v22+s29+$0x0], $0xffff  }
0x229: {  	v21 =	vmul.f32 v25, v21;
	v24 =	vadd.s32 $0x40, v9;
	v23 =	vld.idx.msk [tilespmem:v23+s30+$0x0], $0xffff  }
0x22a: {  	v25 =	vadd.s32 $0x40, v8;
	v12 =	vld.idx.msk [tilespmem:v12+s29+$0x0], $0xffff  }
0x22b: {  	v26 =	vadd.s32 $0x40, v11;
	v19 =	vmul.f32 v19, v21;
	v17 =	vld.idx.msk [tilespmem:v17+s29+$0x0], $0xffff;
	v18 =	vmul.f32 v18, v3  }
0x22c: {  	v21 =	vadd.s32 $0x20, v2;
	v20 =	vld.idx.msk [tilespmem:v20+s29+$0x0], $0xffff  }
0x22d: {  	[tilespmem:v10+s31+$0x0] =	vst.idx.add.f32.msk $0xffff, v19;
	v10 =	vmul.f32 v22, v18;
	v18 =	vadd.s32 $0x30, v4  }
0x22e: {  	v19 =	vld.idx.msk [tilespmem:v24+s30+$0x0], $0xffff;
	v22 =	vmul.f32 v23, v7;
	v23 =	vadd.s32 $0x30, v5  }
0x22f: {  	v24 =	vadd.s32 $0x10, v32;
	v25 =	vld.idx.msk [tilespmem:v25+s29+$0x0], $0xffff;
	v10 =	vmul.f32 v12, v10  }
0x230: {  	v26 =	vld.idx.msk [tilespmem:v26+s29+$0x0], $0xffff;
	v12 =	vmul.f32 v17, v22;
	v17 =	vadd.s32 $0x30, v6  }
0x231: {  	v49 =	vadd.s32 $0x60, v9;
	v22 =	vadd.s32 $0x20, v14;
	[tilespmem:v21+s31+$0x0] =	vst.idx.add.f32.msk $0xffff, v10  }
0x232: {  	v33 =	vadd.s32 $0x50, v11;
	v29 =	vadd.s32 $0x20, v15;
	v12 =	vmul.f32 v20, v12;
	v18 =	vld.idx.msk [tilespmem:v18+s30+$0x0], $0xffff  }
0x233: {  	v31 =	vadd.s32 $0x40, v13;
	v20 =	vadd.s32 $0x20, v16;
	v19 =	vmul.f32 v19, v1;
	v30 =	vld.idx.msk [tilespmem:v23+s29+$0x0], $0xffff  }
0x234: {  	v40 =	vadd.s32 $0x60, v13;
	v37 =	vadd.s32 $0x40, v4;
	v39 =	vadd.s32 $0x40, v5;
	[tilespmem:v24+s31+$0x0] =	vst.idx.add.f32.msk $0xffff, v12  }
0x235: {  	v36 =	vadd.s32 $0x30, v2;
	v27 =	vadd.s32 $0x50, v9;
	v19 =	vmul.f32 v25, v19;
	v25 =	vld.idx.msk [tilespmem:v17+s29+$0x0], $0xffff  }
0x236: {  	v28 =	vadd.s32 $0x50, v8;
	v11 =	vadd.s32 $0x60, v11;
	v10 =	vadd.s32 $0x60, v8;
	v34 =	vld.idx.msk [tilespmem:v22+s30+$0x0], $0xffff  }
0x237: {  	v12 =	vadd.s32 $0x50, v13;
	v13 =	vmul.f32 v26, v19;
	v19 =	vld.idx.msk [tilespmem:v29+s29+$0x0], $0xffff;
	v26 =	vmul.f32 v18, v3  }
0x238: {  	v21 =	vadd.s32 $0x40, v14;
	v23 =	vadd.s32 $0x30, v14;
	v24 =	vadd.s32 $0x30, v15;
	v35 =	vld.idx.msk [tilespmem:v20+s29+$0x0], $0xffff  }
0x239: {  	v22 =	vadd.s32 $0x40, v15;
	v17 =	vadd.s32 $0x50, v15;
	[tilespmem:v31+s31+$0x0] =	vst.idx.add.f32.msk $0xffff, v13;
	v20 =	vmul.f32 v30, v26  }
0x23a: {  	v29 =	vadd.s32 $0x20, v32;
	v18 =	vadd.s32 $0x50, v14;
	v14 =	vadd.s32 $0x60, v14;
	v38 =	vld.idx.msk [tilespmem:v27+s30+$0x0], $0xffff  }
0x23b: {  	v13 =	vadd.s32 $0x60, v15;
	v31 =	vld.idx.msk [tilespmem:v28+s29+$0x0], $0xffff;
	v15 =	vmul.f32 v25, v20;
	v25 =	vmul.f32 v34, v7  }
0x23c: {  	v27 =	vadd.s32 $0x30, v16;
	v28 =	vadd.s32 $0x30, v32;
	v26 =	vadd.s32 $0x40, v16;
	v30 =	vld.idx.msk [tilespmem:v33+s29+$0x0], $0xffff  }
0x23d: {  	v20 =	vadd.s32 $0x50, v16;
	v16 =	vadd.s32 $0x60, v16;
	[tilespmem:v36+s31+$0x0] =	vst.idx.add.f32.msk $0xffff, v15;
	v63 =	vmul.f32 v19, v25  }
0x23e: {  	v25 =	vadd.s32 $0x40, v32;
	v19 =	vadd.s32 $0x50, v32;
	v36 =	vadd.s32 $0x40, v6;
	v34 =	vld.idx.msk [tilespmem:v37+s30+$0x0], $0xffff  }
0x23f: {  	s9 =	simm.s32 $0xDA50;
	v15 =	vadd.s32 $0x60, v32;
	v32 =	vmul.f32 v38, v1;
	v33 =	vld.idx.msk [tilespmem:v39+s29+$0x0], $0xffff;
	v35 =	vmul.f32 v35, v63  }
.LBB2_9:
0x240: {  	_ =	sdelay $0x1  }
0x241: {  	v38 =	vld [tilespmem:s9+$0x0]  }
0x242: {  	v36 =	vld.idx.msk [tilespmem:v36+s29+$0x0], $0xffff  }
0x243: {  	v39 =	vld [tilespmem:s9+$0xFFFFFFF0];
	s5 =	sadd.s32 $0x20, s5  }
0x244: {  	v42 =	vld [tilespmem:s5+$0x0];
	v31 =	vmul.f32 v31, v32  }
0x245: {  	s6 =	sadd.s32 $0x20, s6;
	v44 =	vld [tilespmem:s5+$0xFFFFFFF0];
	v60 =	vmul.f32 v34, v3  }
0x246: {  	s7 =	sadd.s32 $0x20, s7;
	v45 =	vld [tilespmem:s6+$0x0];
	v43 =	vmul.f32 v30, v31;
	v30 =	vadd.s32 $0x40, v2  }
0x247: {  	v46 =	vadd.s32 $0x50, v4;
	s8 =	sadd.s32 $0x20, s8;
	v47 =	vld [tilespmem:s7+$0x0];
	v31 =	vmul.f32 v33, v60  }
0x248: {  	v48 =	vld [tilespmem:s8+$0x0]  }
0x249: {  	v61 =	vadd.s32 $0x50, v5;
	v57 =	vld [tilespmem:s6+$0xFFFFFFF0];
	v31 =	vmul.f32 v36, v31  }
0x24a: {  	v51 =	vld.idx.msk [tilespmem:v38+s30+$0x0], $0xffff  }
0x24b: {  	v52 =	vadd.s32 $0x50, v6;
	[tilespmem:v30+s31+$0x0] =	vst.idx.add.f32.msk $0xffff, v31  }
0x24c: {  	v46 =	vld.idx.msk [tilespmem:v46+s30+$0x0], $0xffff  }
0x24d: {  	v55 =	vld.idx.msk [tilespmem:v42+s29+$0x0], $0xffff  }
0x24e: {  	[tilespmem:$0x1FFF0] =	vst v40;
	v32 =	vmovc v11;
	v11 =	vmov v10;
	v10 =	vmov v49;
	v40 =	vadd.s32 $0x10, v39;
	v49 =	vld.idx.msk [tilespmem:v61+s29+$0x0], $0xffff  }
0x24f: {  	v0 =	vadd.s32 $0x20, v39;
	v50 =	vadd.s32 $0x30, v39;
	v34 =	vadd.s32 $0x40, v39;
	v56 =	vld.idx.msk [tilespmem:v45+s29+$0x0], $0xffff  }
0x250: {  	v54 =	vadd.s32 $0x60, v39;
	v41 =	vadd.s32 $0x10, v44;
	v52 =	vld.idx.msk [tilespmem:v52+s29+$0x0], $0xffff;
	v51 =	vmul.f32 v51, v48  }
0x251: {  	v33 =	vadd.s32 $0x20, v44;
	v53 =	vadd.s32 $0x30, v44;
	v58 =	vld.idx.msk [tilespmem:v39+s30+$0x0], $0xffff;
	v62 =	vmul.f32 v46, v3  }
0x252: {  	v37 =	vadd.s32 $0x40, v44;
	v46 =	vld [tilespmem:s8+$0xFFFFFFF0];
	v51 =	vmul.f32 v55, v51;
	v55 =	vadd.s32 $0x50, v2  }
0x253: {  	v59 =	vld [tilespmem:s7+$0xFFFFFFF0];
	v36 =	vadd.s32 $0x60, v44;
	v31 =	vadd.s32 $0x50, v39;
	v39 =	vmul.f32 v49, v62  }
0x254: {  	v30 =	vadd.s32 $0x50, v44;
	v44 =	vld.idx.msk [tilespmem:v44+s29+$0x0], $0xffff;
	v49 =	vadd.s32 $0x60, v4;
	v4 =	vmovc v38;
	v63 =	vmul.f32 v56, v51  }
0x255: {  	[tilespmem:v29+s31+$0x0] =	vst.idx.add.f32.msk $0xffff, v35;
	v35 =	vadd.s32 $0x50, v57;
	v51 =	vadd.s32 $0x10, v4;
	v29 =	vmul.f32 v52, v39  }
0x256: {  	v56 =	vadd.s32 $0x10, v57;
	v52 =	vadd.s32 $0x60, v5;
	v5 =	vmovc v42;
	v39 =	vadd.s32 $0x20, v57;
	[tilespmem:v47+s31+$0x0] =	vst.idx.add.f32.msk $0xffff, v63  }
0x257: {  	v42 =	vadd.s32 $0x30, v57;
	v60 =	vadd.s32 $0x10, v5;
	v38 =	vmul.f32 v58, v46;
	[tilespmem:v55+s31+$0x0] =	vst.idx.add.f32.msk $0xffff, v29  }
0x258: {  	v58 =	vadd.s32 $0x40, v57;
	v55 =	vadd.s32 $0x60, v6;
	v6 =	vmovc v45;
	v45 =	vadd.s32 $0x60, v57;
	v57 =	vld.idx.msk [tilespmem:v57+s29+$0x0], $0xffff  }
0x259: {  	v61 =	vadd.s32 $0x10, v6;
	v49 =	vld.idx.msk [tilespmem:v49+s30+$0x0], $0xffff  }
0x25a: {  	v51 =	vld.idx.msk [tilespmem:v51+s30+$0x0], $0xffff  }
0x25b: {  	v52 =	vld.idx.msk [tilespmem:v52+s29+$0x0], $0xffff  }
0x25c: {  	v60 =	vld.idx.msk [tilespmem:v60+s29+$0x0], $0xffff  }
0x25d: {  	v55 =	vld.idx.msk [tilespmem:v55+s29+$0x0], $0xffff  }
0x25e: {  	v61 =	vld.idx.msk [tilespmem:v61+s29+$0x0], $0xffff;
	v49 =	vmul.f32 v49, v3;
	v3 =	vmov v48  }
0x25f: {  	v48 =	vmul.f32 v51, v3;
	v51 =	vld.idx.msk [tilespmem:v23+s30+$0x0], $0xffff  }
0x260: {  	v44 =	vmul.f32 v44, v38;
	v23 =	vmov v50;
	v50 =	vld.idx.msk [tilespmem:v24+s29+$0x0], $0xffff  }
0x261: {  	v9 =	vadd.s32 $0x60, v2;
	v2 =	vmovc v47;
	v24 =	vmov v53;
	v53 =	vld.idx.msk [tilespmem:v27+s29+$0x0], $0xffff;
	v49 =	vmul.f32 v52, v49  }
0x262: {  	v47 =	vadd.s32 $0x10, v2;
	v44 =	vmul.f32 v57, v44;
	[tilespmem:v12+s31+$0x0] =	vst.idx.add.f32.msk $0xffff, v43  }
0x263: {  	v48 =	vmul.f32 v60, v48;
	v60 =	vmul.f32 v55, v49;
	v55 =	vld.idx.msk [tilespmem:v10+s30+$0x0], $0xffff  }
0x264: {  	v8 =	vadd.s32 $0x50, v59;
	[tilespmem:v59+s31+$0x0] =	vst.idx.add.f32.msk $0xffff, v44  }
0x265: {  	v12 =	vmovc v19;
	v19 =	vmov v8;
	v52 =	vadd.s32 $0x20, v4;
	v8 =	vmul.f32 v61, v48;
	v40 =	vld.idx.msk [tilespmem:v40+s30+$0x0], $0xffff  }
0x266: {  	v61 =	vadd.s32 $0x20, v5;
	[tilespmem:v9+s31+$0x0] =	vst.idx.add.f32.msk $0xffff, v60  }
0x267: {  	v9 =	vmul.f32 v51, v7;
	[tilespmem:v47+s31+$0x0] =	vst.idx.add.f32.msk $0xffff, v8;
	v8 =	vadd.s32 $0x20, v6  }
0x268: {  	v41 =	vld.idx.msk [tilespmem:v41+s29+$0x0], $0xffff  }
0x269: {  	v60 =	vld.idx.msk [tilespmem:v56+s29+$0x0], $0xffff;
	v9 =	vmul.f32 v50, v9  }
0x26a: {  	v27 =	vmov v42;
	v42 =	vld.idx.msk [tilespmem:v52+s30+$0x0], $0xffff  }
0x26b: {  	[tilespmem:$0x1FFE0] =	vst v0;
	v0 =	vadd.s32 $0x40, v59;
	v43 =	vld.idx.msk [tilespmem:v61+s29+$0x0], $0xffff;
	v9 =	vmul.f32 v53, v9  }
0x26c: {  	v62 =	vadd.s32 $0x10, v59;
	v63 =	vadd.s32 $0x30, v59;
	v29 =	vadd.s32 $0x20, v59;
	v8 =	vld.idx.msk [tilespmem:v8+s29+$0x0], $0xffff  }
0x26d: {  	v38 =	vadd.s32 $0x60, v59;
	v59 =	vmul.f32 v55, v1;
	v1 =	vmovc v7;
	v7 =	vmov v46;
	[tilespmem:v28+s31+$0x0] =	vst.idx.add.f32.msk $0xffff, v9  }
0x26e: {  	v50 =	vmul.f32 v40, v7;
	v53 =	vld.idx.msk [tilespmem:v11+s29+$0x0], $0xffff  }
0x26f: {  	v42 =	vmul.f32 v42, v3;
	v48 =	vld.idx.msk [tilespmem:v21+s30+$0x0], $0xffff  }
0x270: {  	v61 =	vadd.s32 $0x20, v2;
	v21 =	vmov v34;
	v51 =	vld.idx.msk [tilespmem:v22+s29+$0x0], $0xffff;
	v34 =	vmul.f32 v41, v50  }
0x271: {  	v28 =	vmov v63;
	v63 =	vadd.s32 $0x30, v4;
	v52 =	vld.idx.msk [tilespmem:v26+s29+$0x0], $0xffff;
	v9 =	vmul.f32 v43, v42  }
0x272: {  	v56 =	vld.idx.msk [tilespmem:v32+s29+$0x0], $0xffff;
	v34 =	vmul.f32 v60, v34  }
0x273: {  	v26 =	vmovc v58;
	v8 =	vmul.f32 v8, v9;
	v9 =	vadd.s32 $0x30, v5;
	v58 =	vmul.f32 v53, v59;
	v59 =	vld [tilespmem:$0x1FFE0]  }
0x274: {  	[tilespmem:v62+s31+$0x0] =	vst.idx.add.f32.msk $0xffff, v34  }
0x275: {  	[tilespmem:v61+s31+$0x0] =	vst.idx.add.f32.msk $0xffff, v8;
	v8 =	vadd.s32 $0x30, v6  }
0x276: {  	v49 =	vmov v14;
	v14 =	vmov v54;
	v54 =	vld.idx.msk [tilespmem:v63+s30+$0x0], $0xffff  }
0x277: {  	v55 =	vmul.f32 v48, v1;
	v33 =	vld.idx.msk [tilespmem:v33+s29+$0x0], $0xffff  }
0x278: {  	v9 =	vld.idx.msk [tilespmem:v9+s29+$0x0], $0xffff  }
0x279: {  	v57 =	vmul.f32 v51, v55;
	v63 =	vld [tilespmem:$0x1FFF0]  }
0x27a: {  	v8 =	vld.idx.msk [tilespmem:v8+s29+$0x0], $0xffff  }
0x27b: {  	v10 =	vmovc v13;
	v13 =	vmov v36;
	v34 =	vmul.f32 v52, v57;
	v36 =	vmul.f32 v54, v3;
	v32 =	vld.idx.msk [tilespmem:v59+s30+$0x0], $0xffff  }
0x27c: {  	v60 =	vld.idx.msk [tilespmem:v39+s29+$0x0], $0xffff  }
0x27d: {  	v61 =	vadd.s32 $0x30, v2;
	[tilespmem:v25+s31+$0x0] =	vst.idx.add.f32.msk $0xffff, v34;
	v9 =	vmul.f32 v9, v36  }
0x27e: {  	s28 =	sadd.s32 $0x20, s28;
	v62 =	vadd.s32 $0x40, v4;
	v25 =	vmov v0;
	v0 =	vld.idx.msk [tilespmem:v18+s30+$0x0], $0xffff  }
0x27f: {  	p0 =	slt.u32 s28, $0x7E0;
	v40 =	vmul.f32 v56, v58;
	v18 =	vmovc v31;
	v31 =	vld.idx.msk [tilespmem:v17+s29+$0x0], $0xffff;
	v8 =	vmul.f32 v8, v9;
	v9 =	vadd.s32 $0x40, v5  }
.Ltmp6:
0x280: {  	v17 =	vmov v30;
	v30 =	vld.idx.msk [tilespmem:v20+s29+$0x0], $0xffff;
	v32 =	vmul.f32 v32, v7;
	(pc) =	sbr.rel @p0 .LBB2_9-.Ltmp6, $4  }
0x281: {  	[tilespmem:v63+s31+$0x0] =	vst.idx.add.f32.msk $0xffff, v40  }
0x282: {  	[tilespmem:v61+s31+$0x0] =	vst.idx.add.f32.msk $0xffff, v8;
	v8 =	vmul.f32 v33, v32  }
0x283: {  	v22 =	vmovc v37;
	v11 =	vmovc v16;
	v16 =	vmov v45;
	v20 =	vmov v35;
	v36 =	vadd.s32 $0x40, v6;
	v34 =	vld.idx.msk [tilespmem:v62+s30+$0x0], $0xffff  }
0x284: {  	s9 =	sadd.s32 $0x20, s9;
	v40 =	vmovc v15;
	v15 =	vmov v38;
	v32 =	vmul.f32 v0, v1;
	v33 =	vld.idx.msk [tilespmem:v9+s29+$0x0], $0xffff;
	v35 =	vmul.f32 v60, v8  }
0x285: {  	_ =	sdelay $0x3  }
0x286: {  	[tilespmem:v29+s31+$0x0] =	vst.idx.add.f32.msk $0xffff, v35  }
0x287: {  	v0 =	vld.idx.msk [tilespmem:v23+s30+$0x0], $0xffff;
	_ =	sdelay $0x1  }
0x288: {  	v8 =	vld.idx.msk [tilespmem:v24+s29+$0x0], $0xffff;
	_ =	sdelay $0x1  }
0x289: {  	v9 =	vld.idx.msk [tilespmem:v27+s29+$0x0], $0xffff  }
0x28a: {  	v0 =	vmul.f32 v0, v7;
	_ =	sdelay $0x1  }
0x28b: {  	v0 =	vmul.f32 v8, v0;
	_ =	sdelay $0x1  }
0x28c: {  	v0 =	vmul.f32 v9, v0  }
0x28d: {  	v8 =	vld.idx.msk [tilespmem:v36+s29+$0x0], $0xffff  }
0x28e: {  	v39 =	vmul.f32 v34, v3;
	[tilespmem:v28+s31+$0x0] =	vst.idx.add.f32.msk $0xffff, v0  }
0x28f: {  	v0 =	vadd.s32 $0x40, v2;
	v21 =	vld.idx.msk [tilespmem:v21+s30+$0x0], $0xffff  }
0x290: {  	v23 =	vadd.s32 $0x50, v4;
	v9 =	vmul.f32 v33, v39  }
0x291: {  	v22 =	vld.idx.msk [tilespmem:v22+s29+$0x0], $0xffff  }
0x292: {  	v41 =	vadd.s32 $0x50, v5;
	v8 =	vmul.f32 v8, v9  }
0x293: {  	v24 =	vld.idx.msk [tilespmem:v26+s29+$0x0], $0xffff  }
0x294: {  	[tilespmem:v0+s31+$0x0] =	vst.idx.add.f32.msk $0xffff, v8;
	v0 =	vadd.s32 $0x50, v6;
	v8 =	vmul.f32 v21, v7  }
0x295: {  	v21 =	vld.idx.msk [tilespmem:v23+s30+$0x0], $0xffff  }
0x296: {  	v8 =	vmul.f32 v22, v8  }
0x297: {  	v9 =	vld.idx.msk [tilespmem:v41+s29+$0x0], $0xffff  }
0x298: {  	v8 =	vmul.f32 v24, v8  }
0x299: {  	v0 =	vld.idx.msk [tilespmem:v0+s29+$0x0], $0xffff  }
0x29a: {  	v21 =	vmul.f32 v21, v3;
	[tilespmem:v25+s31+$0x0] =	vst.idx.add.f32.msk $0xffff, v8  }
0x29b: {  	v8 =	vadd.s32 $0x50, v2;
	v18 =	vld.idx.msk [tilespmem:v18+s30+$0x0], $0xffff  }
0x29c: {  	v4 =	vadd.s32 $0x60, v4;
	v9 =	vmul.f32 v9, v21  }
0x29d: {  	v5 =	vadd.s32 $0x60, v5;
	v17 =	vld.idx.msk [tilespmem:v17+s29+$0x0], $0xffff  }
0x29e: {  	v6 =	vadd.s32 $0x60, v6;
	v0 =	vmul.f32 v0, v9  }
0x29f: {  	v42 =	vld.idx.msk [tilespmem:v20+s29+$0x0], $0xffff  }
0x2a0: {  	v20 =	vmul.f32 v31, v32;
	[tilespmem:v8+s31+$0x0] =	vst.idx.add.f32.msk $0xffff, v0;
	v0 =	vmul.f32 v18, v7  }
0x2a1: {  	v4 =	vld.idx.msk [tilespmem:v4+s30+$0x0], $0xffff  }
0x2a2: {  	v8 =	vmul.f32 v30, v20;
	v5 =	vld.idx.msk [tilespmem:v5+s29+$0x0], $0xffff;
	v0 =	vmul.f32 v17, v0  }
0x2a3: {  	v6 =	vld.idx.msk [tilespmem:v6+s29+$0x0], $0xffff  }
0x2a4: {  	[tilespmem:v12+s31+$0x0] =	vst.idx.add.f32.msk $0xffff, v8;
	v0 =	vmul.f32 v42, v0  }
0x2a5: {  	v8 =	vld.idx.msk [tilespmem:v49+s30+$0x0], $0xffff  }
0x2a6: {  	[tilespmem:v19+s31+$0x0] =	vst.idx.add.f32.msk $0xffff, v0  }
0x2a7: {  	v0 =	vld.idx.msk [tilespmem:v14+s30+$0x0], $0xffff  }
0x2a8: {  	v43 =	vld.idx.msk [tilespmem:v10+s29+$0x0], $0xffff  }
0x2a9: {  	v44 =	vld.idx.msk [tilespmem:v13+s29+$0x0], $0xffff  }
0x2aa: {  	v3 =	vmul.f32 v4, v3;
	v4 =	vld.idx.msk [tilespmem:v11+s29+$0x0], $0xffff  }
0x2ab: {  	v2 =	vadd.s32 $0x60, v2;
	v1 =	vmul.f32 v8, v1;
	v8 =	vld.idx.msk [tilespmem:v16+s29+$0x0], $0xffff  }
0x2ac: {  	v3 =	vmul.f32 v5, v3;
	v0 =	vmul.f32 v0, v7  }
0x2ad: {  	v1 =	vmul.f32 v43, v1  }
0x2ae: {  	v3 =	vmul.f32 v6, v3;
	v0 =	vmul.f32 v44, v0  }
0x2af: {  	v1 =	vmul.f32 v4, v1  }
0x2b0: {  	[tilespmem:v2+s31+$0x0] =	vst.idx.add.f32.msk $0xffff, v3;
	v0 =	vmul.f32 v8, v0  }
0x2b1: {  	[tilespmem:v40+s31+$0x0] =	vst.idx.add.f32.msk $0xffff, v1  }
0x2b2: {  	s5 =	simm.s32 $0x11210;
	[tilespmem:v15+s31+$0x0] =	vst.idx.add.f32.msk $0xffff, v0  }
0x2b3: {  	s6 =	simm.s32 $0x10210;
	v6 =	vld [tilespmem:s5+$0x0]  }
0x2b4: {  	s7 =	simm.s32 $0x12210;
	v7 =	vld [tilespmem:s6+$0x0]  }
0x2b5: {  	s8 =	simm.s32 $0x13210;
	v4 =	vld [tilespmem:s7+$0x0]  }
0x2b6: {  	v5 =	vld [tilespmem:s8+$0x0];
	_ =	sdelay $0x2  }
0x2b7: {  	s9 =	simm.s32 $0x15210  }
0x2b8: {  	v2 =	vld [tilespmem:s9+$0x0]  }
0x2b9: {  	v0 =	vld.idx.msk [tilespmem:v6+s29+$0x0], $0xffff  }
0x2ba: {  	v3 =	vld.idx.msk [tilespmem:v7+s30+$0x0], $0xffff  }
0x2bb: {  	v8 =	vld.idx.msk [tilespmem:v4+s29+$0x0], $0xffff  }
0x2bc: {  	s10 =	simm.s32 $0x14210;
	v45 =	vld.idx.msk [tilespmem:v5+s29+$0x0], $0xffff  }
0x2bd: {  	v1 =	vld [tilespmem:s10+$0x0];
	_ =	sdelay $0x1  }
0x2be: {  	v3 =	vmul.f32 v3, v2;
	_ =	sdelay $0x1  }
0x2bf: {  	v46 =	vld [tilespmem:s6+$0xFFFFFFF0];
	v0 =	vmul.f32 v0, v3;
	v3 =	vmul.f32 v45, v8;
	v8 =	vadd.s32 $0x10, v6  }
0x2c0: {  	v12 =	vld [tilespmem:s5+$0xFFFFFFF0];
	v47 =	vadd.s32 $0x10, v7  }
0x2c1: {  	v15 =	vld [tilespmem:s7+$0xFFFFFFF0];
	v49 =	vadd.s32 $0x10, v5;
	v0 =	vmul.f32 v3, v0  }
0x2c2: {  	v48 =	vld [tilespmem:s8+$0xFFFFFFF0];
	v3 =	vadd.s32 $0x10, v4  }
0x2c3: {  	[tilespmem:v1+s31+$0x0] =	vst.idx.add.f32.msk $0xffff, v0  }
0x2c4: {  	v0 =	vld.idx.msk [tilespmem:v8+s29+$0x0], $0xffff  }
0x2c5: {  	v8 =	vld.idx.msk [tilespmem:v47+s30+$0x0], $0xffff  }
0x2c6: {  	v50 =	vld.idx.msk [tilespmem:v49+s29+$0x0], $0xffff  }
0x2c7: {  	v3 =	vld.idx.msk [tilespmem:v3+s29+$0x0], $0xffff  }
0x2c8: {  	v52 =	vld [tilespmem:s9+$0xFFFFFFF0]  }
0x2c9: {  	v13 =	vld.idx.msk [tilespmem:v46+s30+$0x0], $0xffff  }
0x2ca: {  	v14 =	vld.idx.msk [tilespmem:v12+s29+$0x0], $0xffff;
	v8 =	vmul.f32 v8, v2  }
0x2cb: {  	v18 =	vadd.s32 $0x10, v1;
	v54 =	vld.idx.msk [tilespmem:v15+s29+$0x0], $0xffff  }
0x2cc: {  	v19 =	vld.idx.msk [tilespmem:v48+s29+$0x0], $0xffff;
	v0 =	vmul.f32 v0, v8;
	v3 =	vmul.f32 v50, v3;
	v8 =	vadd.s32 $0x20, v6  }
0x2cd: {  	v29 =	vld [tilespmem:s10+$0xFFFFFFF0];
	v55 =	vadd.s32 $0x20, v7  }
0x2ce: {  	v20 =	vadd.s32 $0x20, v5;
	v0 =	vmul.f32 v3, v0  }
0x2cf: {  	v13 =	vmul.f32 v13, v52;
	v3 =	vadd.s32 $0x20, v4  }
0x2d0: {  	[tilespmem:v18+s31+$0x0] =	vst.idx.add.f32.msk $0xffff, v0  }
0x2d1: {  	v56 =	vadd.s32 $0x10, v12;
	v13 =	vmul.f32 v14, v13;
	v14 =	vmul.f32 v19, v54;
	v8 =	vld.idx.msk [tilespmem:v8+s29+$0x0], $0xffff  }
0x2d2: {  	v0 =	vadd.s32 $0x10, v46;
	v9 =	vld.idx.msk [tilespmem:v55+s30+$0x0], $0xffff  }
0x2d3: {  	v13 =	vmul.f32 v14, v13;
	v18 =	vadd.s32 $0x10, v15;
	v19 =	vld.idx.msk [tilespmem:v20+s29+$0x0], $0xffff  }
0x2d4: {  	v14 =	vadd.s32 $0x10, v48;
	v3 =	vld.idx.msk [tilespmem:v3+s29+$0x0], $0xffff  }
0x2d5: {  	[tilespmem:v29+s31+$0x0] =	vst.idx.add.f32.msk $0xffff, v13  }
0x2d6: {  	v13 =	vld.idx.msk [tilespmem:v56+s29+$0x0], $0xffff  }
0x2d7: {  	v0 =	vld.idx.msk [tilespmem:v0+s30+$0x0], $0xffff;
	v9 =	vmul.f32 v9, v2  }
0x2d8: {  	v57 =	vld.idx.msk [tilespmem:v18+s29+$0x0], $0xffff;
	v18 =	vadd.s32 $0x20, v1  }
0x2d9: {  	v58 =	vadd.s32 $0x30, v6;
	v14 =	vld.idx.msk [tilespmem:v14+s29+$0x0], $0xffff;
	v8 =	vmul.f32 v8, v9;
	v3 =	vmul.f32 v19, v3  }
0x2da: {  	v19 =	vadd.s32 $0x30, v7  }
0x2db: {  	v20 =	vadd.s32 $0x30, v5;
	v3 =	vmul.f32 v3, v8  }
0x2dc: {  	v8 =	vadd.s32 $0x30, v4;
	v0 =	vmul.f32 v0, v52  }
0x2dd: {  	v21 =	vadd.s32 $0x10, v29;
	[tilespmem:v18+s31+$0x0] =	vst.idx.add.f32.msk $0xffff, v3  }
0x2de: {  	v3 =	vadd.s32 $0x20, v46;
	v0 =	vmul.f32 v13, v0;
	v13 =	vmul.f32 v14, v57;
	v9 =	vld.idx.msk [tilespmem:v58+s29+$0x0], $0xffff  }
0x2df: {  	v14 =	vadd.s32 $0x20, v12;
	v59 =	vld.idx.msk [tilespmem:v19+s30+$0x0], $0xffff  }
0x2e0: {  	v18 =	vadd.s32 $0x20, v15;
	v19 =	vld.idx.msk [tilespmem:v20+s29+$0x0], $0xffff;
	v0 =	vmul.f32 v13, v0  }
0x2e1: {  	v13 =	vadd.s32 $0x20, v48;
	v8 =	vld.idx.msk [tilespmem:v8+s29+$0x0], $0xffff  }
0x2e2: {  	[tilespmem:v21+s31+$0x0] =	vst.idx.add.f32.msk $0xffff, v0  }
0x2e3: {  	v0 =	vld.idx.msk [tilespmem:v3+s30+$0x0], $0xffff  }
0x2e4: {  	v3 =	vld.idx.msk [tilespmem:v14+s29+$0x0], $0xffff;
	v14 =	vmul.f32 v59, v2  }
0x2e5: {  	v60 =	vld.idx.msk [tilespmem:v18+s29+$0x0], $0xffff;
	v18 =	vadd.s32 $0x30, v1  }
0x2e6: {  	v13 =	vld.idx.msk [tilespmem:v13+s29+$0x0], $0xffff;
	v9 =	vmul.f32 v9, v14;
	v8 =	vmul.f32 v19, v8;
	v14 =	vadd.s32 $0x40, v6  }
0x2e7: {  	v19 =	vadd.s32 $0x40, v7  }
0x2e8: {  	v20 =	vadd.s32 $0x40, v4;
	v8 =	vmul.f32 v8, v9  }
0x2e9: {  	v23 =	vadd.s32 $0x40, v5;
	v0 =	vmul.f32 v0, v52  }
0x2ea: {  	v27 =	vadd.s32 $0x30, v46;
	v26 =	vadd.s32 $0x20, v29;
	[tilespmem:v18+s31+$0x0] =	vst.idx.add.f32.msk $0xffff, v8  }
0x2eb: {  	v24 =	vadd.s32 $0x40, v12;
	v0 =	vmul.f32 v3, v0;
	v3 =	vmul.f32 v13, v60;
	v61 =	vld.idx.msk [tilespmem:v14+s29+$0x0], $0xffff  }
0x2ec: {  	v30 =	vadd.s32 $0x60, v46;
	v31 =	vadd.s32 $0x60, v12;
	v8 =	vadd.s32 $0x30, v12;
	v18 =	vld.idx.msk [tilespmem:v19+s30+$0x0], $0xffff  }
0x2ed: {  	v63 =	vadd.s32 $0x30, v48;
	v22 =	vadd.s32 $0x40, v48;
	v62 =	vld.idx.msk [tilespmem:v20+s29+$0x0], $0xffff;
	v0 =	vmul.f32 v3, v0  }
0x2ee: {  	p2 =	por $0x1, $0x1;
	v28 =	vadd.s32 $0x60, v48;
	v53 =	vadd.s32 $0x60, v29;
	v19 =	vadd.s32 $0x30, v15;
	v37 =	vld.idx.msk [tilespmem:v23+s29+$0x0], $0xffff  }
.Ltmp7:
0x2ef: {  	v41 =	vadd.s32 $0x40, v1;
	v42 =	vadd.s32 $0x50, v6;
	v54 =	vadd.s32 $0x50, v12;
	[tilespmem:v26+s31+$0x0] =	vst.idx.add.f32.msk $0xffff, v0;
	(pc) =	sbr.rel @!p2 .LBB2_11-.Ltmp7, $4  }
0x2f0: {  	v55 =	vadd.s32 $0x50, v15;
	v57 =	vadd.s32 $0x50, v46;
	v58 =	vadd.s32 $0x50, v48;
	v34 =	vld.idx.msk [tilespmem:v27+s30+$0x0], $0xffff  }
0x2f1: {  	v21 =	vadd.s32 $0x40, v15;
	v59 =	vadd.s32 $0x40, v29;
	v33 =	vld.idx.msk [tilespmem:v8+s29+$0x0], $0xffff;
	v0 =	vmul.f32 v18, v2  }
0x2f2: {  	v14 =	vadd.s32 $0x40, v46;
	v20 =	vadd.s32 $0x50, v29;
	v26 =	vadd.s32 $0x30, v29;
	v36 =	vld.idx.msk [tilespmem:v63+s29+$0x0], $0xffff  }
0x2f3: {  	p0 =	por $0x0, $0x0;
	p1 =	por $0x0, $0x0;
	s5 =	simm.s32 $0x11230;
	v27 =	vadd.s32 $0x60, v15;
	v35 =	vld.idx.msk [tilespmem:v19+s29+$0x0], $0xffff;
	v45 =	vmul.f32 v37, v62;
	v44 =	vmul.f32 v61, v0  }
0x2f4: {  	v32 =	vld [tilespmem:s5+$0x0];
	s6 =	simm.s32 $0x12230  }
0x2f5: {  	v0 =	vadd.s32 $0x50, v7;
	s7 =	simm.s32 $0x13230;
	v37 =	vld [tilespmem:s6+$0x0]  }
0x2f6: {  	v11 =	vadd.s32 $0x50, v4;
	s8 =	simm.s32 $0x10230;
	v8 =	vmul.f32 v45, v44;
	v39 =	vld [tilespmem:s7+$0x0]  }
0x2f7: {  	v16 =	vld [tilespmem:s8+$0xFFFFFFF0]  }
0x2f8: {  	v15 =	vadd.s32 $0x50, v5;
	[tilespmem:v41+s31+$0x0] =	vst.idx.add.f32.msk $0xffff, v8  }
0x2f9: {  	v8 =	vld.idx.msk [tilespmem:v42+s29+$0x0], $0xffff  }
0x2fa: {  	v0 =	vld.idx.msk [tilespmem:v0+s30+$0x0], $0xffff  }
0x2fb: {  	v17 =	vld.idx.msk [tilespmem:v11+s29+$0x0], $0xffff  }
0x2fc: {  	v11 =	vld [tilespmem:s8+$0x0]  }
0x2fd: {  	s15 =	simm.s32 $0x14230;
	v18 =	vld.idx.msk [tilespmem:v15+s29+$0x0], $0xffff  }
0x2fe: {  	s28 =	simm.s32 $0x15230;
	v29 =	vld [tilespmem:s15+$0x0]  }
0x2ff: {  	v38 =	vld [tilespmem:s28+$0x0]  }
0x300: {  	v60 =	vld [tilespmem:s28+$0xFFFFFFF0];
	v0 =	vmul.f32 v0, v2  }
0x301: {  	v62 =	vmul.f32 v36, v35;
	v36 =	vld [tilespmem:s15+$0xFFFFFFF0]  }
0x302: {  	v15 =	vld [tilespmem:s5+$0xFFFFFFF0];
	v0 =	vmul.f32 v8, v0;
	v8 =	vmul.f32 v18, v17  }
0x303: {  	v19 =	vadd.s32 $0x50, v1;
	v40 =	vld.idx.msk [tilespmem:v32+s29+$0x0], $0xffff  }
0x304: {  	v6 =	vadd.s32 $0x60, v6;
	v0 =	vmul.f32 v8, v0;
	v8 =	vld.idx.msk [tilespmem:v11+s30+$0x0], $0xffff  }
0x305: {  	v7 =	vadd.s32 $0x60, v7;
	v17 =	vld.idx.msk [tilespmem:v37+s29+$0x0], $0xffff  }
0x306: {  	v4 =	vadd.s32 $0x60, v4;
	v18 =	vld.idx.msk [tilespmem:v39+s29+$0x0], $0xffff  }
0x307: {  	v5 =	vadd.s32 $0x60, v5;
	v49 =	vld.idx.msk [tilespmem:v16+s30+$0x0], $0xffff  }
0x308: {  	[tilespmem:v19+s31+$0x0] =	vst.idx.add.f32.msk $0xffff, v0  }
0x309: {  	v0 =	vld.idx.msk [tilespmem:v6+s29+$0x0], $0xffff;
	v8 =	vmul.f32 v8, v38  }
0x30a: {  	v6 =	vld.idx.msk [tilespmem:v7+s30+$0x0], $0xffff  }
0x30b: {  	v7 =	vld.idx.msk [tilespmem:v4+s29+$0x0], $0xffff;
	v17 =	vmul.f32 v18, v17;
	v18 =	vadd.s32 $0x10, v32;
	v40 =	vmul.f32 v40, v8  }
0x30c: {  	v50 =	vadd.s32 $0x10, v11;
	v19 =	vld.idx.msk [tilespmem:v5+s29+$0x0], $0xffff  }
0x30d: {  	v51 =	vadd.s32 $0x10, v37;
	v5 =	vld [tilespmem:s6+$0xFFFFFFF0];
	v17 =	vmul.f32 v17, v40  }
0x30e: {  	v56 =	vadd.s32 $0x10, v39;
	v4 =	vld [tilespmem:s7+$0xFFFFFFF0]  }
0x30f: {  	[tilespmem:v29+s31+$0x0] =	vst.idx.add.f32.msk $0xffff, v17  }
0x310: {  	v17 =	vld.idx.msk [tilespmem:v18+s29+$0x0], $0xffff  }
0x311: {  	v18 =	vmul.f32 v34, v52;
	v61 =	vld.idx.msk [tilespmem:v50+s30+$0x0], $0xffff  }
0x312: {  	v40 =	vld.idx.msk [tilespmem:v51+s29+$0x0], $0xffff  }
0x313: {  	v63 =	vld.idx.msk [tilespmem:v56+s29+$0x0], $0xffff;
	v18 =	vmul.f32 v33, v18  }
0x314: {  	v43 =	vld.idx.msk [tilespmem:v15+s29+$0x0], $0xffff  }
0x315: {  	v45 =	vld.idx.msk [tilespmem:v5+s29+$0x0], $0xffff;
	v18 =	vmul.f32 v62, v18  }
0x316: {  	v46 =	vld.idx.msk [tilespmem:v4+s29+$0x0], $0xffff;
	v34 =	vmul.f32 v61, v38  }
0x317: {  	[tilespmem:v26+s31+$0x0] =	vst.idx.add.f32.msk $0xffff, v18;
	v18 =	vadd.s32 $0x10, v29  }
0x318: {  	v47 =	vadd.s32 $0x20, v32;
	v26 =	vmul.f32 v63, v40;
	v3 =	vld.idx.msk [tilespmem:v14+s30+$0x0], $0xffff;
	v17 =	vmul.f32 v17, v34  }
0x319: {  	v48 =	vadd.s32 $0x20, v11;
	v8 =	vld.idx.msk [tilespmem:v24+s29+$0x0], $0xffff  }
0x31a: {  	v50 =	vadd.s32 $0x20, v39;
	v25 =	vld.idx.msk [tilespmem:v21+s29+$0x0], $0xffff;
	v17 =	vmul.f32 v26, v17  }
0x31b: {  	v49 =	vmul.f32 v49, v60;
	v24 =	vld.idx.msk [tilespmem:v22+s29+$0x0], $0xffff;
	v26 =	vadd.s32 $0x20, v37  }
0x31c: {  	[tilespmem:v18+s31+$0x0] =	vst.idx.add.f32.msk $0xffff, v17  }
0x31d: {  	v33 =	vmul.f32 v46, v45;
	v17 =	vadd.s32 $0x10, v16;
	v18 =	vmul.f32 v43, v49;
	v34 =	vld.idx.msk [tilespmem:v47+s29+$0x0], $0xffff  }
0x31e: {  	v51 =	vadd.s32 $0x10, v15;
	v35 =	vld.idx.msk [tilespmem:v48+s30+$0x0], $0xffff  }
0x31f: {  	v2 =	vmul.f32 v6, v2;
	v6 =	vadd.s32 $0x10, v5;
	v41 =	vld.idx.msk [tilespmem:v50+s29+$0x0], $0xffff;
	v18 =	vmul.f32 v33, v18  }
0x320: {  	v56 =	vadd.s32 $0x10, v4;
	v21 =	vmul.f32 v3, v52;
	v26 =	vld.idx.msk [tilespmem:v26+s29+$0x0], $0xffff  }
0x321: {  	v1 =	vadd.s32 $0x60, v1;
	v0 =	vmul.f32 v0, v2;
	v2 =	vmul.f32 v19, v7;
	[tilespmem:v36+s31+$0x0] =	vst.idx.add.f32.msk $0xffff, v18  }
0x322: {  	v7 =	vmul.f32 v8, v21;
	v18 =	vmul.f32 v24, v25;
	v17 =	vld.idx.msk [tilespmem:v17+s30+$0x0], $0xffff  }
0x323: {  	v19 =	vld.idx.msk [tilespmem:v51+s29+$0x0], $0xffff;
	v21 =	vmul.f32 v35, v38  }
0x324: {  	v0 =	vmul.f32 v2, v0;
	v6 =	vld.idx.msk [tilespmem:v6+s29+$0x0], $0xffff;
	v2 =	vmul.f32 v18, v7;
	v7 =	vadd.s32 $0x20, v29  }
0x325: {  	v24 =	vadd.s32 $0x30, v32;
	v18 =	vld.idx.msk [tilespmem:v56+s29+$0x0], $0xffff;
	v21 =	vmul.f32 v34, v21;
	v22 =	vmul.f32 v41, v26  }
0x326: {  	[tilespmem:v1+s31+$0x0] =	vst.idx.add.f32.msk $0xffff, v0;
	v0 =	vadd.s32 $0x30, v11  }
0x327: {  	[tilespmem:v59+s31+$0x0] =	vst.idx.add.f32.msk $0xffff, v2;
	v2 =	vadd.s32 $0x30, v37;
	v1 =	vmul.f32 v22, v21  }
0x328: {  	v8 =	vld.idx.msk [tilespmem:v57+s30+$0x0], $0xffff;
	v13 =	vmul.f32 v17, v60;
	v17 =	vadd.s32 $0x30, v39  }
0x329: {  	v21 =	vadd.s32 $0x10, v36;
	[tilespmem:v7+s31+$0x0] =	vst.idx.add.f32.msk $0xffff, v1  }
0x32a: {  	v6 =	vmul.f32 v18, v6;
	v1 =	vadd.s32 $0x20, v16;
	v7 =	vmul.f32 v19, v13;
	v13 =	vld.idx.msk [tilespmem:v24+s29+$0x0], $0xffff  }
0x32b: {  	v18 =	vadd.s32 $0x20, v15;
	v0 =	vld.idx.msk [tilespmem:v0+s30+$0x0], $0xffff  }
0x32c: {  	v19 =	vadd.s32 $0x20, v5;
	v2 =	vld.idx.msk [tilespmem:v2+s29+$0x0], $0xffff;
	v6 =	vmul.f32 v6, v7  }
0x32d: {  	v7 =	vadd.s32 $0x20, v4;
	v17 =	vld.idx.msk [tilespmem:v17+s29+$0x0], $0xffff  }
0x32e: {  	[tilespmem:v21+s31+$0x0] =	vst.idx.add.f32.msk $0xffff, v6  }
0x32f: {  	v1 =	vld.idx.msk [tilespmem:v1+s30+$0x0], $0xffff  }
0x330: {  	v6 =	vld.idx.msk [tilespmem:v18+s29+$0x0], $0xffff;
	v0 =	vmul.f32 v0, v38  }
0x331: {  	v18 =	vld.idx.msk [tilespmem:v19+s29+$0x0], $0xffff;
	v19 =	vadd.s32 $0x30, v29  }
0x332: {  	v7 =	vld.idx.msk [tilespmem:v7+s29+$0x0], $0xffff;
	v0 =	vmul.f32 v13, v0;
	v2 =	vmul.f32 v17, v2;
	v13 =	vadd.s32 $0x40, v32  }
0x333: {  	v59 =	vld.idx.msk [tilespmem:v55+s29+$0x0], $0xffff;
	v17 =	vadd.s32 $0x40, v11  }
0x334: {  	v12 =	vadd.s32 $0x40, v39;
	v14 =	vld.idx.msk [tilespmem:v58+s29+$0x0], $0xffff;
	v0 =	vmul.f32 v2, v0  }
0x335: {  	v24 =	vld.idx.msk [tilespmem:v54+s29+$0x0], $0xffff;
	v2 =	vadd.s32 $0x40, v37;
	v1 =	vmul.f32 v1, v60  }
0x336: {  	v42 =	vadd.s32 $0x50, v32;
	v10 =	vadd.s32 $0x50, v16;
	v26 =	vadd.s32 $0x20, v36;
	[tilespmem:v19+s31+$0x0] =	vst.idx.add.f32.msk $0xffff, v0  }
0x337: {  	v61 =	vadd.s32 $0x30, v16;
	v0 =	vmul.f32 v6, v1;
	v1 =	vmul.f32 v7, v18;
	v6 =	vld.idx.msk [tilespmem:v13+s29+$0x0], $0xffff  }
0x338: {  	v9 =	vadd.s32 $0x50, v5;
	v62 =	vadd.s32 $0x30, v15;
	v3 =	vadd.s32 $0x50, v15;
	v7 =	vld.idx.msk [tilespmem:v17+s30+$0x0], $0xffff  }
0x339: {  	v22 =	vadd.s32 $0x40, v15;
	v19 =	vadd.s32 $0x30, v5;
	v63 =	vld.idx.msk [tilespmem:v12+s29+$0x0], $0xffff;
	v0 =	vmul.f32 v1, v0  }
0x33a: {  	v13 =	vadd.s32 $0x60, v15;
	v15 =	vmul.f32 v8, v52;
	v1 =	vld.idx.msk [tilespmem:v2+s29+$0x0], $0xffff;
	v2 =	vadd.s32 $0x30, v4  }
0x33b: {  	p2 =	por $0x1, $0x1;
	v40 =	vadd.s32 $0x50, v36;
	v43 =	vadd.s32 $0x40, v4;
	v25 =	vadd.s32 $0x40, v5;
	[tilespmem:v26+s31+$0x0] =	vst.idx.add.f32.msk $0xffff, v0  }
.Ltmp8:
0x33c: {  	v41 =	vadd.s32 $0x40, v29;
	v0 =	vmul.f32 v24, v15;
	v15 =	vmul.f32 v14, v59;
	v34 =	vld.idx.msk [tilespmem:v61+s30+$0x0], $0xffff;
	(pc) =	sbr.rel @!p2 .LBB2_13-.Ltmp8, $4  }
0x33d: {  	v21 =	vadd.s32 $0x40, v16;
	v16 =	vadd.s32 $0x60, v16;
	v18 =	vadd.s32 $0x60, v5;
	v33 =	vld.idx.msk [tilespmem:v62+s29+$0x0], $0xffff  }
0x33e: {  	v8 =	vadd.s32 $0x40, v36;
	v35 =	vld.idx.msk [tilespmem:v19+s29+$0x0], $0xffff;
	v0 =	vmul.f32 v15, v0;
	v5 =	vmul.f32 v7, v38  }
0x33f: {  	v12 =	vadd.s32 $0x50, v4;
	v17 =	vadd.s32 $0x60, v36;
	v26 =	vadd.s32 $0x30, v36;
	v36 =	vld.idx.msk [tilespmem:v2+s29+$0x0], $0xffff  }
0x340: {  	p0 =	por $0x1, $0x1;
	s7 =	simm.s32 $0x11250;
	v19 =	vadd.s32 $0x60, v4;
	v44 =	vmul.f32 v6, v5;
	v45 =	vmul.f32 v63, v1;
	[tilespmem:v20+s31+$0x0] =	vst.idx.add.f32.msk $0xffff, v0  }
0x341: {  	v6 =	vld [tilespmem:s7+$0x0]  }
0x342: {  	s28 =	simm.s32 $0x12250;
	v23 =	vld [tilespmem:s7+$0xFFFFFFF0]  }
0x343: {  	v0 =	vadd.s32 $0x50, v11;
	s5 =	simm.s32 $0x13250;
	v4 =	vld [tilespmem:s28+$0x0]  }
0x344: {  	v7 =	vadd.s32 $0x50, v39;
	s6 =	simm.s32 $0x10250;
	v1 =	vmul.f32 v45, v44;
	v5 =	vld [tilespmem:s5+$0x0]  }
0x345: {  	v24 =	vld [tilespmem:s6+$0xFFFFFFF0]  }
0x346: {  	v2 =	vadd.s32 $0x50, v37;
	[tilespmem:v41+s31+$0x0] =	vst.idx.add.f32.msk $0xffff, v1  }
0x347: {  	v41 =	vld.idx.msk [tilespmem:v42+s29+$0x0], $0xffff  }
0x348: {  	v0 =	vld.idx.msk [tilespmem:v0+s30+$0x0], $0xffff  }
0x349: {  	v54 =	vld.idx.msk [tilespmem:v7+s29+$0x0], $0xffff  }
0x34a: {  	v7 =	vld [tilespmem:s6+$0x0]  }
0x34b: {  	v51 =	vld.idx.msk [tilespmem:v2+s29+$0x0], $0xffff  }
0x34c: {  	s7 =	simm.s32 $0x14250;
	v59 =	vadd.s32 $0x60, v37;
	v37 =	vld [tilespmem:s28+$0xFFFFFFF0]  }
0x34d: {  	s8 =	simm.s32 $0x15250;
	v1 =	vld [tilespmem:s7+$0x0]  }
0x34e: {  	v2 =	vld [tilespmem:s8+$0x0];
	v0 =	vmul.f32 v0, v38  }
0x34f: {  	v55 =	vadd.s32 $0x50, v29;
	v46 =	vld.idx.msk [tilespmem:v6+s29+$0x0], $0xffff  }
0x350: {  	v32 =	vadd.s32 $0x60, v32;
	v57 =	vld.idx.msk [tilespmem:v4+s29+$0x0], $0xffff;
	v56 =	vmul.f32 v54, v51;
	v0 =	vmul.f32 v41, v0  }
0x351: {  	v11 =	vadd.s32 $0x60, v11;
	v58 =	vld.idx.msk [tilespmem:v5+s29+$0x0], $0xffff  }
0x352: {  	v61 =	vld.idx.msk [tilespmem:v7+s30+$0x0], $0xffff;
	v0 =	vmul.f32 v56, v0  }
0x353: {  	v62 =	vadd.s32 $0x60, v39;
	v54 =	vld.idx.msk [tilespmem:v23+s29+$0x0], $0xffff  }
0x354: {  	[tilespmem:v55+s31+$0x0] =	vst.idx.add.f32.msk $0xffff, v0  }
0x355: {  	v0 =	vld.idx.msk [tilespmem:v32+s29+$0x0], $0xffff  }
0x356: {  	v45 =	vld.idx.msk [tilespmem:v11+s30+$0x0], $0xffff  }
0x357: {  	v47 =	vld.idx.msk [tilespmem:v59+s29+$0x0], $0xffff;
	v11 =	vmul.f32 v61, v2  }
0x358: {  	v39 =	vld.idx.msk [tilespmem:v62+s29+$0x0], $0xffff  }
0x359: {  	v63 =	vadd.s32 $0x10, v6;
	v41 =	vld.idx.msk [tilespmem:v24+s30+$0x0], $0xffff;
	v42 =	vmul.f32 v58, v57;
	v46 =	vmul.f32 v46, v11  }
0x35a: {  	v48 =	vadd.s32 $0x10, v7;
	v55 =	vadd.s32 $0x60, v29;
	v29 =	vld [tilespmem:s7+$0xFFFFFFF0]  }
0x35b: {  	v49 =	vadd.s32 $0x10, v4;
	v32 =	vld [tilespmem:s5+$0xFFFFFFF0];
	v14 =	vmul.f32 v45, v38;
	v42 =	vmul.f32 v42, v46  }
0x35c: {  	v11 =	vld [tilespmem:s8+$0xFFFFFFF0]  }
0x35d: {  	v57 =	vadd.s32 $0x10, v5;
	v56 =	vmul.f32 v39, v47;
	v0 =	vmul.f32 v0, v14;
	[tilespmem:v1+s31+$0x0] =	vst.idx.add.f32.msk $0xffff, v42  }
0x35e: {  	v42 =	vld.idx.msk [tilespmem:v63+s29+$0x0], $0xffff  }
0x35f: {  	v34 =	vmul.f32 v34, v60;
	v58 =	vld.idx.msk [tilespmem:v48+s30+$0x0], $0xffff;
	v0 =	vmul.f32 v56, v0  }
0x360: {  	v61 =	vld.idx.msk [tilespmem:v49+s29+$0x0], $0xffff  }
0x361: {  	v59 =	vmul.f32 v36, v35;
	[tilespmem:v55+s31+$0x0] =	vst.idx.add.f32.msk $0xffff, v0;
	v0 =	vmul.f32 v33, v34  }
0x362: {  	v62 =	vld.idx.msk [tilespmem:v57+s29+$0x0], $0xffff  }
0x363: {  	v63 =	vld.idx.msk [tilespmem:v37+s29+$0x0], $0xffff;
	v0 =	vmul.f32 v59, v0  }
0x364: {  	v14 =	vld.idx.msk [tilespmem:v32+s29+$0x0], $0xffff  }
0x365: {  	[tilespmem:v26+s31+$0x0] =	vst.idx.add.f32.msk $0xffff, v0  }
0x366: {  	v0 =	vmul.f32 v58, v2;
	v21 =	vld.idx.msk [tilespmem:v21+s30+$0x0], $0xffff  }
0x367: {  	v26 =	vadd.s32 $0x10, v1;
	v22 =	vld.idx.msk [tilespmem:v22+s29+$0x0], $0xffff  }
0x368: {  	v46 =	vadd.s32 $0x20, v6;
	v34 =	vmul.f32 v62, v61;
	v25 =	vld.idx.msk [tilespmem:v25+s29+$0x0], $0xffff;
	v0 =	vmul.f32 v42, v0  }
0x369: {  	v47 =	vadd.s32 $0x20, v7;
	v48 =	vld.idx.msk [tilespmem:v43+s29+$0x0], $0xffff  }
0x36a: {  	v50 =	vadd.s32 $0x20, v5;
	v43 =	vld.idx.msk [tilespmem:v31+s29+$0x0], $0xffff;
	v0 =	vmul.f32 v34, v0  }
0x36b: {  	v49 =	vadd.s32 $0x20, v4;
	v42 =	vld.idx.msk [tilespmem:v30+s30+$0x0], $0xffff;
	v30 =	vmul.f32 v41, v11  }
0x36c: {  	[tilespmem:v26+s31+$0x0] =	vst.idx.add.f32.msk $0xffff, v0  }
0x36d: {  	v0 =	vadd.s32 $0x10, v24;
	v26 =	vmul.f32 v54, v30;
	v30 =	vmul.f32 v14, v63;
	v31 =	vld.idx.msk [tilespmem:v46+s29+$0x0], $0xffff  }
0x36e: {  	v51 =	vadd.s32 $0x10, v23;
	v54 =	vld.idx.msk [tilespmem:v47+s30+$0x0], $0xffff  }
0x36f: {  	v55 =	vadd.s32 $0x10, v37;
	v57 =	vld.idx.msk [tilespmem:v50+s29+$0x0], $0xffff;
	v26 =	vmul.f32 v30, v26  }
0x370: {  	v56 =	vadd.s32 $0x10, v32;
	v21 =	vmul.f32 v21, v60;
	v30 =	vld.idx.msk [tilespmem:v49+s29+$0x0], $0xffff  }
0x371: {  	[tilespmem:v29+s31+$0x0] =	vst.idx.add.f32.msk $0xffff, v26  }
0x372: {  	v21 =	vmul.f32 v22, v21;
	v22 =	vmul.f32 v48, v25;
	v0 =	vld.idx.msk [tilespmem:v0+s30+$0x0], $0xffff  }
0x373: {  	v25 =	vld.idx.msk [tilespmem:v51+s29+$0x0], $0xffff  }
0x374: {  	v21 =	vmul.f32 v22, v21;
	v22 =	vld.idx.msk [tilespmem:v55+s29+$0x0], $0xffff;
	v26 =	vmul.f32 v54, v2  }
0x375: {  	v59 =	vadd.s32 $0x20, v1;
	v58 =	vld.idx.msk [tilespmem:v56+s29+$0x0], $0xffff  }
0x376: {  	[tilespmem:v8+s31+$0x0] =	vst.idx.add.f32.msk $0xffff, v21;
	v30 =	vmul.f32 v57, v30;
	v26 =	vmul.f32 v31, v26;
	v31 =	vadd.s32 $0x30, v6  }
0x377: {  	v8 =	vadd.s32 $0x30, v7;
	v35 =	vld.idx.msk [tilespmem:v10+s30+$0x0], $0xffff  }
0x378: {  	v21 =	vadd.s32 $0x30, v4;
	v36 =	vld.idx.msk [tilespmem:v3+s29+$0x0], $0xffff;
	v10 =	vmul.f32 v30, v26  }
0x379: {  	v3 =	vadd.s32 $0x30, v5;
	v38 =	vld.idx.msk [tilespmem:v9+s29+$0x0], $0xffff;
	v0 =	vmul.f32 v0, v11  }
0x37a: {  	[tilespmem:v59+s31+$0x0] =	vst.idx.add.f32.msk $0xffff, v10  }
0x37b: {  	v9 =	vadd.s32 $0x10, v29;
	v0 =	vmul.f32 v25, v0;
	v25 =	vld.idx.msk [tilespmem:v31+s29+$0x0], $0xffff  }
0x37c: {  	v22 =	vmul.f32 v58, v22;
	v10 =	vadd.s32 $0x20, v24;
	v8 =	vld.idx.msk [tilespmem:v8+s30+$0x0], $0xffff  }
0x37d: {  	v26 =	vadd.s32 $0x20, v23;
	v21 =	vld.idx.msk [tilespmem:v21+s29+$0x0], $0xffff  }
0x37e: {  	v30 =	vadd.s32 $0x20, v37;
	v3 =	vld.idx.msk [tilespmem:v3+s29+$0x0], $0xffff;
	v0 =	vmul.f32 v22, v0  }
0x37f: {  	v34 =	vld.idx.msk [tilespmem:v12+s29+$0x0], $0xffff;
	v22 =	vadd.s32 $0x20, v32  }
0x380: {  	[tilespmem:v9+s31+$0x0] =	vst.idx.add.f32.msk $0xffff, v0  }
0x381: {  	v0 =	vld.idx.msk [tilespmem:v10+s30+$0x0], $0xffff;
	v10 =	vmul.f32 v8, v2  }
0x382: {  	v15 =	vadd.s32 $0x40, v24;
	v9 =	vld.idx.msk [tilespmem:v26+s29+$0x0], $0xffff  }
0x383: {  	v26 =	vadd.s32 $0x30, v1;
	v8 =	vld.idx.msk [tilespmem:v30+s29+$0x0], $0xffff;
	v3 =	vmul.f32 v3, v21;
	v10 =	vmul.f32 v25, v10  }
0x384: {  	v14 =	vadd.s32 $0x40, v6;
	v31 =	vld.idx.msk [tilespmem:v22+s29+$0x0], $0xffff;
	[tilespmem:$0x1FFB0] =	vst v15  }
0x385: {  	v12 =	vadd.s32 $0x40, v7;
	v41 =	vld.idx.msk [tilespmem:v27+s29+$0x0], $0xffff;
	v27 =	vmul.f32 v3, v10;
	v3 =	vadd.s32 $0x40, v23  }
0x386: {  	v44 =	vadd.s32 $0x40, v4;
	v20 =	vadd.s32 $0x50, v29;
	[tilespmem:$0x1FFC0] =	vst v3  }
0x387: {  	v39 =	vadd.s32 $0x30, v23;
	v61 =	vadd.s32 $0x40, v5;
	v0 =	vmul.f32 v0, v11;
	v28 =	vld.idx.msk [tilespmem:v28+s29+$0x0], $0xffff  }
0x388: {  	v33 =	vadd.s32 $0x30, v24;
	v62 =	vadd.s32 $0x20, v29;
	v63 =	vadd.s32 $0x30, v37;
	[tilespmem:v26+s31+$0x0] =	vst.idx.add.f32.msk $0xffff, v27  }
0x389: {  	v0 =	vmul.f32 v9, v0;
	v3 =	vmul.f32 v31, v8;
	v8 =	vadd.s32 $0x40, v37;
	v47 =	vld.idx.msk [tilespmem:v14+s29+$0x0], $0xffff  }
0x38a: {  	v55 =	vadd.s32 $0x50, v37;
	v54 =	vadd.s32 $0x50, v23;
	v57 =	vadd.s32 $0x50, v24;
	v50 =	vld.idx.msk [tilespmem:v12+s30+$0x0], $0xffff;
	[tilespmem:$0x1FFD0] =	vst v8  }
0x38b: {  	v58 =	vadd.s32 $0x50, v32;
	v59 =	vadd.s32 $0x40, v29;
	v0 =	vmul.f32 v3, v0;
	v51 =	vld.idx.msk [tilespmem:v44+s29+$0x0], $0xffff  }
0x38c: {  	v30 =	vadd.s32 $0x60, v24;
	v27 =	vmul.f32 v35, v60;
	v14 =	vadd.s32 $0x30, v32;
	v45 =	vld.idx.msk [tilespmem:v61+s29+$0x0], $0xffff  }
0x38d: {  	p2 =	por $0x1, $0x1;
	v21 =	vadd.s32 $0x40, v32;
	v25 =	vadd.s32 $0x30, v29;
	v3 =	vmul.f32 v42, v52;
	[tilespmem:v62+s31+$0x0] =	vst.idx.add.f32.msk $0xffff, v0  }
.Ltmp9:
0x38e: {  	v31 =	vadd.s32 $0x60, v23;
	v61 =	vmul.f32 v34, v38;
	v0 =	vmul.f32 v36, v27;
	v34 =	vld.idx.msk [tilespmem:v33+s30+$0x0], $0xffff;
	(pc) =	sbr.rel @!p2 .LBB2_15-.Ltmp9, $4  }
0x38f: {  	v42 =	vadd.s32 $0x50, v6;
	v3 =	vmul.f32 v43, v3;
	v62 =	vmul.f32 v28, v41;
	v33 =	vld.idx.msk [tilespmem:v39+s29+$0x0], $0xffff  }
0x390: {  	v28 =	vadd.s32 $0x60, v32;
	v35 =	vld.idx.msk [tilespmem:v63+s29+$0x0], $0xffff;
	v0 =	vmul.f32 v61, v0;
	v63 =	vmul.f32 v50, v2  }
0x391: {  	v22 =	vmovc v13;
	v32 =	vadd.s32 $0x60, v29;
	v41 =	vadd.s32 $0x40, v1;
	v36 =	vld.idx.msk [tilespmem:v14+s29+$0x0], $0xffff;
	v29 =	vmul.f32 v62, v3  }
0x392: {  	s9 =	simm.s32 $0x40;
	s10 =	simm.s32 $0x11270;
	p1 =	por $0x1, $0x1;
	v27 =	vadd.s32 $0x60, v37;
	v45 =	vmul.f32 v45, v51;
	v44 =	vmul.f32 v47, v63;
	[tilespmem:v40+s31+$0x0] =	vst.idx.add.f32.msk $0xffff, v0  }
.LBB2_16:
0x393: {  	v0 =	vld [tilespmem:s10+$0x0];
	s28 =	sadd.s32 $0x20, s28  }
0x394: {  	v37 =	vadd.s32 $0x50, v7;
	s5 =	sadd.s32 $0x20, s5;
	v23 =	vld [tilespmem:s28+$0x0];
	v38 =	vmul.f32 v45, v44  }
0x395: {  	v39 =	vadd.s32 $0x50, v4;
	v43 =	vld [tilespmem:s5+$0x0]  }
0x396: {  	v40 =	vadd.s32 $0x50, v5;
	[tilespmem:v41+s31+$0x0] =	vst.idx.add.f32.msk $0xffff, v38  }
0x397: {  	s6 =	sadd.s32 $0x20, s6;
	v13 =	vld.idx.msk [tilespmem:v42+s29+$0x0], $0xffff  }
0x398: {  	v56 =	vld [tilespmem:s6+$0x0]  }
0x399: {  	v14 =	vld.idx.msk [tilespmem:v37+s30+$0x0], $0xffff  }
0x39a: {  	v52 =	vld.idx.msk [tilespmem:v39+s29+$0x0], $0xffff  }
0x39b: {  	[tilespmem:$0x1FF60] =	vst v53;
	v34 =	vmul.f32 v34, v11;
	v53 =	vld.idx.msk [tilespmem:v40+s29+$0x0], $0xffff  }
0x39c: {  	v62 =	vld [tilespmem:s10+$0xFFFFFFF0]  }
0x39d: {  	s7 =	sadd.s32 $0x20, s7;
	v61 =	vld [tilespmem:s6+$0xFFFFFFF0];
	v33 =	vmul.f32 v33, v34;
	v12 =	vmul.f32 v36, v35  }
0x39e: {  	s8 =	sadd.s32 $0x20, s8;
	v44 =	vld [tilespmem:s7+$0x0];
	v36 =	vmul.f32 v14, v2  }
0x39f: {  	v63 =	vld [tilespmem:s8+$0x0];
	v48 =	vmul.f32 v12, v33;
	v12 =	vadd.s32 $0x50, v1  }
0x3a0: {  	v47 =	vadd.s32 $0x60, v6;
	v46 =	vld.idx.msk [tilespmem:v0+s29+$0x0], $0xffff;
	v33 =	vmul.f32 v53, v52;
	v35 =	vmul.f32 v13, v36  }
0x3a1: {  	v49 =	vadd.s32 $0x60, v7;
	v6 =	vmov v0;
	v0 =	vld.idx.msk [tilespmem:v23+s29+$0x0], $0xffff  }
0x3a2: {  	v50 =	vld.idx.msk [tilespmem:v43+s29+$0x0], $0xffff;
	v52 =	vadd.s32 $0x60, v4;
	v51 =	vmul.f32 v33, v35  }
0x3a3: {  	v4 =	vmov v23;
	v23 =	vld.idx.msk [tilespmem:v56+s30+$0x0], $0xffff;
	v13 =	vadd.s32 $0x60, v5  }
0x3a4: {  	[tilespmem:v12+s31+$0x0] =	vst.idx.add.f32.msk $0xffff, v51  }
0x3a5: {  	v47 =	vld.idx.msk [tilespmem:v47+s29+$0x0], $0xffff  }
0x3a6: {  	v49 =	vld.idx.msk [tilespmem:v49+s30+$0x0], $0xffff  }
0x3a7: {  	v52 =	vld.idx.msk [tilespmem:v52+s29+$0x0], $0xffff  }
0x3a8: {  	v37 =	vld.idx.msk [tilespmem:v13+s29+$0x0], $0xffff;
	v23 =	vmul.f32 v23, v63  }
0x3a9: {  	v8 =	vmov v57;
	v57 =	vld [tilespmem:s5+$0xFFFFFFF0]  }
0x3aa: {  	v39 =	vld.idx.msk [tilespmem:v62+s29+$0x0], $0xffff;
	v7 =	vmovc v56;
	v14 =	vadd.s32 $0x10, v6;
	v0 =	vmul.f32 v50, v0;
	v23 =	vmul.f32 v46, v23  }
0x3ab: {  	v38 =	vld.idx.msk [tilespmem:v61+s30+$0x0], $0xffff;
	v12 =	vadd.s32 $0x10, v7;
	v49 =	vmul.f32 v49, v2  }
0x3ac: {  	v3 =	vmov v20;
	v56 =	vld [tilespmem:s28+$0xFFFFFFF0];
	v0 =	vmul.f32 v0, v23;
	v23 =	vadd.s32 $0x60, v1  }
0x3ad: {  	[tilespmem:$0x1FFA0] =	vst v3;
	v40 =	vadd.s32 $0x10, v61;
	v50 =	vld [tilespmem:s8+$0xFFFFFFF0];
	v37 =	vmul.f32 v37, v52;
	v47 =	vmul.f32 v47, v49  }
0x3ae: {  	v34 =	vadd.s32 $0x20, v61;
	v3 =	vadd.s32 $0x30, v61;
	v53 =	vadd.s32 $0x40, v61;
	[tilespmem:v44+s31+$0x0] =	vst.idx.add.f32.msk $0xffff, v0  }
0x3af: {  	v5 =	vmovc v43;
	v43 =	vadd.s32 $0x50, v61;
	v51 =	vadd.s32 $0x60, v61;
	v61 =	vld.idx.msk [tilespmem:v14+s29+$0x0], $0xffff;
	v13 =	vmul.f32 v37, v47  }
0x3b0: {  	v26 =	vmov v58;
	v58 =	vld.idx.msk [tilespmem:v12+s30+$0x0], $0xffff  }
0x3b1: {  	[tilespmem:v23+s31+$0x0] =	vst.idx.add.f32.msk $0xffff, v13  }
0x3b2: {  	v23 =	vld [tilespmem:$0x1FFB0];
	_ =	sdelay $0x2  }
0x3b3: {  	v14 =	vmul.f32 v38, v50  }
0x3b4: {  	[tilespmem:$0x1FF70] =	vst v17;
	v17 =	vmov v29;
	v29 =	vmov v59;
	v59 =	vld [tilespmem:s7+$0xFFFFFFF0];
	v46 =	vadd.s32 $0x60, v57  }
0x3b5: {  	v2 =	vmovc v63;
	v52 =	vadd.s32 $0x10, v57;
	v63 =	vadd.s32 $0x40, v57;
	v15 =	vmul.f32 v39, v14;
	v14 =	vld.idx.msk [tilespmem:v56+s29+$0x0], $0xffff  }
0x3b6: {  	v1 =	vmovc v44;
	v44 =	vadd.s32 $0x20, v57;
	v37 =	vadd.s32 $0x30, v57;
	v13 =	vadd.s32 $0x50, v57;
	v57 =	vld.idx.msk [tilespmem:v57+s29+$0x0], $0xffff  }
0x3b7: {  	[tilespmem:v25+s31+$0x0] =	vst.idx.add.f32.msk $0xffff, v48  }
0x3b8: {  	v48 =	vld.idx.msk [tilespmem:v23+s30+$0x0], $0xffff;
	v23 =	vmov v53  }
0x3b9: {  	v24 =	vmov v60;
	v60 =	vadd.s32 $0x10, v4;
	[tilespmem:$0x1FFB0] =	vst v23;
	v23 =	vld [tilespmem:$0x1FFC0]  }
0x3ba: {  	v0 =	vadd.s32 $0x10, v5;
	_ =	sdelay $0x3  }
0x3bb: {  	v60 =	vld.idx.msk [tilespmem:v60+s29+$0x0], $0xffff  }
0x3bc: {  	v0 =	vld.idx.msk [tilespmem:v0+s29+$0x0], $0xffff  }
0x3bd: {  	v9 =	vadd.s32 $0x30, v59;
	v35 =	vmovc v18;
	v18 =	vmov v54;
	v54 =	vadd.s32 $0x40, v62  }
0x3be: {  	v25 =	vmov v9;
	v9 =	vmul.f32 v58, v2;
	v58 =	vld.idx.msk [tilespmem:v23+s29+$0x0], $0xffff;
	v23 =	vmov v54  }
0x3bf: {  	[tilespmem:$0x1FFC0] =	vst v23;
	v23 =	vld [tilespmem:$0x1FFD0]  }
0x3c0: {  	v53 =	vadd.s32 $0x10, v1  }
0x3c1: {  	v9 =	vmul.f32 v61, v9;
	v61 =	vadd.s32 $0x20, v7;
	v0 =	vmul.f32 v0, v60;
	_ =	sdelay $0x1  }
0x3c2: {  	v14 =	vmul.f32 v57, v14;
	v57 =	vld.idx.msk [tilespmem:v16+s30+$0x0], $0xffff;
	v0 =	vmul.f32 v0, v9  }
0x3c3: {  	v16 =	vld.idx.msk [tilespmem:v22+s29+$0x0], $0xffff;
	v9 =	vadd.s32 $0x20, v4  }
0x3c4: {  	v42 =	vadd.s32 $0x10, v62;
	[tilespmem:v53+s31+$0x0] =	vst.idx.add.f32.msk $0xffff, v0;
	v54 =	vadd.s32 $0x20, v6  }
0x3c5: {  	v41 =	vadd.s32 $0x50, v62;
	[tilespmem:$0x1FF80] =	vst v3;
	v3 =	vadd.s32 $0x30, v62;
	v0 =	vmul.f32 v48, v11;
	v48 =	vld.idx.msk [tilespmem:v61+s30+$0x0], $0xffff  }
0x3c6: {  	v36 =	vadd.s32 $0x20, v62;
	v33 =	vmovc v19;
	v19 =	vmovc v55;
	v55 =	vadd.s32 $0x60, v62;
	v62 =	vadd.s32 $0x40, v56;
	v60 =	vld.idx.msk [tilespmem:v23+s29+$0x0], $0xffff  }
0x3c7: {  	v23 =	vmov v62;
	v62 =	vld.idx.msk [tilespmem:v21+s29+$0x0], $0xffff;
	v21 =	vmov v63;
	v63 =	vadd.s32 $0x20, v5  }
0x3c8: {  	v14 =	vmul.f32 v14, v15;
	v9 =	vld.idx.msk [tilespmem:v9+s29+$0x0], $0xffff  }
0x3c9: {  	v49 =	vadd.s32 $0x10, v56;
	v15 =	vld.idx.msk [tilespmem:v54+s29+$0x0], $0xffff  }
0x3ca: {  	[tilespmem:v59+s31+$0x0] =	vst.idx.add.f32.msk $0xffff, v14  }
0x3cb: {  	v0 =	vmul.f32 v58, v0;
	v14 =	vld.idx.msk [tilespmem:v40+s30+$0x0], $0xffff  }
0x3cc: {  	[tilespmem:$0x1FFD0] =	vst v23;
	v23 =	vmov v30;
	v30 =	vmov v51;
	v51 =	vmul.f32 v62, v60;
	v53 =	vld.idx.msk [tilespmem:v63+s29+$0x0], $0xffff  }
0x3cd: {  	v40 =	vld.idx.msk [tilespmem:v42+s29+$0x0], $0xffff  }
0x3ce: {  	v42 =	vld.idx.msk [tilespmem:v49+s29+$0x0], $0xffff;
	v0 =	vmul.f32 v51, v0  }
0x3cf: {  	v48 =	vmul.f32 v48, v2;
	v49 =	vld.idx.msk [tilespmem:v52+s29+$0x0], $0xffff  }
0x3d0: {  	v60 =	vmov v11;
	v11 =	vmov v50;
	v50 =	vadd.s32 $0x20, v1;
	[tilespmem:v29+s31+$0x0] =	vst.idx.add.f32.msk $0xffff, v0  }
0x3d1: {  	v15 =	vmul.f32 v15, v48;
	v48 =	vadd.s32 $0x30, v6;
	v9 =	vmul.f32 v53, v9;
	v51 =	vld.idx.msk [tilespmem:v8+s30+$0x0], $0xffff  }
0x3d2: {  	v58 =	vmul.f32 v57, v24;
	v57 =	vmov v43;
	v0 =	vadd.s32 $0x30, v7;
	v43 =	vld.idx.msk [tilespmem:v19+s29+$0x0], $0xffff  }
0x3d3: {  	v63 =	vadd.s32 $0x30, v5;
	v8 =	vld [tilespmem:$0x1FF60];
	v9 =	vmul.f32 v9, v15  }
0x3d4: {  	[tilespmem:$0x1FF90] =	vst v3;
	v62 =	vadd.s32 $0x30, v4;
	v61 =	vmul.f32 v14, v11;
	v15 =	vld.idx.msk [tilespmem:v18+s29+$0x0], $0xffff  }
0x3d5: {  	v10 =	vadd.s32 $0x10, v59;
	v3 =	vadd.s32 $0x50, v56;
	v22 =	vmov v31;
	[tilespmem:v50+s31+$0x0] =	vst.idx.add.f32.msk $0xffff, v9  }
0x3d6: {  	v31 =	vmovc v55;
	v55 =	vmov v3;
	v3 =	vmul.f32 v40, v61;
	v9 =	vmul.f32 v49, v42;
	v53 =	vld.idx.msk [tilespmem:v48+s29+$0x0], $0xffff  }
0x3d7: {  	v0 =	vld.idx.msk [tilespmem:v0+s30+$0x0], $0xffff  }
0x3d8: {  	v45 =	vadd.s32 $0x20, v56;
	v61 =	vld.idx.msk [tilespmem:v63+s29+$0x0], $0xffff;
	v3 =	vmul.f32 v9, v3  }
0x3d9: {  	v9 =	vld.idx.msk [tilespmem:v62+s29+$0x0], $0xffff  }
0x3da: {  	[tilespmem:v10+s31+$0x0] =	vst.idx.add.f32.msk $0xffff, v3  }
0x3db: {  	v16 =	vmul.f32 v16, v58;
	v58 =	vmul.f32 v51, v60;
	v10 =	vld.idx.msk [tilespmem:v34+s30+$0x0], $0xffff  }
0x3dc: {  	v14 =	vld.idx.msk [tilespmem:v36+s29+$0x0], $0xffff  }
0x3dd: {  	v3 =	vmul.f32 v15, v58;
	v15 =	vld.idx.msk [tilespmem:v45+s29+$0x0], $0xffff;
	v0 =	vmul.f32 v0, v2  }
0x3de: {  	v62 =	vadd.s32 $0x30, v1;
	v34 =	vld.idx.msk [tilespmem:v44+s29+$0x0], $0xffff  }
0x3df: {  	v9 =	vmul.f32 v61, v9;
	v0 =	vmul.f32 v53, v0;
	_ =	sdelay $0x1  }
0x3e0: {  	v10 =	vmul.f32 v10, v11;
	v0 =	vmul.f32 v9, v0  }
0x3e1: {  	v39 =	vadd.s32 $0x20, v59;
	v48 =	vld.idx.msk [tilespmem:v26+s29+$0x0], $0xffff  }
0x3e2: {  	v10 =	vmul.f32 v14, v10;
	[tilespmem:v62+s31+$0x0] =	vst.idx.add.f32.msk $0xffff, v0;
	v0 =	vmul.f32 v34, v15  }
0x3e3: {  	v38 =	vadd.s32 $0x30, v56;
	v56 =	vadd.s32 $0x60, v56;
	v50 =	vld.idx.msk [tilespmem:v35+s29+$0x0], $0xffff  }
0x3e4: {  	v18 =	vmov v27;
	v27 =	vmov v56;
	v56 =	vld.idx.msk [tilespmem:v33+s29+$0x0], $0xffff;
	v0 =	vmul.f32 v0, v10  }
0x3e5: {  	[tilespmem:v8+s31+$0x0] =	vst.idx.add.f32.msk $0xffff, v17  }
0x3e6: {  	[tilespmem:v39+s31+$0x0] =	vst.idx.add.f32.msk $0xffff, v0  }
0x3e7: {  	v0 =	vld [tilespmem:$0x1FF80];
	_ =	sdelay $0x6  }
0x3e8: {  	v49 =	vadd.s32 $0x40, v7  }
0x3e9: {  	v34 =	vld.idx.msk [tilespmem:v0+s30+$0x0], $0xffff  }
0x3ea: {  	v63 =	vadd.s32 $0x40, v6;
	v0 =	vld [tilespmem:$0x1FF90];
	_ =	sdelay $0x2  }
0x3eb: {  	v58 =	vmov v13;
	v13 =	vld.idx.msk [tilespmem:v49+s30+$0x0], $0xffff  }
0x3ec: {  	v12 =	vadd.s32 $0x40, v59  }
0x3ed: {  	v20 =	vadd.s32 $0x50, v59;
	v47 =	vadd.s32 $0x60, v59;
	v59 =	vmov v12;
	v12 =	vld.idx.msk [tilespmem:v63+s29+$0x0], $0xffff;
	_ =	sdelay $0x1  }
0x3ee: {  	v61 =	vadd.s32 $0x40, v5  }
0x3ef: {  	v9 =	vadd.s32 $0x40, v4;
	v33 =	vld.idx.msk [tilespmem:v0+s29+$0x0], $0xffff;
	v0 =	vmul.f32 v13, v2;
	_ =	sdelay $0x1  }
0x3f0: {  	v44 =	vmul.f32 v12, v0;
	v0 =	vld [tilespmem:$0x1FFA0]  }
0x3f1: {  	v8 =	vld [tilespmem:$0x1FF70]  }
0x3f2: {  	s9 =	sadd.s32 $0x20, s9;
	v10 =	vld.idx.msk [tilespmem:v61+s29+$0x0], $0xffff  }
0x3f3: {  	p2 =	slt.u32 s9, $0xFE0;
	v9 =	vld.idx.msk [tilespmem:v9+s29+$0x0], $0xffff  }
.Ltmp10:
0x3f4: {  	v62 =	vmul.f32 v48, v43;
	(pc) =	sbr.rel @p2 .LBB2_16-.Ltmp10, $4  }
0x3f5: {  	v54 =	vmov v41  }
0x3f6: {  	v41 =	vadd.s32 $0x40, v1;
	v19 =	vmovc v28;
	v63 =	vmul.f32 v56, v50;
	v3 =	vmul.f32 v62, v3;
	v35 =	vld.idx.msk [tilespmem:v38+s29+$0x0], $0xffff  }
0x3f7: {  	v28 =	vmovc v46;
	v42 =	vadd.s32 $0x50, v6;
	v17 =	vmovc v32;
	v32 =	vmov v47;
	v53 =	vmov v8;
	v36 =	vld.idx.msk [tilespmem:v37+s29+$0x0], $0xffff  }
0x3f8: {  	s10 =	sadd.s32 $0x20, s10;
	v29 =	vmul.f32 v63, v16;
	v16 =	vmov v23;
	v45 =	vmul.f32 v10, v9;
	[tilespmem:v0+s31+$0x0] =	vst.idx.add.f32.msk $0xffff, v3  }
0x3f9: {  	v14 =	vld [tilespmem:$0x1FFB0]  }
0x3fa: {  	v37 =	vmovc v53;
	v46 =	vmovc v16;
	v47 =	vmov v22;
	v52 =	vmov v60;
	v48 =	vmov v18;
	v24 =	vld [tilespmem:$0x1FFC0]  }
0x3fb: {  	v50 =	vmovc v19;
	v49 =	vmovc v17;
	v53 =	vmov v32;
	v22 =	vmov v21;
	v21 =	vld [tilespmem:$0x1FFD0];
	v26 =	vmov v25  }
.LBB2_18:
0x3fc: {  	_ =	sdelay $0x1  }
0x3fd: {  	v3 =	vmul.f32 v45, v44;
	v9 =	vmul.f32 v34, v11;
	_ =	sdelay $0x1  }
0x3fe: {  	v40 =	vmul.f32 v36, v35;
	[tilespmem:v41+s31+$0x0] =	vst.idx.add.f32.msk $0xffff, v3;
	v3 =	vmul.f32 v33, v9;
	_ =	sdelay $0x1  }
0x3ff: {  	v3 =	vmul.f32 v40, v3  }
0x400: {  	v12 =	vld.idx.msk [tilespmem:v42+s29+$0x0], $0xffff  }
0x401: {  	[tilespmem:v26+s31+$0x0] =	vst.idx.add.f32.msk $0xffff, v3  }
0x402: {  	v3 =	vld.idx.msk [tilespmem:v14+s30+$0x0], $0xffff  }
0x403: {  	v42 =	vld.idx.msk [tilespmem:v24+s29+$0x0], $0xffff  }
0x404: {  	v13 =	vld.idx.msk [tilespmem:v21+s29+$0x0], $0xffff  }
0x405: {  	v0 =	vadd.s32 $0x50, v7;
	v43 =	vld.idx.msk [tilespmem:v22+s29+$0x0], $0xffff  }
0x406: {  	v8 =	vadd.s32 $0x50, v4  }
0x407: {  	v10 =	vadd.s32 $0x50, v5  }
0x408: {  	v3 =	vmul.f32 v3, v11;
	_ =	sdelay $0x1  }
0x409: {  	v0 =	vld.idx.msk [tilespmem:v0+s30+$0x0], $0xffff;
	v44 =	vmul.f32 v43, v13;
	v3 =	vmul.f32 v42, v3  }
0x40a: {  	v8 =	vld.idx.msk [tilespmem:v8+s29+$0x0], $0xffff  }
0x40b: {  	v41 =	vld.idx.msk [tilespmem:v10+s29+$0x0], $0xffff;
	v3 =	vmul.f32 v44, v3  }
0x40c: {  	v9 =	vld.idx.msk @p0 [tilespmem:v48+s29+$0x0], $0xffff  }
0x40d: {  	[tilespmem:v59+s31+$0x0] =	vst.idx.add.f32.msk $0xffff, v3  }
0x40e: {  	v0 =	vmul.f32 v0, v2;
	v45 =	vld.idx.msk [tilespmem:v57+s30+$0x0], $0xffff  }
0x40f: {  	v15 =	vadd.s32 $0x50, v1;
	v54 =	vld.idx.msk [tilespmem:v54+s29+$0x0], $0xffff  }
0x410: {  	v51 =	vadd.s32 $0x60, v4;
	v8 =	vmul.f32 v41, v8;
	v0 =	vmul.f32 v12, v0;
	v57 =	vld.idx.msk [tilespmem:v55+s29+$0x0], $0xffff  }
0x411: {  	v56 =	vadd.s32 $0x60, v5;
	v59 =	vld.idx.msk [tilespmem:v58+s29+$0x0], $0xffff  }
0x412: {  	v10 =	vld.idx.msk @p0 [tilespmem:v46+s30+$0x0], $0xffff;
	v0 =	vmul.f32 v8, v0  }
0x413: {  	v8 =	vld.idx.msk @p0 [tilespmem:v47+s29+$0x0], $0xffff;
	v3 =	vadd.s32 $0x60, v7  }
0x414: {  	[tilespmem:v15+s31+$0x0] =	vst.idx.add.f32.msk $0xffff, v0;
	v0 =	vadd.s32 $0x60, v6;
	v6 =	vmul.f32 v45, v11  }
0x415: {  	v4 =	vld.idx.msk [tilespmem:v51+s29+$0x0], $0xffff  }
0x416: {  	v5 =	vld.idx.msk [tilespmem:v56+s29+$0x0], $0xffff;
	v60 =	vmul.f32 v59, v57;
	v6 =	vmul.f32 v54, v6  }
0x417: {  	v7 =	vld.idx.msk @p0 [tilespmem:v50+s29+$0x0], $0xffff  }
0x418: {  	v3 =	vld.idx.msk [tilespmem:v3+s30+$0x0], $0xffff;
	v6 =	vmul.f32 v60, v6  }
0x419: {  	v0 =	vld.idx.msk [tilespmem:v0+s29+$0x0], $0xffff  }
0x41a: {  	[tilespmem:v20+s31+$0x0] =	vst.idx.add.f32.msk $0xffff, v6  }
0x41b: {  	v6 =	vld.idx.msk [tilespmem:v30+s30+$0x0], $0xffff  }
0x41c: {  	v61 =	vld.idx.msk [tilespmem:v31+s29+$0x0], $0xffff  }
0x41d: {  	v2 =	vmul.f32 v3, v2;
	v3 =	vld.idx.msk [tilespmem:v27+s29+$0x0], $0xffff  }
0x41e: {  	v10 =	vmul.f32 @p0 v10, v52;
	v62 =	vld.idx.msk [tilespmem:v28+s29+$0x0], $0xffff  }
0x41f: {  	v7 =	vmul.f32 @p0 v7, v9;
	v0 =	vmul.f32 v0, v2  }
0x420: {  	v1 =	vadd.s32 $0x60, v1;
	v2 =	vmul.f32 v5, v4;
	v4 =	vmul.f32 @p0 v8, v10;
	v5 =	vmovc @p0 v49  }
0x421: {  	v5 =	vpsel p0, v5, v0;
	v6 =	vmul.f32 v6, v11  }
0x422: {  	v0 =	vmul.f32 v2, v0;
	v2 =	vmul.f32 @p0 v7, v4  }
0x423: {  	v3 =	vmul.f32 v62, v3;
	v63 =	vmul.f32 v61, v6  }
0x424: {  	[tilespmem:v37+s31+$0x0] =	vst.idx.add.f32.msk @p1 $0xffff, v29  }
0x425: {  	[tilespmem:v1+s31+$0x0] =	vst.idx.add.f32.msk $0xffff, v0;
	v0 =	vpsel p0, v2, v0;
	v1 =	vmul.f32 v3, v63  }
0x426: {  	s0 =	sadd.s32 $0x1, s0;
	[tilespmem:v5+s31+$0x0] =	vst.idx.add.f32.msk @p0 $0xffff, v0  }
0x427: {  	s5 =	sadd.s32 s21, s26;
	p0 =	sne.s32 s0, $0x4;
	[tilespmem:v53+s31+$0x0] =	vst.idx.add.f32.msk $0xffff, v1  }
0x428: {  	[hbm4b:s5+s3] =	stream.linear.scatter [tilespmem:s31], [sflag:$0x1], $0x3800, $0x38;
	[tilespmem:$0x16200] =	vst v63  }
.Ltmp11:
0x429: {  	_ = 	snop;
	(pc) =	sbr.rel @p0 .LBB2_2-.Ltmp11, $4  }
.Ltmp12:
0x42a: {  	_ = 	snop;
	(pc) =	sbr.rel @!p0 .LBB2_19-.Ltmp12, $4  }
0x42b: {  	_ =	swait.ge [sflag:s25], $0x3800  }
0x42c: {  	[sflag:s25] =	ssyncset.done $0x0  }
0x42d: {  	v0 =	vimm.f32 $0.0e+00;
	[sflag:s25] =	ssyncadd.s32 $0xFFFFC800  }
0x42e: {  	_ = 	snop  }
.LBB2_11:
.Ltmp13:
0x42f: {  	(pc) =	sbr.rel .LBB2_18-.Ltmp13, $2  }
0x430: {  	_ =	sdelay $0x2  }
0x431: {  	v11 =	vmov v52  }
.LBB2_13:
0x432: {  	v46 =	vmov v30;
	v47 =	vmov v31  }
.Ltmp14:
0x433: {  	v48 =	vmovc v27;
	v50 =	vmovc v28;
	v49 =	vmov v53;
	v7 =	vmov v11;
	v20 =	vmov v40;
	(pc) =	sbr.rel .LBB2_18-.Ltmp14, $4  }
0x434: {  	v11 =	vmovc v60;
	v4 =	vmovc v37;
	v5 =	vmov v39;
	v2 =	vmov v38;
	v1 =	vmov v29  }
0x435: {  	v6 =	vmovc v32;
	v14 =	vmovc v21;
	v24 =	vmov v22;
	v21 =	vmov v25;
	v22 =	vmov v43  }
0x436: {  	v30 =	vmovc v16;
	v31 =	vmovc v13;
	v59 =	vmov v8;
	v57 =	vmov v10;
	v54 =	vmov v3  }
0x437: {  	v55 =	vmovc v9;
	v58 =	vmovc v12;
	v27 =	vmov v18;
	v28 =	vmov v19;
	v53 =	vmov v17  }
.LBB2_15:
.Ltmp15:
0x438: {  	(pc) =	sbr.rel .LBB2_18-.Ltmp15, $4  }
0x439: {  	_ = 	snop  }
0x43a: {  	v14 =	vld [tilespmem:$0x1FFB0]  }
0x43b: {  	v37 =	vmovc v53;
	v46 =	vmovc v16;
	v47 =	vmov v22;
	v52 =	vmov v60;
	v48 =	vmov v18;
	v24 =	vld [tilespmem:$0x1FFC0]  }
0x43c: {  	v50 =	vmovc v19;
	v49 =	vmovc v17;
	v53 =	vmov v32;
	v22 =	vmov v21;
	v21 =	vld [tilespmem:$0x1FFD0];
	v26 =	vmov v25  }
.LBB2_20:
0x43d: {  	_ =	sfence.sel $0x180000  }
0x43e: {  	[bflag:$0x0] =	sbarrier.arrive $0xFFFF  }
0x43f: {  	_ =	strace $0x90000047  }
0x440: {  	s0 =	stileid.u32;
	[bflag:$0x2] =	sbarrier.arrive $0xFFFF  }
0x441: {  	p0 =	sne.s32 s0, $0x0;
	s0 =	rddreg [dreg:$0x2]  }
0x442: {  	s0 =	sadd.s32 @!p0 $0x100000, s0  }
0x443: {  	[sflag:s0] =	ssyncadd.tile.s32 @!p0 $0x1;
	_ =	shalt  }
.Lfunc_end2:
_tile_overlayer_lowered:
.L_overlay_start_2:
0x444: {  	(tag) =	ssettag $0x2  }
0x445: {  	s0 =	rddreg [dreg:$0x0];
	s2 =	stileid.u32  }
0x446: {  	s1 =	rddreg [dreg:$0x1];
	p0 =	sne.s32 s2, $0x0  }
0x447: {  	s3 =	rddreg [dreg:$0x2];
	[bflag:$0x3] =	sbarrier.arrive $0xFFFF;
	s2 =	simm.s32 @!p0 $0x1C01  }
0x448: {  	[timem:s3], [sflag:s2] =	dma.local @!p0 [hbm:s0], s1  }
0x449: {  	s0 =	simm.s32 @!p0 $0x1  }
0x44a: {  	_ =	swait.ge @!p0 [sflag:s0], s1  }
0x44b: {  	s1 =	ssub.s32 @!p0 $0x0, s1;
	[sflag:s0] =	ssyncset.done @!p0 $0x0  }
0x44c: {  	[sflag:s0] =	ssyncadd.s32 @!p0 s1  }
0x44d: {  	[bflag:$0x3] =	sbarrier.arrive $0xFFFF  }
0x44e: {  	_ =	shalt  }

</sc_bundles>
